<compile_context>
chip_gen: v7x
topology: tpu7x:2x2x1
jax: 0.10.2.dev20260603
libtpu: 0.0.44.dev20260713+nightly
codegen_flags: <defaults>
</compile_context>

<pallas_src>
import functools

import jax
import jax.numpy as jnp
from jax import lax
from jax.experimental import pallas as pl
from jax.experimental.pallas import tpu as pltpu
from jax.experimental.pallas import tpu_sc as plsc

_SELF_W = 1.0 + 0.1

_NC = 2
_NS = 16
_NW = _NC * _NS


_CHUNK = 72
_NBUF = 4
_DUMMY = 16


def _segment_sum_partials(feat, srcp, dstp, chunks_pw):
    n, d = feat.shape
    n_acc = n + _DUMMY
    rblk = _CHUNK
    zfull = n_acc // rblk
    ztail = n_acc - zfull * rblk
    zit = -(-zfull // _NS)
    ofull = n // rblk
    otail = n - ofull * rblk
    oit = -(-ofull // _NS)
    assert ztail % 8 == 0 and otail % 8 == 0 and chunks_pw % _NBUF == 0

    mesh = plsc.VectorSubcoreMesh(core_axis_name="c", subcore_axis_name="s")

    @functools.partial(
        pl.kernel,
        out_type=jax.ShapeDtypeStruct((_NC, n, d), jnp.float32),
        mesh=mesh,
        scratch_types=[
            pltpu.VMEM((chunks_pw * _CHUNK,), jnp.int32),
            *[pltpu.VMEM((_CHUNK,), jnp.int32) for _ in range(_NBUF)],
            *[pltpu.VMEM((_CHUNK, d), jnp.float32) for _ in range(_NBUF)],
            pltpu.VMEM_SHARED((n_acc, d), jnp.float32),
            pltpu.SemaphoreType.DMA,
            pltpu.SemaphoreType.DMA,
            *[pltpu.SemaphoreType.DMA for _ in range(3 * _NBUF)],
        ],
    )
    def seg_kernel(feat_hbm, src_hbm, dst_hbm, out_hbm,
                   sidx, *rest):
        dbuf = rest[:_NBUF]
        rows = rest[_NBUF:2 * _NBUF]
        acc = rest[2 * _NBUF]
        psem = rest[2 * _NBUF + 1]
        zsem = rest[2 * _NBUF + 2]
        dsem = rest[2 * _NBUF + 3:2 * _NBUF + 3 + _NBUF]
        gsem = rest[2 * _NBUF + 3 + _NBUF:2 * _NBUF + 3 + 2 * _NBUF]
        ssem = rest[2 * _NBUF + 3 + 2 * _NBUF:]
        zbuf = rows[0]
        cid = lax.axis_index("c")
        sid = lax.axis_index("s")
        wid = sid * _NC + cid
        ebase = wid * (chunks_pw * _CHUNK)

        pltpu.async_copy(src_hbm.at[pl.ds(ebase, chunks_pw * _CHUNK)], sidx, psem)

        def sl(ref, i):
            return ref.at[pl.ds(i * _CHUNK, _CHUNK)]

        def dslice(i):
            return dst_hbm.at[pl.ds(ebase + i * _CHUNK, _CHUNK)]

        for b in range(_NBUF):
            pltpu.async_copy(dslice(b), dbuf[b], dsem[b])

        pltpu.make_async_copy(src_hbm.at[pl.ds(ebase, chunks_pw * _CHUNK)],
                              sidx, psem).wait()
        for b in range(1, _NBUF):
            pltpu.async_copy(feat_hbm.at[sl(sidx, b)], rows[b], gsem[b])

        @pl.loop(0, rblk)
        def _(r):
            @pl.loop(0, d, step=16)
            def _(c0):
                zbuf.at[r, pl.ds(c0, 16)][...] = jnp.zeros((16,), jnp.float32)

        for z in range(zit):
            blk = sid + z * _NS

            @pl.when(blk < zfull)
            def _():
                pltpu.async_copy(zbuf, acc.at[pl.ds(blk * rblk, rblk)], zsem)

        if ztail:
            @pl.when(sid == 0)
            def _():
                pltpu.async_copy(zbuf.at[pl.ds(0, ztail)],
                                 acc.at[pl.ds(zfull * rblk, ztail)], zsem)

        for z in range(zit):
            blk = sid + z * _NS

            @pl.when(blk < zfull)
            def _():
                pltpu.make_async_copy(
                    zbuf, acc.at[pl.ds(blk * rblk, rblk)], zsem).wait()

        if ztail:
            @pl.when(sid == 0)
            def _():
                pltpu.make_async_copy(
                    zbuf.at[pl.ds(0, ztail)],
                    acc.at[pl.ds(zfull * rblk, ztail)], zsem).wait()

        pltpu.async_copy(feat_hbm.at[sl(sidx, 0)], rows[0], gsem[0])
        plsc.subcore_barrier()

        @pl.loop(0, chunks_pw - _NBUF, step=_NBUF)
        def _(g):
            for b in range(_NBUF):
                i = g + b
                pltpu.make_async_copy(dslice(i), dbuf[b], dsem[b]).wait()
                pltpu.make_async_copy(feat_hbm.at[sl(sidx, i)], rows[b],
                                      gsem[b]).wait()
                pltpu.async_copy(rows[b], acc.at[dbuf[b]], ssem[b],
                                 add=True)
                pltpu.make_async_copy(rows[b], acc.at[dbuf[b]],
                                      ssem[b]).wait()
                pltpu.async_copy(feat_hbm.at[sl(sidx, i + _NBUF)], rows[b],
                                 gsem[b])
                pltpu.async_copy(dslice(i + _NBUF), dbuf[b], dsem[b])

        for b in range(_NBUF):
            i = chunks_pw - _NBUF + b
            pltpu.make_async_copy(dslice(i), dbuf[b], dsem[b]).wait()
            pltpu.make_async_copy(feat_hbm.at[sl(sidx, i)], rows[b],
                                  gsem[b]).wait()
            pltpu.sync_copy(rows[b], acc.at[dbuf[b]], add=True)

        plsc.subcore_barrier()

        for z in range(oit):
            blk = sid + z * _NS

            @pl.when(blk < ofull)
            def _():
                pltpu.async_copy(acc.at[pl.ds(blk * rblk, rblk)],
                                 out_hbm.at[cid, pl.ds(blk * rblk, rblk)], zsem)

        if otail:
            @pl.when(sid == 0)
            def _():
                pltpu.async_copy(acc.at[pl.ds(ofull * rblk, otail)],
                                 out_hbm.at[cid, pl.ds(ofull * rblk, otail)],
                                 zsem)

        for z in range(oit):
            blk = sid + z * _NS

            @pl.when(blk < ofull)
            def _():
                pltpu.make_async_copy(
                    acc.at[pl.ds(blk * rblk, rblk)],
                    out_hbm.at[cid, pl.ds(blk * rblk, rblk)], zsem).wait()

        if otail:
            @pl.when(sid == 0)
            def _():
                pltpu.make_async_copy(
                    acc.at[pl.ds(ofull * rblk, otail)],
                    out_hbm.at[cid, pl.ds(ofull * rblk, otail)], zsem).wait()

    return seg_kernel(feat, srcp, dstp)


def _tc_mid(p, x, w1, w2):
    n = x.shape[0]
    dn = w2.shape[1]

    def body(p_ref, x_ref, w1_ref, w2_ref, o_ref):
        a = p_ref[0] + p_ref[1] + _SELF_W * x_ref[...]
        h = jnp.maximum(jnp.dot(a, w1_ref[...],
                                preferred_element_type=jnp.float32), 0.0)
        o_ref[...] = jnp.dot(h, w2_ref[...],
                             preferred_element_type=jnp.float32)

    return pl.pallas_call(
        body,
        out_shape=jax.ShapeDtypeStruct((n, dn), jnp.float32),
    )(p, x, w1, w2)


def _tc_final(p, hw, dn):
    n = hw.shape[0]

    def body(p_ref, hw_ref, o_ref):
        o_ref[...] = (p_ref[0] + p_ref[1] + _SELF_W * hw_ref[...])[:, :dn]

    return pl.pallas_call(
        body,
        out_shape=jax.ShapeDtypeStruct((n, dn), jnp.float32),
    )(p, hw)


def _pad_edges(src, dst, n):
    e = src.shape[0]
    chunks_pw = -(-e // (_CHUNK * _NW))
    chunks_pw = -(-chunks_pw // _NBUF) * _NBUF
    e_pad = chunks_pw * _CHUNK * _NW
    pad = e_pad - e
    if pad:
        ar = jnp.arange(pad, dtype=jnp.int32)
        src = jnp.concatenate([src, ar % n])
        dst = jnp.concatenate([dst, n + ar % _DUMMY])
    return src, dst, chunks_pw


def kernel(x, edge_index, W1, W2):
    src = edge_index[0]
    dst = edge_index[1]
    n = x.shape[0]
    dn = W2.shape[1]
    if dn < 128:
        W2 = jnp.pad(W2, ((0, 0), (0, 128 - dn)))
    srcp, dstp, chunks_pw = _pad_edges(src, dst, n)
    p1 = _segment_sum_partials(x, srcp, dstp, chunks_pw)
    hw = _tc_mid(p1, x, W1, W2)
    p2 = _segment_sum_partials(hw, srcp, dstp, chunks_pw)
    return _tc_final(p2, hw, dn)

# --- scband reference (transcript-rebuilt; emitter-appended) ---
"""Pipeline reference for scband-gin-22428319220138 (READ-ONLY COPY).

The authoritative reference and input builder live on the scoring server;
editing this copy changes nothing except your own understanding.
"""

import jax, jax.numpy as jnp
import numpy as np

N = 10000
E = 320000
D_FEAT = 128
HIDDEN = 128
NUM_CLASSES = 64
EPS = 0.1


def setup_inputs(seed: int = 0) -> dict:
    key = jax.random.key(seed)
    k1, k2, k3, k4 = jax.random.split(key, 4)
    x = jax.random.normal(k1, (N, D_FEAT), dtype=jnp.float32)
    edge_index = jax.random.randint(k2, (2, E), 0, N)
    W1 = jax.random.normal(k3, (D_FEAT, HIDDEN), dtype=jnp.float32) * (1.0 / np.sqrt(D_FEAT))
    W2 = jax.random.normal(k4, (HIDDEN, NUM_CLASSES), dtype=jnp.float32) * (1.0 / np.sqrt(HIDDEN))
    return {"x": x, "edge_index": edge_index, "W1": W1, "W2": W2}


def reference(x, edge_index, W1, W2):
    # GIN layer: x <- Dense((A + (1+eps)I) @ x), relu between hidden layers.
    src = edge_index[0]
    dst = edge_index[1]
    n = x.shape[0]

    def agg(h):
        # (A + (1+eps)I) @ h : scatter-add of neighbor features + scaled self loop
        neigh = jax.ops.segment_sum(h[src], dst, num_segments=n)
        return neigh + (1.0 + EPS) * h

    # hidden layer (Dense no bias) + relu
    h = agg(x) @ W1
    h = jax.nn.relu(h)
    # output layer (Dense no bias), no relu on last layer
    out = agg(h) @ W2
    return out

if __name__ == "__main__":
    import jax
    _d = setup_inputs()
    print(jax.jit(kernel)(*tuple(_d.values())))

</pallas_src>

<mosaic_0001>
#map = affine_map<(d0, d1) -> (0, 0)>
#map1 = affine_map<(d0, d1) -> (0)>
#map2 = affine_map<(d0, d1) -> (0, 0, 0)>
module attributes {stable_mosaic.version = 14 : i64} {
  func.func @seg_kernel(%arg0: i32, %arg1: i32, %arg2: memref<10000x128xf32, #tpu.memory_space<hbm>>, %arg3: memref<322560xi32, #tpu.memory_space<hbm>>, %arg4: memref<322560xi32, #tpu.memory_space<hbm>>, %arg5: memref<2x10000x128xf32, #tpu.memory_space<hbm>>, %arg6: memref<10080xi32, #tpu.memory_space<vmem>>, %arg7: memref<72xi32, #tpu.memory_space<vmem>>, %arg8: memref<72xi32, #tpu.memory_space<vmem>>, %arg9: memref<72xi32, #tpu.memory_space<vmem>>, %arg10: memref<72xi32, #tpu.memory_space<vmem>>, %arg11: memref<72x128xf32, #tpu.memory_space<vmem>>, %arg12: memref<72x128xf32, #tpu.memory_space<vmem>>, %arg13: memref<72x128xf32, #tpu.memory_space<vmem>>, %arg14: memref<72x128xf32, #tpu.memory_space<vmem>>, %arg15: memref<10016x128xf32, #tpu.memory_space<vmem_shared>>, %arg16: memref<!tpu.dma_semaphore, #tpu.memory_space<semaphore_mem>>, %arg17: memref<!tpu.dma_semaphore, #tpu.memory_space<semaphore_mem>>, %arg18: memref<!tpu.dma_semaphore, #tpu.memory_space<semaphore_mem>>, %arg19: memref<!tpu.dma_semaphore, #tpu.memory_space<semaphore_mem>>, %arg20: memref<!tpu.dma_semaphore, #tpu.memory_space<semaphore_mem>>, %arg21: memref<!tpu.dma_semaphore, #tpu.memory_space<semaphore_mem>>, %arg22: memref<!tpu.dma_semaphore, #tpu.memory_space<semaphore_mem>>, %arg23: memref<!tpu.dma_semaphore, #tpu.memory_space<semaphore_mem>>, %arg24: memref<!tpu.dma_semaphore, #tpu.memory_space<semaphore_mem>>, %arg25: memref<!tpu.dma_semaphore, #tpu.memory_space<semaphore_mem>>, %arg26: memref<!tpu.dma_semaphore, #tpu.memory_space<semaphore_mem>>, %arg27: memref<!tpu.dma_semaphore, #tpu.memory_space<semaphore_mem>>, %arg28: memref<!tpu.dma_semaphore, #tpu.memory_space<semaphore_mem>>, %arg29: memref<!tpu.dma_semaphore, #tpu.memory_space<semaphore_mem>>) attributes {dimension_semantics = [#tpu.dimension_semantics<core_parallel>, #tpu.dimension_semantics<subcore_parallel>], iteration_bounds = array<i64: 2, 16>, scalar_prefetch = 0 : i64, scratch_operands = 24 : i64, tpu.core_type = #tpu.core_type<sc_vector_subcore>, window_params = [{transform_indices = #map}, {transform_indices = #map1}, {transform_indices = #map1}, {transform_indices = #map2}]} {
    %mul3A = arith.constant 2 : i32
    %mul3A_0 = arith.muli %arg1, %mul3A : i32
    %add3A = arith.addi %mul3A_0, %arg0 : i32
    %mul3A_1 = arith.constant 10080 : i32
    %mul3A_2 = arith.muli %add3A, %mul3A_1 : i32
    %dma_start3A = tpu.memref_slice %arg3[%mul3A_2] : memref<322560xi32, #tpu.memory_space<hbm>> -> memref<10080xi32, #tpu.memory_space<hbm>>
    %dma_start3A_3 = tpu.memref_slice %arg3[%mul3A_2] : memref<322560xi32, #tpu.memory_space<hbm>> -> memref<10080xi32, #tpu.memory_space<hbm>>
    tpu.enqueue_dma source(%dma_start3A_3 : memref<10080xi32, #tpu.memory_space<hbm>>) target(%arg6 : memref<10080xi32, #tpu.memory_space<vmem>>) target_semaphore(%arg16 : memref<!tpu.dma_semaphore, #tpu.memory_space<semaphore_mem>>)
    %add3A_4 = arith.constant 0 : i32
    %add3A_5 = arith.addi %mul3A_2, %add3A_4 : i32
    %dma_start3A_6 = tpu.memref_slice %arg4[%add3A_5] : memref<322560xi32, #tpu.memory_space<hbm>> -> memref<72xi32, #tpu.memory_space<hbm>>
    %dma_start3A_7 = tpu.memref_slice %arg4[%add3A_5] : memref<322560xi32, #tpu.memory_space<hbm>> -> memref<72xi32, #tpu.memory_space<hbm>>
    tpu.enqueue_dma source(%dma_start3A_7 : memref<72xi32, #tpu.memory_space<hbm>>) target(%arg7 : memref<72xi32, #tpu.memory_space<vmem>>) target_semaphore(%arg18 : memref<!tpu.dma_semaphore, #tpu.memory_space<semaphore_mem>>)
    %add3A_8 = arith.constant 72 : i32
    %add3A_9 = arith.addi %mul3A_2, %add3A_8 : i32
    %dma_start3A_10 = tpu.memref_slice %arg4[%add3A_9] : memref<322560xi32, #tpu.memory_space<hbm>> -> memref<72xi32, #tpu.memory_space<hbm>>
    %dma_start3A_11 = tpu.memref_slice %arg4[%add3A_9] : memref<322560xi32, #tpu.memory_space<hbm>> -> memref<72xi32, #tpu.memory_space<hbm>>
    tpu.enqueue_dma source(%dma_start3A_11 : memref<72xi32, #tpu.memory_space<hbm>>) target(%arg8 : memref<72xi32, #tpu.memory_space<vmem>>) target_semaphore(%arg19 : memref<!tpu.dma_semaphore, #tpu.memory_space<semaphore_mem>>)
    %add3A_12 = arith.constant 144 : i32
    %add3A_13 = arith.addi %mul3A_2, %add3A_12 : i32
    %dma_start3A_14 = tpu.memref_slice %arg4[%add3A_13] : memref<322560xi32, #tpu.memory_space<hbm>> -> memref<72xi32, #tpu.memory_space<hbm>>
    %dma_start3A_15 = tpu.memref_slice %arg4[%add3A_13] : memref<322560xi32, #tpu.memory_space<hbm>> -> memref<72xi32, #tpu.memory_space<hbm>>
    tpu.enqueue_dma source(%dma_start3A_15 : memref<72xi32, #tpu.memory_space<hbm>>) target(%arg9 : memref<72xi32, #tpu.memory_space<vmem>>) target_semaphore(%arg20 : memref<!tpu.dma_semaphore, #tpu.memory_space<semaphore_mem>>)
    %add3A_16 = arith.constant 216 : i32
    %add3A_17 = arith.addi %mul3A_2, %add3A_16 : i32
    %dma_start3A_18 = tpu.memref_slice %arg4[%add3A_17] : memref<322560xi32, #tpu.memory_space<hbm>> -> memref<72xi32, #tpu.memory_space<hbm>>
    %dma_start3A_19 = tpu.memref_slice %arg4[%add3A_17] : memref<322560xi32, #tpu.memory_space<hbm>> -> memref<72xi32, #tpu.memory_space<hbm>>
    tpu.enqueue_dma source(%dma_start3A_19 : memref<72xi32, #tpu.memory_space<hbm>>) target(%arg10 : memref<72xi32, #tpu.memory_space<vmem>>) target_semaphore(%arg21 : memref<!tpu.dma_semaphore, #tpu.memory_space<semaphore_mem>>)
    %dma_wait3A = tpu.memref_slice %arg3[%mul3A_2] : memref<322560xi32, #tpu.memory_space<hbm>> -> memref<10080xi32, #tpu.memory_space<hbm>>
    %dma_wait3A_20 = tpu.memref_slice %arg3[%mul3A_2] : memref<322560xi32, #tpu.memory_space<hbm>> -> memref<10080xi32, #tpu.memory_space<hbm>>
    tpu.wait_dma2 semaphore(%arg16 : memref<!tpu.dma_semaphore, #tpu.memory_space<semaphore_mem>>) src(%dma_wait3A_20 : memref<10080xi32, #tpu.memory_space<hbm>>) dst(%arg6 : memref<10080xi32, #tpu.memory_space<vmem>>)
    %dma_start3A_21 = arith.constant 72 : i32
    %dma_start3A_22 = tpu.memref_slice %arg6[%dma_start3A_21] : memref<10080xi32, #tpu.memory_space<vmem>> -> memref<72xi32, #tpu.memory_space<vmem>>
    %dma_start3A_23 = arith.constant 0 : i32
    %dma_start3A_24 = arith.constant 0 : i32
    %dma_start3A_25 = tpu.memref_slice %arg2[%dma_start3A_23, %dma_start3A_24] : memref<10000x128xf32, #tpu.memory_space<hbm>> -> memref<10000x128xf32, #tpu.memory_space<hbm>>
    tpu.enqueue_indirect_dma source(%dma_start3A_25 : memref<10000x128xf32, #tpu.memory_space<hbm>>) target(%arg12 : memref<72x128xf32, #tpu.memory_space<vmem>>) offsets(%dma_start3A_22 : memref<72xi32, #tpu.memory_space<vmem>>) semaphore(%arg23 : memref<!tpu.dma_semaphore, #tpu.memory_space<semaphore_mem>>)
    %dma_start3A_26 = arith.constant 144 : i32
    %dma_start3A_27 = tpu.memref_slice %arg6[%dma_start3A_26] : memref<10080xi32, #tpu.memory_space<vmem>> -> memref<72xi32, #tpu.memory_space<vmem>>
    %dma_start3A_28 = arith.constant 0 : i32
    %dma_start3A_29 = arith.constant 0 : i32
    %dma_start3A_30 = tpu.memref_slice %arg2[%dma_start3A_28, %dma_start3A_29] : memref<10000x128xf32, #tpu.memory_space<hbm>> -> memref<10000x128xf32, #tpu.memory_space<hbm>>
    tpu.enqueue_indirect_dma source(%dma_start3A_30 : memref<10000x128xf32, #tpu.memory_space<hbm>>) target(%arg13 : memref<72x128xf32, #tpu.memory_space<vmem>>) offsets(%dma_start3A_27 : memref<72xi32, #tpu.memory_space<vmem>>) semaphore(%arg24 : memref<!tpu.dma_semaphore, #tpu.memory_space<semaphore_mem>>)
    %dma_start3A_31 = arith.constant 216 : i32
    %dma_start3A_32 = tpu.memref_slice %arg6[%dma_start3A_31] : memref<10080xi32, #tpu.memory_space<vmem>> -> memref<72xi32, #tpu.memory_space<vmem>>
    %dma_start3A_33 = arith.constant 0 : i32
    %dma_start3A_34 = arith.constant 0 : i32
    %dma_start3A_35 = tpu.memref_slice %arg2[%dma_start3A_33, %dma_start3A_34] : memref<10000x128xf32, #tpu.memory_space<hbm>> -> memref<10000x128xf32, #tpu.memory_space<hbm>>
    tpu.enqueue_indirect_dma source(%dma_start3A_35 : memref<10000x128xf32, #tpu.memory_space<hbm>>) target(%arg14 : memref<72x128xf32, #tpu.memory_space<vmem>>) offsets(%dma_start3A_32 : memref<72xi32, #tpu.memory_space<vmem>>) semaphore(%arg25 : memref<!tpu.dma_semaphore, #tpu.memory_space<semaphore_mem>>)
    %scan3A = arith.constant 0 : i32
    %scan3A_36 = arith.constant 72 : i32
    %scan3A_37 = arith.addi %scan3A, %scan3A_36 : i32
    %scan3A_38 = arith.constant 1 : i32
    scf.for %scan3A_355 = %scan3A to %scan3A_37 step %scan3A_38  : i32 {
      %mul3A_356 = arith.constant 1 : i32
      %mul3A_357 = arith.muli %scan3A_355, %mul3A_356 : i32
      %add3A_358 = arith.constant 0 : i32
      %add3A_359 = arith.addi %add3A_358, %mul3A_357 : i32
      %scan3A_360 = arith.constant 0 : i32
      %scan3A_361 = arith.constant 8 : i32
      %scan3A_362 = arith.addi %scan3A_360, %scan3A_361 : i32
      %scan3A_363 = arith.constant 1 : i32
      scf.for %scan3A_365 = %scan3A_360 to %scan3A_362 step %scan3A_363  : i32 {
        %mul3A_366 = arith.constant 16 : i32
        %mul3A_367 = arith.muli %scan3A_365, %mul3A_366 : i32
        %add3A_368 = arith.constant 0 : i32
        %add3A_369 = arith.addi %add3A_368, %mul3A_367 : i32
        %broadcast_in_dim3A = arith.constant 0.000000e+00 : f32
        %broadcast_in_dim3A_370 = vector.broadcast %broadcast_in_dim3A : f32 to vector<16xf32>
        %swap3A = arith.index_cast %add3A_359 : i32 to index
        %swap3A_371 = arith.index_cast %add3A_369 : i32 to index
        %swap3A_372 = tpu.vector_load %arg11[%swap3A, %swap3A_371] {strides = array<i32>} : memref<72x128xf32, #tpu.memory_space<vmem>>, vector<1x16xf32>,
        %swap3A_373 = vector.shape_cast %swap3A_372 : vector<1x16xf32> to vector<16xf32>
        %swap3A_374 = vector.shape_cast %broadcast_in_dim3A_370 : vector<16xf32> to vector<1x16xf32>
        tpu.vector_store %arg11[%swap3A, %swap3A_371], %swap3A_374 {strides = array<i32>} : memref<72x128xf32, #tpu.memory_space<vmem>>, vector<1x16xf32>,
      }
      %scan3A_364 = arith.constant 8 : i32
    }
    %scan3A_39 = arith.constant 72 : i32
    %add3A_40 = arith.constant 0 : i32
    %add3A_41 = arith.addi %arg1, %add3A_40 : i32
    %lt3A = arith.constant 139 : i32
    %lt3A_42 = arith.cmpi slt, %add3A_41, %lt3A : i32
    %convert_element_type3A = arith.extui %lt3A_42 : i1 to i32
    %cond3A = arith.constant 0 : i32
    %cond3A_43 = arith.cmpi ne, %convert_element_type3A, %cond3A : i32
    scf.if %cond3A_43 {
      %mul3A_355 = arith.constant 72 : i32
      %mul3A_356 = arith.muli %add3A_41, %mul3A_355 : i32
      %dma_start3A_357 = arith.constant 0 : i32
      %dma_start3A_358 = tpu.memref_slice %arg15[%mul3A_356, %dma_start3A_357] : memref<10016x128xf32, #tpu.memory_space<vmem_shared>> -> memref<72x128xf32, #tpu.memory_space<vmem_shared>>
      %dma_start3A_359 = arith.constant 0 : i32
      %dma_start3A_360 = tpu.memref_slice %arg15[%mul3A_356, %dma_start3A_359] : memref<10016x128xf32, #tpu.memory_space<vmem_shared>> -> memref<72x128xf32, #tpu.memory_space<vmem_shared>>
      tpu.enqueue_dma source(%arg11 : memref<72x128xf32, #tpu.memory_space<vmem>>) target(%dma_start3A_360 : memref<72x128xf32, #tpu.memory_space<vmem_shared>>) target_semaphore(%arg17 : memref<!tpu.dma_semaphore, #tpu.memory_space<semaphore_mem>>)
    } else {
    }
    %add3A_44 = arith.constant 16 : i32
    %add3A_45 = arith.addi %arg1, %add3A_44 : i32
    %lt3A_46 = arith.constant 139 : i32
    %lt3A_47 = arith.cmpi slt, %add3A_45, %lt3A_46 : i32
    %convert_element_type3A_48 = arith.extui %lt3A_47 : i1 to i32
    %cond3A_49 = arith.constant 0 : i32
    %cond3A_50 = arith.cmpi ne, %convert_element_type3A_48, %cond3A_49 : i32
    scf.if %cond3A_50 {
      %mul3A_355 = arith.constant 72 : i32
      %mul3A_356 = arith.muli %add3A_45, %mul3A_355 : i32
      %dma_start3A_357 = arith.constant 0 : i32
      %dma_start3A_358 = tpu.memref_slice %arg15[%mul3A_356, %dma_start3A_357] : memref<10016x128xf32, #tpu.memory_space<vmem_shared>> -> memref<72x128xf32, #tpu.memory_space<vmem_shared>>
      %dma_start3A_359 = arith.constant 0 : i32
      %dma_start3A_360 = tpu.memref_slice %arg15[%mul3A_356, %dma_start3A_359] : memref<10016x128xf32, #tpu.memory_space<vmem_shared>> -> memref<72x128xf32, #tpu.memory_space<vmem_shared>>
      tpu.enqueue_dma source(%arg11 : memref<72x128xf32, #tpu.memory_space<vmem>>) target(%dma_start3A_360 : memref<72x128xf32, #tpu.memory_space<vmem_shared>>) target_semaphore(%arg17 : memref<!tpu.dma_semaphore, #tpu.memory_space<semaphore_mem>>)
    } else {
    }
    %add3A_51 = arith.constant 32 : i32
    %add3A_52 = arith.addi %arg1, %add3A_51 : i32
    %lt3A_53 = arith.constant 139 : i32
    %lt3A_54 = arith.cmpi slt, %add3A_52, %lt3A_53 : i32
    %convert_element_type3A_55 = arith.extui %lt3A_54 : i1 to i32
    %cond3A_56 = arith.constant 0 : i32
    %cond3A_57 = arith.cmpi ne, %convert_element_type3A_55, %cond3A_56 : i32
    scf.if %cond3A_57 {
      %mul3A_355 = arith.constant 72 : i32
      %mul3A_356 = arith.muli %add3A_52, %mul3A_355 : i32
      %dma_start3A_357 = arith.constant 0 : i32
      %dma_start3A_358 = tpu.memref_slice %arg15[%mul3A_356, %dma_start3A_357] : memref<10016x128xf32, #tpu.memory_space<vmem_shared>> -> memref<72x128xf32, #tpu.memory_space<vmem_shared>>
      %dma_start3A_359 = arith.constant 0 : i32
      %dma_start3A_360 = tpu.memref_slice %arg15[%mul3A_356, %dma_start3A_359] : memref<10016x128xf32, #tpu.memory_space<vmem_shared>> -> memref<72x128xf32, #tpu.memory_space<vmem_shared>>
      tpu.enqueue_dma source(%arg11 : memref<72x128xf32, #tpu.memory_space<vmem>>) target(%dma_start3A_360 : memref<72x128xf32, #tpu.memory_space<vmem_shared>>) target_semaphore(%arg17 : memref<!tpu.dma_semaphore, #tpu.memory_space<semaphore_mem>>)
    } else {
    }
    %add3A_58 = arith.constant 48 : i32
    %add3A_59 = arith.addi %arg1, %add3A_58 : i32
    %lt3A_60 = arith.constant 139 : i32
    %lt3A_61 = arith.cmpi slt, %add3A_59, %lt3A_60 : i32
    %convert_element_type3A_62 = arith.extui %lt3A_61 : i1 to i32
    %cond3A_63 = arith.constant 0 : i32
    %cond3A_64 = arith.cmpi ne, %convert_element_type3A_62, %cond3A_63 : i32
    scf.if %cond3A_64 {
      %mul3A_355 = arith.constant 72 : i32
      %mul3A_356 = arith.muli %add3A_59, %mul3A_355 : i32
      %dma_start3A_357 = arith.constant 0 : i32
      %dma_start3A_358 = tpu.memref_slice %arg15[%mul3A_356, %dma_start3A_357] : memref<10016x128xf32, #tpu.memory_space<vmem_shared>> -> memref<72x128xf32, #tpu.memory_space<vmem_shared>>
      %dma_start3A_359 = arith.constant 0 : i32
      %dma_start3A_360 = tpu.memref_slice %arg15[%mul3A_356, %dma_start3A_359] : memref<10016x128xf32, #tpu.memory_space<vmem_shared>> -> memref<72x128xf32, #tpu.memory_space<vmem_shared>>
      tpu.enqueue_dma source(%arg11 : memref<72x128xf32, #tpu.memory_space<vmem>>) target(%dma_start3A_360 : memref<72x128xf32, #tpu.memory_space<vmem_shared>>) target_semaphore(%arg17 : memref<!tpu.dma_semaphore, #tpu.memory_space<semaphore_mem>>)
    } else {
    }
    %add3A_65 = arith.constant 64 : i32
    %add3A_66 = arith.addi %arg1, %add3A_65 : i32
    %lt3A_67 = arith.constant 139 : i32
    %lt3A_68 = arith.cmpi slt, %add3A_66, %lt3A_67 : i32
    %convert_element_type3A_69 = arith.extui %lt3A_68 : i1 to i32
    %cond3A_70 = arith.constant 0 : i32
    %cond3A_71 = arith.cmpi ne, %convert_element_type3A_69, %cond3A_70 : i32
    scf.if %cond3A_71 {
      %mul3A_355 = arith.constant 72 : i32
      %mul3A_356 = arith.muli %add3A_66, %mul3A_355 : i32
      %dma_start3A_357 = arith.constant 0 : i32
      %dma_start3A_358 = tpu.memref_slice %arg15[%mul3A_356, %dma_start3A_357] : memref<10016x128xf32, #tpu.memory_space<vmem_shared>> -> memref<72x128xf32, #tpu.memory_space<vmem_shared>>
      %dma_start3A_359 = arith.constant 0 : i32
      %dma_start3A_360 = tpu.memref_slice %arg15[%mul3A_356, %dma_start3A_359] : memref<10016x128xf32, #tpu.memory_space<vmem_shared>> -> memref<72x128xf32, #tpu.memory_space<vmem_shared>>
      tpu.enqueue_dma source(%arg11 : memref<72x128xf32, #tpu.memory_space<vmem>>) target(%dma_start3A_360 : memref<72x128xf32, #tpu.memory_space<vmem_shared>>) target_semaphore(%arg17 : memref<!tpu.dma_semaphore, #tpu.memory_space<semaphore_mem>>)
    } else {
    }
    %add3A_72 = arith.constant 80 : i32
    %add3A_73 = arith.addi %arg1, %add3A_72 : i32
    %lt3A_74 = arith.constant 139 : i32
    %lt3A_75 = arith.cmpi slt, %add3A_73, %lt3A_74 : i32
    %convert_element_type3A_76 = arith.extui %lt3A_75 : i1 to i32
    %cond3A_77 = arith.constant 0 : i32
    %cond3A_78 = arith.cmpi ne, %convert_element_type3A_76, %cond3A_77 : i32
    scf.if %cond3A_78 {
      %mul3A_355 = arith.constant 72 : i32
      %mul3A_356 = arith.muli %add3A_73, %mul3A_355 : i32
      %dma_start3A_357 = arith.constant 0 : i32
      %dma_start3A_358 = tpu.memref_slice %arg15[%mul3A_356, %dma_start3A_357] : memref<10016x128xf32, #tpu.memory_space<vmem_shared>> -> memref<72x128xf32, #tpu.memory_space<vmem_shared>>
      %dma_start3A_359 = arith.constant 0 : i32
      %dma_start3A_360 = tpu.memref_slice %arg15[%mul3A_356, %dma_start3A_359] : memref<10016x128xf32, #tpu.memory_space<vmem_shared>> -> memref<72x128xf32, #tpu.memory_space<vmem_shared>>
      tpu.enqueue_dma source(%arg11 : memref<72x128xf32, #tpu.memory_space<vmem>>) target(%dma_start3A_360 : memref<72x128xf32, #tpu.memory_space<vmem_shared>>) target_semaphore(%arg17 : memref<!tpu.dma_semaphore, #tpu.memory_space<semaphore_mem>>)
    } else {
    }
    %add3A_79 = arith.constant 96 : i32
    %add3A_80 = arith.addi %arg1, %add3A_79 : i32
    %lt3A_81 = arith.constant 139 : i32
    %lt3A_82 = arith.cmpi slt, %add3A_80, %lt3A_81 : i32
    %convert_element_type3A_83 = arith.extui %lt3A_82 : i1 to i32
    %cond3A_84 = arith.constant 0 : i32
    %cond3A_85 = arith.cmpi ne, %convert_element_type3A_83, %cond3A_84 : i32
    scf.if %cond3A_85 {
      %mul3A_355 = arith.constant 72 : i32
      %mul3A_356 = arith.muli %add3A_80, %mul3A_355 : i32
      %dma_start3A_357 = arith.constant 0 : i32
      %dma_start3A_358 = tpu.memref_slice %arg15[%mul3A_356, %dma_start3A_357] : memref<10016x128xf32, #tpu.memory_space<vmem_shared>> -> memref<72x128xf32, #tpu.memory_space<vmem_shared>>
      %dma_start3A_359 = arith.constant 0 : i32
      %dma_start3A_360 = tpu.memref_slice %arg15[%mul3A_356, %dma_start3A_359] : memref<10016x128xf32, #tpu.memory_space<vmem_shared>> -> memref<72x128xf32, #tpu.memory_space<vmem_shared>>
      tpu.enqueue_dma source(%arg11 : memref<72x128xf32, #tpu.memory_space<vmem>>) target(%dma_start3A_360 : memref<72x128xf32, #tpu.memory_space<vmem_shared>>) target_semaphore(%arg17 : memref<!tpu.dma_semaphore, #tpu.memory_space<semaphore_mem>>)
    } else {
    }
    %add3A_86 = arith.constant 112 : i32
    %add3A_87 = arith.addi %arg1, %add3A_86 : i32
    %lt3A_88 = arith.constant 139 : i32
    %lt3A_89 = arith.cmpi slt, %add3A_87, %lt3A_88 : i32
    %convert_element_type3A_90 = arith.extui %lt3A_89 : i1 to i32
    %cond3A_91 = arith.constant 0 : i32
    %cond3A_92 = arith.cmpi ne, %convert_element_type3A_90, %cond3A_91 : i32
    scf.if %cond3A_92 {
      %mul3A_355 = arith.constant 72 : i32
      %mul3A_356 = arith.muli %add3A_87, %mul3A_355 : i32
      %dma_start3A_357 = arith.constant 0 : i32
      %dma_start3A_358 = tpu.memref_slice %arg15[%mul3A_356, %dma_start3A_357] : memref<10016x128xf32, #tpu.memory_space<vmem_shared>> -> memref<72x128xf32, #tpu.memory_space<vmem_shared>>
      %dma_start3A_359 = arith.constant 0 : i32
      %dma_start3A_360 = tpu.memref_slice %arg15[%mul3A_356, %dma_start3A_359] : memref<10016x128xf32, #tpu.memory_space<vmem_shared>> -> memref<72x128xf32, #tpu.memory_space<vmem_shared>>
      tpu.enqueue_dma source(%arg11 : memref<72x128xf32, #tpu.memory_space<vmem>>) target(%dma_start3A_360 : memref<72x128xf32, #tpu.memory_space<vmem_shared>>) target_semaphore(%arg17 : memref<!tpu.dma_semaphore, #tpu.memory_space<semaphore_mem>>)
    } else {
    }
    %add3A_93 = arith.constant 128 : i32
    %add3A_94 = arith.addi %arg1, %add3A_93 : i32
    %lt3A_95 = arith.constant 139 : i32
    %lt3A_96 = arith.cmpi slt, %add3A_94, %lt3A_95 : i32
    %convert_element_type3A_97 = arith.extui %lt3A_96 : i1 to i32
    %cond3A_98 = arith.constant 0 : i32
    %cond3A_99 = arith.cmpi ne, %convert_element_type3A_97, %cond3A_98 : i32
    scf.if %cond3A_99 {
      %mul3A_355 = arith.constant 72 : i32
      %mul3A_356 = arith.muli %add3A_94, %mul3A_355 : i32
      %dma_start3A_357 = arith.constant 0 : i32
      %dma_start3A_358 = tpu.memref_slice %arg15[%mul3A_356, %dma_start3A_357] : memref<10016x128xf32, #tpu.memory_space<vmem_shared>> -> memref<72x128xf32, #tpu.memory_space<vmem_shared>>
      %dma_start3A_359 = arith.constant 0 : i32
      %dma_start3A_360 = tpu.memref_slice %arg15[%mul3A_356, %dma_start3A_359] : memref<10016x128xf32, #tpu.memory_space<vmem_shared>> -> memref<72x128xf32, #tpu.memory_space<vmem_shared>>
      tpu.enqueue_dma source(%arg11 : memref<72x128xf32, #tpu.memory_space<vmem>>) target(%dma_start3A_360 : memref<72x128xf32, #tpu.memory_space<vmem_shared>>) target_semaphore(%arg17 : memref<!tpu.dma_semaphore, #tpu.memory_space<semaphore_mem>>)
    } else {
    }
    %eq3A = arith.constant 0 : i32
    %eq3A_100 = arith.cmpi eq, %arg1, %eq3A : i32
    %convert_element_type3A_101 = arith.extui %eq3A_100 : i1 to i32
    %cond3A_102 = arith.constant 0 : i32
    %cond3A_103 = arith.cmpi ne, %convert_element_type3A_101, %cond3A_102 : i32
    scf.if %cond3A_103 {
      %dma_start3A_355 = arith.constant 0 : i32
      %dma_start3A_356 = arith.constant 0 : i32
      %dma_start3A_357 = tpu.memref_slice %arg11[%dma_start3A_355, %dma_start3A_356] : memref<72x128xf32, #tpu.memory_space<vmem>> -> memref<8x128xf32, #tpu.memory_space<vmem>>
      %dma_start3A_358 = arith.constant 10008 : i32
      %dma_start3A_359 = arith.constant 0 : i32
      %dma_start3A_360 = tpu.memref_slice %arg15[%dma_start3A_358, %dma_start3A_359] : memref<10016x128xf32, #tpu.memory_space<vmem_shared>> -> memref<8x128xf32, #tpu.memory_space<vmem_shared>>
      %dma_start3A_361 = arith.constant 10008 : i32
      %dma_start3A_362 = arith.constant 0 : i32
      %dma_start3A_363 = tpu.memref_slice %arg15[%dma_start3A_361, %dma_start3A_362] : memref<10016x128xf32, #tpu.memory_space<vmem_shared>> -> memref<8x128xf32, #tpu.memory_space<vmem_shared>>
      %dma_start3A_364 = arith.constant 0 : i32
      %dma_start3A_365 = arith.constant 0 : i32
      %dma_start3A_366 = tpu.memref_slice %arg11[%dma_start3A_364, %dma_start3A_365] : memref<72x128xf32, #tpu.memory_space<vmem>> -> memref<8x128xf32, #tpu.memory_space<vmem>>
      tpu.enqueue_dma source(%dma_start3A_366 : memref<8x128xf32, #tpu.memory_space<vmem>>) target(%dma_start3A_363 : memref<8x128xf32, #tpu.memory_space<vmem_shared>>) target_semaphore(%arg17 : memref<!tpu.dma_semaphore, #tpu.memory_space<semaphore_mem>>)
    } else {
    }
    %add3A_104 = arith.constant 0 : i32
    %add3A_105 = arith.addi %arg1, %add3A_104 : i32
    %lt3A_106 = arith.constant 139 : i32
    %lt3A_107 = arith.cmpi slt, %add3A_105, %lt3A_106 : i32
    %convert_element_type3A_108 = arith.extui %lt3A_107 : i1 to i32
    %cond3A_109 = arith.constant 0 : i32
    %cond3A_110 = arith.cmpi ne, %convert_element_type3A_108, %cond3A_109 : i32
    scf.if %cond3A_110 {
      %mul3A_355 = arith.constant 72 : i32
      %mul3A_356 = arith.muli %add3A_105, %mul3A_355 : i32
      %dma_wait3A_357 = arith.constant 0 : i32
      %dma_wait3A_358 = tpu.memref_slice %arg15[%mul3A_356, %dma_wait3A_357] : memref<10016x128xf32, #tpu.memory_space<vmem_shared>> -> memref<72x128xf32, #tpu.memory_space<vmem_shared>>
      %dma_wait3A_359 = arith.constant 0 : i32
      %dma_wait3A_360 = tpu.memref_slice %arg15[%mul3A_356, %dma_wait3A_359] : memref<10016x128xf32, #tpu.memory_space<vmem_shared>> -> memref<72x128xf32, #tpu.memory_space<vmem_shared>>
      tpu.wait_dma2 semaphore(%arg17 : memref<!tpu.dma_semaphore, #tpu.memory_space<semaphore_mem>>) src(%arg11 : memref<72x128xf32, #tpu.memory_space<vmem>>) dst(%dma_wait3A_360 : memref<72x128xf32, #tpu.memory_space<vmem_shared>>)
    } else {
    }
    %add3A_111 = arith.constant 16 : i32
    %add3A_112 = arith.addi %arg1, %add3A_111 : i32
    %lt3A_113 = arith.constant 139 : i32
    %lt3A_114 = arith.cmpi slt, %add3A_112, %lt3A_113 : i32
    %convert_element_type3A_115 = arith.extui %lt3A_114 : i1 to i32
    %cond3A_116 = arith.constant 0 : i32
    %cond3A_117 = arith.cmpi ne, %convert_element_type3A_115, %cond3A_116 : i32
    scf.if %cond3A_117 {
      %mul3A_355 = arith.constant 72 : i32
      %mul3A_356 = arith.muli %add3A_112, %mul3A_355 : i32
      %dma_wait3A_357 = arith.constant 0 : i32
      %dma_wait3A_358 = tpu.memref_slice %arg15[%mul3A_356, %dma_wait3A_357] : memref<10016x128xf32, #tpu.memory_space<vmem_shared>> -> memref<72x128xf32, #tpu.memory_space<vmem_shared>>
      %dma_wait3A_359 = arith.constant 0 : i32
      %dma_wait3A_360 = tpu.memref_slice %arg15[%mul3A_356, %dma_wait3A_359] : memref<10016x128xf32, #tpu.memory_space<vmem_shared>> -> memref<72x128xf32, #tpu.memory_space<vmem_shared>>
      tpu.wait_dma2 semaphore(%arg17 : memref<!tpu.dma_semaphore, #tpu.memory_space<semaphore_mem>>) src(%arg11 : memref<72x128xf32, #tpu.memory_space<vmem>>) dst(%dma_wait3A_360 : memref<72x128xf32, #tpu.memory_space<vmem_shared>>)
    } else {
    }
    %add3A_118 = arith.constant 32 : i32
    %add3A_119 = arith.addi %arg1, %add3A_118 : i32
    %lt3A_120 = arith.constant 139 : i32
    %lt3A_121 = arith.cmpi slt, %add3A_119, %lt3A_120 : i32
    %convert_element_type3A_122 = arith.extui %lt3A_121 : i1 to i32
    %cond3A_123 = arith.constant 0 : i32
    %cond3A_124 = arith.cmpi ne, %convert_element_type3A_122, %cond3A_123 : i32
    scf.if %cond3A_124 {
      %mul3A_355 = arith.constant 72 : i32
      %mul3A_356 = arith.muli %add3A_119, %mul3A_355 : i32
      %dma_wait3A_357 = arith.constant 0 : i32
      %dma_wait3A_358 = tpu.memref_slice %arg15[%mul3A_356, %dma_wait3A_357] : memref<10016x128xf32, #tpu.memory_space<vmem_shared>> -> memref<72x128xf32, #tpu.memory_space<vmem_shared>>
      %dma_wait3A_359 = arith.constant 0 : i32
      %dma_wait3A_360 = tpu.memref_slice %arg15[%mul3A_356, %dma_wait3A_359] : memref<10016x128xf32, #tpu.memory_space<vmem_shared>> -> memref<72x128xf32, #tpu.memory_space<vmem_shared>>
      tpu.wait_dma2 semaphore(%arg17 : memref<!tpu.dma_semaphore, #tpu.memory_space<semaphore_mem>>) src(%arg11 : memref<72x128xf32, #tpu.memory_space<vmem>>) dst(%dma_wait3A_360 : memref<72x128xf32, #tpu.memory_space<vmem_shared>>)
    } else {
    }
    %add3A_125 = arith.constant 48 : i32
    %add3A_126 = arith.addi %arg1, %add3A_125 : i32
    %lt3A_127 = arith.constant 139 : i32
    %lt3A_128 = arith.cmpi slt, %add3A_126, %lt3A_127 : i32
    %convert_element_type3A_129 = arith.extui %lt3A_128 : i1 to i32
    %cond3A_130 = arith.constant 0 : i32
    %cond3A_131 = arith.cmpi ne, %convert_element_type3A_129, %cond3A_130 : i32
    scf.if %cond3A_131 {
      %mul3A_355 = arith.constant 72 : i32
      %mul3A_356 = arith.muli %add3A_126, %mul3A_355 : i32
      %dma_wait3A_357 = arith.constant 0 : i32
      %dma_wait3A_358 = tpu.memref_slice %arg15[%mul3A_356, %dma_wait3A_357] : memref<10016x128xf32, #tpu.memory_space<vmem_shared>> -> memref<72x128xf32, #tpu.memory_space<vmem_shared>>
      %dma_wait3A_359 = arith.constant 0 : i32
      %dma_wait3A_360 = tpu.memref_slice %arg15[%mul3A_356, %dma_wait3A_359] : memref<10016x128xf32, #tpu.memory_space<vmem_shared>> -> memref<72x128xf32, #tpu.memory_space<vmem_shared>>
      tpu.wait_dma2 semaphore(%arg17 : memref<!tpu.dma_semaphore, #tpu.memory_space<semaphore_mem>>) src(%arg11 : memref<72x128xf32, #tpu.memory_space<vmem>>) dst(%dma_wait3A_360 : memref<72x128xf32, #tpu.memory_space<vmem_shared>>)
    } else {
    }
    %add3A_132 = arith.constant 64 : i32
    %add3A_133 = arith.addi %arg1, %add3A_132 : i32
    %lt3A_134 = arith.constant 139 : i32
    %lt3A_135 = arith.cmpi slt, %add3A_133, %lt3A_134 : i32
    %convert_element_type3A_136 = arith.extui %lt3A_135 : i1 to i32
    %cond3A_137 = arith.constant 0 : i32
    %cond3A_138 = arith.cmpi ne, %convert_element_type3A_136, %cond3A_137 : i32
    scf.if %cond3A_138 {
      %mul3A_355 = arith.constant 72 : i32
      %mul3A_356 = arith.muli %add3A_133, %mul3A_355 : i32
      %dma_wait3A_357 = arith.constant 0 : i32
      %dma_wait3A_358 = tpu.memref_slice %arg15[%mul3A_356, %dma_wait3A_357] : memref<10016x128xf32, #tpu.memory_space<vmem_shared>> -> memref<72x128xf32, #tpu.memory_space<vmem_shared>>
      %dma_wait3A_359 = arith.constant 0 : i32
      %dma_wait3A_360 = tpu.memref_slice %arg15[%mul3A_356, %dma_wait3A_359] : memref<10016x128xf32, #tpu.memory_space<vmem_shared>> -> memref<72x128xf32, #tpu.memory_space<vmem_shared>>
      tpu.wait_dma2 semaphore(%arg17 : memref<!tpu.dma_semaphore, #tpu.memory_space<semaphore_mem>>) src(%arg11 : memref<72x128xf32, #tpu.memory_space<vmem>>) dst(%dma_wait3A_360 : memref<72x128xf32, #tpu.memory_space<vmem_shared>>)
    } else {
    }
    %add3A_139 = arith.constant 80 : i32
    %add3A_140 = arith.addi %arg1, %add3A_139 : i32
    %lt3A_141 = arith.constant 139 : i32
    %lt3A_142 = arith.cmpi slt, %add3A_140, %lt3A_141 : i32
    %convert_element_type3A_143 = arith.extui %lt3A_142 : i1 to i32
    %cond3A_144 = arith.constant 0 : i32
    %cond3A_145 = arith.cmpi ne, %convert_element_type3A_143, %cond3A_144 : i32
    scf.if %cond3A_145 {
      %mul3A_355 = arith.constant 72 : i32
      %mul3A_356 = arith.muli %add3A_140, %mul3A_355 : i32
      %dma_wait3A_357 = arith.constant 0 : i32
      %dma_wait3A_358 = tpu.memref_slice %arg15[%mul3A_356, %dma_wait3A_357] : memref<10016x128xf32, #tpu.memory_space<vmem_shared>> -> memref<72x128xf32, #tpu.memory_space<vmem_shared>>
      %dma_wait3A_359 = arith.constant 0 : i32
      %dma_wait3A_360 = tpu.memref_slice %arg15[%mul3A_356, %dma_wait3A_359] : memref<10016x128xf32, #tpu.memory_space<vmem_shared>> -> memref<72x128xf32, #tpu.memory_space<vmem_shared>>
      tpu.wait_dma2 semaphore(%arg17 : memref<!tpu.dma_semaphore, #tpu.memory_space<semaphore_mem>>) src(%arg11 : memref<72x128xf32, #tpu.memory_space<vmem>>) dst(%dma_wait3A_360 : memref<72x128xf32, #tpu.memory_space<vmem_shared>>)
    } else {
    }
    %add3A_146 = arith.constant 96 : i32
    %add3A_147 = arith.addi %arg1, %add3A_146 : i32
    %lt3A_148 = arith.constant 139 : i32
    %lt3A_149 = arith.cmpi slt, %add3A_147, %lt3A_148 : i32
    %convert_element_type3A_150 = arith.extui %lt3A_149 : i1 to i32
    %cond3A_151 = arith.constant 0 : i32
    %cond3A_152 = arith.cmpi ne, %convert_element_type3A_150, %cond3A_151 : i32
    scf.if %cond3A_152 {
      %mul3A_355 = arith.constant 72 : i32
      %mul3A_356 = arith.muli %add3A_147, %mul3A_355 : i32
      %dma_wait3A_357 = arith.constant 0 : i32
      %dma_wait3A_358 = tpu.memref_slice %arg15[%mul3A_356, %dma_wait3A_357] : memref<10016x128xf32, #tpu.memory_space<vmem_shared>> -> memref<72x128xf32, #tpu.memory_space<vmem_shared>>
      %dma_wait3A_359 = arith.constant 0 : i32
      %dma_wait3A_360 = tpu.memref_slice %arg15[%mul3A_356, %dma_wait3A_359] : memref<10016x128xf32, #tpu.memory_space<vmem_shared>> -> memref<72x128xf32, #tpu.memory_space<vmem_shared>>
      tpu.wait_dma2 semaphore(%arg17 : memref<!tpu.dma_semaphore, #tpu.memory_space<semaphore_mem>>) src(%arg11 : memref<72x128xf32, #tpu.memory_space<vmem>>) dst(%dma_wait3A_360 : memref<72x128xf32, #tpu.memory_space<vmem_shared>>)
    } else {
    }
    %add3A_153 = arith.constant 112 : i32
    %add3A_154 = arith.addi %arg1, %add3A_153 : i32
    %lt3A_155 = arith.constant 139 : i32
    %lt3A_156 = arith.cmpi slt, %add3A_154, %lt3A_155 : i32
    %convert_element_type3A_157 = arith.extui %lt3A_156 : i1 to i32
    %cond3A_158 = arith.constant 0 : i32
    %cond3A_159 = arith.cmpi ne, %convert_element_type3A_157, %cond3A_158 : i32
    scf.if %cond3A_159 {
      %mul3A_355 = arith.constant 72 : i32
      %mul3A_356 = arith.muli %add3A_154, %mul3A_355 : i32
      %dma_wait3A_357 = arith.constant 0 : i32
      %dma_wait3A_358 = tpu.memref_slice %arg15[%mul3A_356, %dma_wait3A_357] : memref<10016x128xf32, #tpu.memory_space<vmem_shared>> -> memref<72x128xf32, #tpu.memory_space<vmem_shared>>
      %dma_wait3A_359 = arith.constant 0 : i32
      %dma_wait3A_360 = tpu.memref_slice %arg15[%mul3A_356, %dma_wait3A_359] : memref<10016x128xf32, #tpu.memory_space<vmem_shared>> -> memref<72x128xf32, #tpu.memory_space<vmem_shared>>
      tpu.wait_dma2 semaphore(%arg17 : memref<!tpu.dma_semaphore, #tpu.memory_space<semaphore_mem>>) src(%arg11 : memref<72x128xf32, #tpu.memory_space<vmem>>) dst(%dma_wait3A_360 : memref<72x128xf32, #tpu.memory_space<vmem_shared>>)
    } else {
    }
    %add3A_160 = arith.constant 128 : i32
    %add3A_161 = arith.addi %arg1, %add3A_160 : i32
    %lt3A_162 = arith.constant 139 : i32
    %lt3A_163 = arith.cmpi slt, %add3A_161, %lt3A_162 : i32
    %convert_element_type3A_164 = arith.extui %lt3A_163 : i1 to i32
    %cond3A_165 = arith.constant 0 : i32
    %cond3A_166 = arith.cmpi ne, %convert_element_type3A_164, %cond3A_165 : i32
    scf.if %cond3A_166 {
      %mul3A_355 = arith.constant 72 : i32
      %mul3A_356 = arith.muli %add3A_161, %mul3A_355 : i32
      %dma_wait3A_357 = arith.constant 0 : i32
      %dma_wait3A_358 = tpu.memref_slice %arg15[%mul3A_356, %dma_wait3A_357] : memref<10016x128xf32, #tpu.memory_space<vmem_shared>> -> memref<72x128xf32, #tpu.memory_space<vmem_shared>>
      %dma_wait3A_359 = arith.constant 0 : i32
      %dma_wait3A_360 = tpu.memref_slice %arg15[%mul3A_356, %dma_wait3A_359] : memref<10016x128xf32, #tpu.memory_space<vmem_shared>> -> memref<72x128xf32, #tpu.memory_space<vmem_shared>>
      tpu.wait_dma2 semaphore(%arg17 : memref<!tpu.dma_semaphore, #tpu.memory_space<semaphore_mem>>) src(%arg11 : memref<72x128xf32, #tpu.memory_space<vmem>>) dst(%dma_wait3A_360 : memref<72x128xf32, #tpu.memory_space<vmem_shared>>)
    } else {
    }
    %eq3A_167 = arith.constant 0 : i32
    %eq3A_168 = arith.cmpi eq, %arg1, %eq3A_167 : i32
    %convert_element_type3A_169 = arith.extui %eq3A_168 : i1 to i32
    %cond3A_170 = arith.constant 0 : i32
    %cond3A_171 = arith.cmpi ne, %convert_element_type3A_169, %cond3A_170 : i32
    scf.if %cond3A_171 {
      %dma_wait3A_355 = arith.constant 0 : i32
      %dma_wait3A_356 = arith.constant 0 : i32
      %dma_wait3A_357 = tpu.memref_slice %arg11[%dma_wait3A_355, %dma_wait3A_356] : memref<72x128xf32, #tpu.memory_space<vmem>> -> memref<8x128xf32, #tpu.memory_space<vmem>>
      %dma_wait3A_358 = arith.constant 10008 : i32
      %dma_wait3A_359 = arith.constant 0 : i32
      %dma_wait3A_360 = tpu.memref_slice %arg15[%dma_wait3A_358, %dma_wait3A_359] : memref<10016x128xf32, #tpu.memory_space<vmem_shared>> -> memref<8x128xf32, #tpu.memory_space<vmem_shared>>
      %dma_wait3A_361 = arith.constant 10008 : i32
      %dma_wait3A_362 = arith.constant 0 : i32
      %dma_wait3A_363 = tpu.memref_slice %arg15[%dma_wait3A_361, %dma_wait3A_362] : memref<10016x128xf32, #tpu.memory_space<vmem_shared>> -> memref<8x128xf32, #tpu.memory_space<vmem_shared>>
      %dma_wait3A_364 = arith.constant 0 : i32
      %dma_wait3A_365 = arith.constant 0 : i32
      %dma_wait3A_366 = tpu.memref_slice %arg11[%dma_wait3A_364, %dma_wait3A_365] : memref<72x128xf32, #tpu.memory_space<vmem>> -> memref<8x128xf32, #tpu.memory_space<vmem>>
      tpu.wait_dma2 semaphore(%arg17 : memref<!tpu.dma_semaphore, #tpu.memory_space<semaphore_mem>>) src(%dma_wait3A_366 : memref<8x128xf32, #tpu.memory_space<vmem>>) dst(%dma_wait3A_363 : memref<8x128xf32, #tpu.memory_space<vmem_shared>>)
    } else {
    }
    %dma_start3A_172 = arith.constant 0 : i32
    %dma_start3A_173 = tpu.memref_slice %arg6[%dma_start3A_172] : memref<10080xi32, #tpu.memory_space<vmem>> -> memref<72xi32, #tpu.memory_space<vmem>>
    %dma_start3A_174 = arith.constant 0 : i32
    %dma_start3A_175 = arith.constant 0 : i32
    %dma_start3A_176 = tpu.memref_slice %arg2[%dma_start3A_174, %dma_start3A_175] : memref<10000x128xf32, #tpu.memory_space<hbm>> -> memref<10000x128xf32, #tpu.memory_space<hbm>>
    tpu.enqueue_indirect_dma source(%dma_start3A_176 : memref<10000x128xf32, #tpu.memory_space<hbm>>) target(%arg11 : memref<72x128xf32, #tpu.memory_space<vmem>>) offsets(%dma_start3A_173 : memref<72xi32, #tpu.memory_space<vmem>>) semaphore(%arg22 : memref<!tpu.dma_semaphore, #tpu.memory_space<semaphore_mem>>)
    %barrier3A = arith.constant 0 : index
    tpu.barrier barrier_id(%barrier3A)
    %scan3A_177 = arith.constant 0 : i32
    %scan3A_178 = arith.constant 34 : i32
    %scan3A_179 = arith.addi %scan3A_177, %scan3A_178 : i32
    %scan3A_180 = arith.constant 1 : i32
    scf.for %scan3A_355 = %scan3A_177 to %scan3A_179 step %scan3A_180  : i32 {
      %mul3A_356 = arith.constant 4 : i32
      %mul3A_357 = arith.muli %scan3A_355, %mul3A_356 : i32
      %add3A_358 = arith.constant 0 : i32
      %add3A_359 = arith.addi %add3A_358, %mul3A_357 : i32
      %add3A_360 = arith.constant 0 : i32
      %add3A_361 = arith.addi %add3A_359, %add3A_360 : i32
      %mul3A_362 = arith.constant 72 : i32
      %mul3A_363 = arith.muli %add3A_361, %mul3A_362 : i32
      %add3A_364 = arith.addi %mul3A_2, %mul3A_363 : i32
      %dma_wait3A_365 = tpu.memref_slice %arg4[%add3A_364] : memref<322560xi32, #tpu.memory_space<hbm>> -> memref<72xi32, #tpu.memory_space<hbm>>
      %dma_wait3A_366 = tpu.memref_slice %arg4[%add3A_364] : memref<322560xi32, #tpu.memory_space<hbm>> -> memref<72xi32, #tpu.memory_space<hbm>>
      tpu.wait_dma2 semaphore(%arg18 : memref<!tpu.dma_semaphore, #tpu.memory_space<semaphore_mem>>) src(%dma_wait3A_366 : memref<72xi32, #tpu.memory_space<hbm>>) dst(%arg7 : memref<72xi32, #tpu.memory_space<vmem>>)
      %mul3A_367 = arith.constant 72 : i32
      %mul3A_368 = arith.muli %add3A_361, %mul3A_367 : i32
      %dma_wait3A_369 = tpu.memref_slice %arg6[%mul3A_368] : memref<10080xi32, #tpu.memory_space<vmem>> -> memref<72xi32, #tpu.memory_space<vmem>>
      %dma_wait3A_370 = arith.constant 0 : i32
      %dma_wait3A_371 = arith.constant 0 : i32
      %dma_wait3A_372 = tpu.memref_slice %arg2[%dma_wait3A_370, %dma_wait3A_371] : memref<10000x128xf32, #tpu.memory_space<hbm>> -> memref<10000x128xf32, #tpu.memory_space<hbm>>
      tpu.wait_indirect_dma semaphore(%arg22 : memref<!tpu.dma_semaphore, #tpu.memory_space<semaphore_mem>>) src(%dma_wait3A_372 : memref<10000x128xf32, #tpu.memory_space<hbm>>) dst(%arg11 : memref<72x128xf32, #tpu.memory_space<vmem>>)
      %dma_start3A_373 = arith.constant 0 : i32
      %dma_start3A_374 = arith.constant 0 : i32
      %dma_start3A_375 = tpu.memref_slice %arg15[%dma_start3A_373, %dma_start3A_374] : memref<10016x128xf32, #tpu.memory_space<vmem_shared>> -> memref<10016x128xf32, #tpu.memory_space<vmem_shared>>
      tpu.enqueue_indirect_dma source(%arg11 : memref<72x128xf32, #tpu.memory_space<vmem>>) target(%dma_start3A_375 : memref<10016x128xf32, #tpu.memory_space<vmem_shared>>) offsets(%arg7 : memref<72xi32, #tpu.memory_space<vmem>>) semaphore(%arg26 : memref<!tpu.dma_semaphore, #tpu.memory_space<semaphore_mem>>) {add = true}
      %dma_wait3A_376 = arith.constant 0 : i32
      %dma_wait3A_377 = arith.constant 0 : i32
      %dma_wait3A_378 = tpu.memref_slice %arg15[%dma_wait3A_376, %dma_wait3A_377] : memref<10016x128xf32, #tpu.memory_space<vmem_shared>> -> memref<10016x128xf32, #tpu.memory_space<vmem_shared>>
      tpu.wait_indirect_dma semaphore(%arg26 : memref<!tpu.dma_semaphore, #tpu.memory_space<semaphore_mem>>) src(%arg11 : memref<72x128xf32, #tpu.memory_space<vmem>>) dst(%dma_wait3A_378 : memref<10016x128xf32, #tpu.memory_space<vmem_shared>>)
      %add3A_379 = arith.constant 4 : i32
      %add3A_380 = arith.addi %add3A_361, %add3A_379 : i32
      %mul3A_381 = arith.constant 72 : i32
      %mul3A_382 = arith.muli %add3A_380, %mul3A_381 : i32
      %dma_start3A_383 = tpu.memref_slice %arg6[%mul3A_382] : memref<10080xi32, #tpu.memory_space<vmem>> -> memref<72xi32, #tpu.memory_space<vmem>>
      %dma_start3A_384 = arith.constant 0 : i32
      %dma_start3A_385 = arith.constant 0 : i32
      %dma_start3A_386 = tpu.memref_slice %arg2[%dma_start3A_384, %dma_start3A_385] : memref<10000x128xf32, #tpu.memory_space<hbm>> -> memref<10000x128xf32, #tpu.memory_space<hbm>>
      tpu.enqueue_indirect_dma source(%dma_start3A_386 : memref<10000x128xf32, #tpu.memory_space<hbm>>) target(%arg11 : memref<72x128xf32, #tpu.memory_space<vmem>>) offsets(%dma_start3A_383 : memref<72xi32, #tpu.memory_space<vmem>>) semaphore(%arg22 : memref<!tpu.dma_semaphore, #tpu.memory_space<semaphore_mem>>)
      %add3A_387 = arith.constant 4 : i32
      %add3A_388 = arith.addi %add3A_361, %add3A_387 : i32
      %mul3A_389 = arith.constant 72 : i32
      %mul3A_390 = arith.muli %add3A_388, %mul3A_389 : i32
      %add3A_391 = arith.addi %mul3A_2, %mul3A_390 : i32
      %dma_start3A_392 = tpu.memref_slice %arg4[%add3A_391] : memref<322560xi32, #tpu.memory_space<hbm>> -> memref<72xi32, #tpu.memory_space<hbm>>
      %dma_start3A_393 = tpu.memref_slice %arg4[%add3A_391] : memref<322560xi32, #tpu.memory_space<hbm>> -> memref<72xi32, #tpu.memory_space<hbm>>
      tpu.enqueue_dma source(%dma_start3A_393 : memref<72xi32, #tpu.memory_space<hbm>>) target(%arg7 : memref<72xi32, #tpu.memory_space<vmem>>) target_semaphore(%arg18 : memref<!tpu.dma_semaphore, #tpu.memory_space<semaphore_mem>>)
      %add3A_394 = arith.constant 1 : i32
      %add3A_395 = arith.addi %add3A_359, %add3A_394 : i32
      %mul3A_396 = arith.constant 72 : i32
      %mul3A_397 = arith.muli %add3A_395, %mul3A_396 : i32
      %add3A_398 = arith.addi %mul3A_2, %mul3A_397 : i32
      %dma_wait3A_399 = tpu.memref_slice %arg4[%add3A_398] : memref<322560xi32, #tpu.memory_space<hbm>> -> memref<72xi32, #tpu.memory_space<hbm>>
      %dma_wait3A_400 = tpu.memref_slice %arg4[%add3A_398] : memref<322560xi32, #tpu.memory_space<hbm>> -> memref<72xi32, #tpu.memory_space<hbm>>
      tpu.wait_dma2 semaphore(%arg19 : memref<!tpu.dma_semaphore, #tpu.memory_space<semaphore_mem>>) src(%dma_wait3A_400 : memref<72xi32, #tpu.memory_space<hbm>>) dst(%arg8 : memref<72xi32, #tpu.memory_space<vmem>>)
      %mul3A_401 = arith.constant 72 : i32
      %mul3A_402 = arith.muli %add3A_395, %mul3A_401 : i32
      %dma_wait3A_403 = tpu.memref_slice %arg6[%mul3A_402] : memref<10080xi32, #tpu.memory_space<vmem>> -> memref<72xi32, #tpu.memory_space<vmem>>
      %dma_wait3A_404 = arith.constant 0 : i32
      %dma_wait3A_405 = arith.constant 0 : i32
      %dma_wait3A_406 = tpu.memref_slice %arg2[%dma_wait3A_404, %dma_wait3A_405] : memref<10000x128xf32, #tpu.memory_space<hbm>> -> memref<10000x128xf32, #tpu.memory_space<hbm>>
      tpu.wait_indirect_dma semaphore(%arg23 : memref<!tpu.dma_semaphore, #tpu.memory_space<semaphore_mem>>) src(%dma_wait3A_406 : memref<10000x128xf32, #tpu.memory_space<hbm>>) dst(%arg12 : memref<72x128xf32, #tpu.memory_space<vmem>>)
      %dma_start3A_407 = arith.constant 0 : i32
      %dma_start3A_408 = arith.constant 0 : i32
      %dma_start3A_409 = tpu.memref_slice %arg15[%dma_start3A_407, %dma_start3A_408] : memref<10016x128xf32, #tpu.memory_space<vmem_shared>> -> memref<10016x128xf32, #tpu.memory_space<vmem_shared>>
      tpu.enqueue_indirect_dma source(%arg12 : memref<72x128xf32, #tpu.memory_space<vmem>>) target(%dma_start3A_409 : memref<10016x128xf32, #tpu.memory_space<vmem_shared>>) offsets(%arg8 : memref<72xi32, #tpu.memory_space<vmem>>) semaphore(%arg27 : memref<!tpu.dma_semaphore, #tpu.memory_space<semaphore_mem>>) {add = true}
      %dma_wait3A_410 = arith.constant 0 : i32
      %dma_wait3A_411 = arith.constant 0 : i32
      %dma_wait3A_412 = tpu.memref_slice %arg15[%dma_wait3A_410, %dma_wait3A_411] : memref<10016x128xf32, #tpu.memory_space<vmem_shared>> -> memref<10016x128xf32, #tpu.memory_space<vmem_shared>>
      tpu.wait_indirect_dma semaphore(%arg27 : memref<!tpu.dma_semaphore, #tpu.memory_space<semaphore_mem>>) src(%arg12 : memref<72x128xf32, #tpu.memory_space<vmem>>) dst(%dma_wait3A_412 : memref<10016x128xf32, #tpu.memory_space<vmem_shared>>)
      %add3A_413 = arith.constant 4 : i32
      %add3A_414 = arith.addi %add3A_395, %add3A_413 : i32
      %mul3A_415 = arith.constant 72 : i32
      %mul3A_416 = arith.muli %add3A_414, %mul3A_415 : i32
      %dma_start3A_417 = tpu.memref_slice %arg6[%mul3A_416] : memref<10080xi32, #tpu.memory_space<vmem>> -> memref<72xi32, #tpu.memory_space<vmem>>
      %dma_start3A_418 = arith.constant 0 : i32
      %dma_start3A_419 = arith.constant 0 : i32
      %dma_start3A_420 = tpu.memref_slice %arg2[%dma_start3A_418, %dma_start3A_419] : memref<10000x128xf32, #tpu.memory_space<hbm>> -> memref<10000x128xf32, #tpu.memory_space<hbm>>
      tpu.enqueue_indirect_dma source(%dma_start3A_420 : memref<10000x128xf32, #tpu.memory_space<hbm>>) target(%arg12 : memref<72x128xf32, #tpu.memory_space<vmem>>) offsets(%dma_start3A_417 : memref<72xi32, #tpu.memory_space<vmem>>) semaphore(%arg23 : memref<!tpu.dma_semaphore, #tpu.memory_space<semaphore_mem>>)
      %add3A_421 = arith.constant 4 : i32
      %add3A_422 = arith.addi %add3A_395, %add3A_421 : i32
      %mul3A_423 = arith.constant 72 : i32
      %mul3A_424 = arith.muli %add3A_422, %mul3A_423 : i32
      %add3A_425 = arith.addi %mul3A_2, %mul3A_424 : i32
      %dma_start3A_426 = tpu.memref_slice %arg4[%add3A_425] : memref<322560xi32, #tpu.memory_space<hbm>> -> memref<72xi32, #tpu.memory_space<hbm>>
      %dma_start3A_427 = tpu.memref_slice %arg4[%add3A_425] : memref<322560xi32, #tpu.memory_space<hbm>> -> memref<72xi32, #tpu.memory_space<hbm>>
      tpu.enqueue_dma source(%dma_start3A_427 : memref<72xi32, #tpu.memory_space<hbm>>) target(%arg8 : memref<72xi32, #tpu.memory_space<vmem>>) target_semaphore(%arg19 : memref<!tpu.dma_semaphore, #tpu.memory_space<semaphore_mem>>)
      %add3A_428 = arith.constant 2 : i32
      %add3A_429 = arith.addi %add3A_359, %add3A_428 : i32
      %mul3A_430 = arith.constant 72 : i32
      %mul3A_431 = arith.muli %add3A_429, %mul3A_430 : i32
      %add3A_432 = arith.addi %mul3A_2, %mul3A_431 : i32
      %dma_wait3A_433 = tpu.memref_slice %arg4[%add3A_432] : memref<322560xi32, #tpu.memory_space<hbm>> -> memref<72xi32, #tpu.memory_space<hbm>>
      %dma_wait3A_434 = tpu.memref_slice %arg4[%add3A_432] : memref<322560xi32, #tpu.memory_space<hbm>> -> memref<72xi32, #tpu.memory_space<hbm>>
      tpu.wait_dma2 semaphore(%arg20 : memref<!tpu.dma_semaphore, #tpu.memory_space<semaphore_mem>>) src(%dma_wait3A_434 : memref<72xi32, #tpu.memory_space<hbm>>) dst(%arg9 : memref<72xi32, #tpu.memory_space<vmem>>)
      %mul3A_435 = arith.constant 72 : i32
      %mul3A_436 = arith.muli %add3A_429, %mul3A_435 : i32
      %dma_wait3A_437 = tpu.memref_slice %arg6[%mul3A_436] : memref<10080xi32, #tpu.memory_space<vmem>> -> memref<72xi32, #tpu.memory_space<vmem>>
      %dma_wait3A_438 = arith.constant 0 : i32
      %dma_wait3A_439 = arith.constant 0 : i32
      %dma_wait3A_440 = tpu.memref_slice %arg2[%dma_wait3A_438, %dma_wait3A_439] : memref<10000x128xf32, #tpu.memory_space<hbm>> -> memref<10000x128xf32, #tpu.memory_space<hbm>>
      tpu.wait_indirect_dma semaphore(%arg24 : memref<!tpu.dma_semaphore, #tpu.memory_space<semaphore_mem>>) src(%dma_wait3A_440 : memref<10000x128xf32, #tpu.memory_space<hbm>>) dst(%arg13 : memref<72x128xf32, #tpu.memory_space<vmem>>)
      %dma_start3A_441 = arith.constant 0 : i32
      %dma_start3A_442 = arith.constant 0 : i32
      %dma_start3A_443 = tpu.memref_slice %arg15[%dma_start3A_441, %dma_start3A_442] : memref<10016x128xf32, #tpu.memory_space<vmem_shared>> -> memref<10016x128xf32, #tpu.memory_space<vmem_shared>>
      tpu.enqueue_indirect_dma source(%arg13 : memref<72x128xf32, #tpu.memory_space<vmem>>) target(%dma_start3A_443 : memref<10016x128xf32, #tpu.memory_space<vmem_shared>>) offsets(%arg9 : memref<72xi32, #tpu.memory_space<vmem>>) semaphore(%arg28 : memref<!tpu.dma_semaphore, #tpu.memory_space<semaphore_mem>>) {add = true}
      %dma_wait3A_444 = arith.constant 0 : i32
      %dma_wait3A_445 = arith.constant 0 : i32
      %dma_wait3A_446 = tpu.memref_slice %arg15[%dma_wait3A_444, %dma_wait3A_445] : memref<10016x128xf32, #tpu.memory_space<vmem_shared>> -> memref<10016x128xf32, #tpu.memory_space<vmem_shared>>
      tpu.wait_indirect_dma semaphore(%arg28 : memref<!tpu.dma_semaphore, #tpu.memory_space<semaphore_mem>>) src(%arg13 : memref<72x128xf32, #tpu.memory_space<vmem>>) dst(%dma_wait3A_446 : memref<10016x128xf32, #tpu.memory_space<vmem_shared>>)
      %add3A_447 = arith.constant 4 : i32
      %add3A_448 = arith.addi %add3A_429, %add3A_447 : i32
      %mul3A_449 = arith.constant 72 : i32
      %mul3A_450 = arith.muli %add3A_448, %mul3A_449 : i32
      %dma_start3A_451 = tpu.memref_slice %arg6[%mul3A_450] : memref<10080xi32, #tpu.memory_space<vmem>> -> memref<72xi32, #tpu.memory_space<vmem>>
      %dma_start3A_452 = arith.constant 0 : i32
      %dma_start3A_453 = arith.constant 0 : i32
      %dma_start3A_454 = tpu.memref_slice %arg2[%dma_start3A_452, %dma_start3A_453] : memref<10000x128xf32, #tpu.memory_space<hbm>> -> memref<10000x128xf32, #tpu.memory_space<hbm>>
      tpu.enqueue_indirect_dma source(%dma_start3A_454 : memref<10000x128xf32, #tpu.memory_space<hbm>>) target(%arg13 : memref<72x128xf32, #tpu.memory_space<vmem>>) offsets(%dma_start3A_451 : memref<72xi32, #tpu.memory_space<vmem>>) semaphore(%arg24 : memref<!tpu.dma_semaphore, #tpu.memory_space<semaphore_mem>>)
      %add3A_455 = arith.constant 4 : i32
      %add3A_456 = arith.addi %add3A_429, %add3A_455 : i32
      %mul3A_457 = arith.constant 72 : i32
      %mul3A_458 = arith.muli %add3A_456, %mul3A_457 : i32
      %add3A_459 = arith.addi %mul3A_2, %mul3A_458 : i32
      %dma_start3A_460 = tpu.memref_slice %arg4[%add3A_459] : memref<322560xi32, #tpu.memory_space<hbm>> -> memref<72xi32, #tpu.memory_space<hbm>>
      %dma_start3A_461 = tpu.memref_slice %arg4[%add3A_459] : memref<322560xi32, #tpu.memory_space<hbm>> -> memref<72xi32, #tpu.memory_space<hbm>>
      tpu.enqueue_dma source(%dma_start3A_461 : memref<72xi32, #tpu.memory_space<hbm>>) target(%arg9 : memref<72xi32, #tpu.memory_space<vmem>>) target_semaphore(%arg20 : memref<!tpu.dma_semaphore, #tpu.memory_space<semaphore_mem>>)
      %add3A_462 = arith.constant 3 : i32
      %add3A_463 = arith.addi %add3A_359, %add3A_462 : i32
      %mul3A_464 = arith.constant 72 : i32
      %mul3A_465 = arith.muli %add3A_463, %mul3A_464 : i32
      %add3A_466 = arith.addi %mul3A_2, %mul3A_465 : i32
      %dma_wait3A_467 = tpu.memref_slice %arg4[%add3A_466] : memref<322560xi32, #tpu.memory_space<hbm>> -> memref<72xi32, #tpu.memory_space<hbm>>
      %dma_wait3A_468 = tpu.memref_slice %arg4[%add3A_466] : memref<322560xi32, #tpu.memory_space<hbm>> -> memref<72xi32, #tpu.memory_space<hbm>>
      tpu.wait_dma2 semaphore(%arg21 : memref<!tpu.dma_semaphore, #tpu.memory_space<semaphore_mem>>) src(%dma_wait3A_468 : memref<72xi32, #tpu.memory_space<hbm>>) dst(%arg10 : memref<72xi32, #tpu.memory_space<vmem>>)
      %mul3A_469 = arith.constant 72 : i32
      %mul3A_470 = arith.muli %add3A_463, %mul3A_469 : i32
      %dma_wait3A_471 = tpu.memref_slice %arg6[%mul3A_470] : memref<10080xi32, #tpu.memory_space<vmem>> -> memref<72xi32, #tpu.memory_space<vmem>>
      %dma_wait3A_472 = arith.constant 0 : i32
      %dma_wait3A_473 = arith.constant 0 : i32
      %dma_wait3A_474 = tpu.memref_slice %arg2[%dma_wait3A_472, %dma_wait3A_473] : memref<10000x128xf32, #tpu.memory_space<hbm>> -> memref<10000x128xf32, #tpu.memory_space<hbm>>
      tpu.wait_indirect_dma semaphore(%arg25 : memref<!tpu.dma_semaphore, #tpu.memory_space<semaphore_mem>>) src(%dma_wait3A_474 : memref<10000x128xf32, #tpu.memory_space<hbm>>) dst(%arg14 : memref<72x128xf32, #tpu.memory_space<vmem>>)
      %dma_start3A_475 = arith.constant 0 : i32
      %dma_start3A_476 = arith.constant 0 : i32
      %dma_start3A_477 = tpu.memref_slice %arg15[%dma_start3A_475, %dma_start3A_476] : memref<10016x128xf32, #tpu.memory_space<vmem_shared>> -> memref<10016x128xf32, #tpu.memory_space<vmem_shared>>
      tpu.enqueue_indirect_dma source(%arg14 : memref<72x128xf32, #tpu.memory_space<vmem>>) target(%dma_start3A_477 : memref<10016x128xf32, #tpu.memory_space<vmem_shared>>) offsets(%arg10 : memref<72xi32, #tpu.memory_space<vmem>>) semaphore(%arg29 : memref<!tpu.dma_semaphore, #tpu.memory_space<semaphore_mem>>) {add = true}
      %dma_wait3A_478 = arith.constant 0 : i32
      %dma_wait3A_479 = arith.constant 0 : i32
      %dma_wait3A_480 = tpu.memref_slice %arg15[%dma_wait3A_478, %dma_wait3A_479] : memref<10016x128xf32, #tpu.memory_space<vmem_shared>> -> memref<10016x128xf32, #tpu.memory_space<vmem_shared>>
      tpu.wait_indirect_dma semaphore(%arg29 : memref<!tpu.dma_semaphore, #tpu.memory_space<semaphore_mem>>) src(%arg14 : memref<72x128xf32, #tpu.memory_space<vmem>>) dst(%dma_wait3A_480 : memref<10016x128xf32, #tpu.memory_space<vmem_shared>>)
      %add3A_481 = arith.constant 4 : i32
      %add3A_482 = arith.addi %add3A_463, %add3A_481 : i32
      %mul3A_483 = arith.constant 72 : i32
      %mul3A_484 = arith.muli %add3A_482, %mul3A_483 : i32
      %dma_start3A_485 = tpu.memref_slice %arg6[%mul3A_484] : memref<10080xi32, #tpu.memory_space<vmem>> -> memref<72xi32, #tpu.memory_space<vmem>>
      %dma_start3A_486 = arith.constant 0 : i32
      %dma_start3A_487 = arith.constant 0 : i32
      %dma_start3A_488 = tpu.memref_slice %arg2[%dma_start3A_486, %dma_start3A_487] : memref<10000x128xf32, #tpu.memory_space<hbm>> -> memref<10000x128xf32, #tpu.memory_space<hbm>>
      tpu.enqueue_indirect_dma source(%dma_start3A_488 : memref<10000x128xf32, #tpu.memory_space<hbm>>) target(%arg14 : memref<72x128xf32, #tpu.memory_space<vmem>>) offsets(%dma_start3A_485 : memref<72xi32, #tpu.memory_space<vmem>>) semaphore(%arg25 : memref<!tpu.dma_semaphore, #tpu.memory_space<semaphore_mem>>)
      %add3A_489 = arith.constant 4 : i32
      %add3A_490 = arith.addi %add3A_463, %add3A_489 : i32
      %mul3A_491 = arith.constant 72 : i32
      %mul3A_492 = arith.muli %add3A_490, %mul3A_491 : i32
      %add3A_493 = arith.addi %mul3A_2, %mul3A_492 : i32
      %dma_start3A_494 = tpu.memref_slice %arg4[%add3A_493] : memref<322560xi32, #tpu.memory_space<hbm>> -> memref<72xi32, #tpu.memory_space<hbm>>
      %dma_start3A_495 = tpu.memref_slice %arg4[%add3A_493] : memref<322560xi32, #tpu.memory_space<hbm>> -> memref<72xi32, #tpu.memory_space<hbm>>
      tpu.enqueue_dma source(%dma_start3A_495 : memref<72xi32, #tpu.memory_space<hbm>>) target(%arg10 : memref<72xi32, #tpu.memory_space<vmem>>) target_semaphore(%arg21 : memref<!tpu.dma_semaphore, #tpu.memory_space<semaphore_mem>>)
    }
    %scan3A_181 = arith.constant 34 : i32
    %add3A_182 = arith.constant 9792 : i32
    %add3A_183 = arith.addi %mul3A_2, %add3A_182 : i32
    %dma_wait3A_184 = tpu.memref_slice %arg4[%add3A_183] : memref<322560xi32, #tpu.memory_space<hbm>> -> memref<72xi32, #tpu.memory_space<hbm>>
    %dma_wait3A_185 = tpu.memref_slice %arg4[%add3A_183] : memref<322560xi32, #tpu.memory_space<hbm>> -> memref<72xi32, #tpu.memory_space<hbm>>
    tpu.wait_dma2 semaphore(%arg18 : memref<!tpu.dma_semaphore, #tpu.memory_space<semaphore_mem>>) src(%dma_wait3A_185 : memref<72xi32, #tpu.memory_space<hbm>>) dst(%arg7 : memref<72xi32, #tpu.memory_space<vmem>>)
    %dma_wait3A_186 = arith.constant 9792 : i32
    %dma_wait3A_187 = tpu.memref_slice %arg6[%dma_wait3A_186] : memref<10080xi32, #tpu.memory_space<vmem>> -> memref<72xi32, #tpu.memory_space<vmem>>
    %dma_wait3A_188 = arith.constant 0 : i32
    %dma_wait3A_189 = arith.constant 0 : i32
    %dma_wait3A_190 = tpu.memref_slice %arg2[%dma_wait3A_188, %dma_wait3A_189] : memref<10000x128xf32, #tpu.memory_space<hbm>> -> memref<10000x128xf32, #tpu.memory_space<hbm>>
    tpu.wait_indirect_dma semaphore(%arg22 : memref<!tpu.dma_semaphore, #tpu.memory_space<semaphore_mem>>) src(%dma_wait3A_190 : memref<10000x128xf32, #tpu.memory_space<hbm>>) dst(%arg11 : memref<72x128xf32, #tpu.memory_space<vmem>>)
    "tpu.region"() ({
      %run_scoped3A = tpu.sem_alloc : memref<!tpu.dma_semaphore, #tpu.memory_space<semaphore_mem>>
      %dma_start3A_355 = arith.constant 0 : i32
      %dma_start3A_356 = arith.constant 0 : i32
      %dma_start3A_357 = tpu.memref_slice %arg15[%dma_start3A_355, %dma_start3A_356] : memref<10016x128xf32, #tpu.memory_space<vmem_shared>> -> memref<10016x128xf32, #tpu.memory_space<vmem_shared>>
      tpu.enqueue_indirect_dma source(%arg11 : memref<72x128xf32, #tpu.memory_space<vmem>>) target(%dma_start3A_357 : memref<10016x128xf32, #tpu.memory_space<vmem_shared>>) offsets(%arg7 : memref<72xi32, #tpu.memory_space<vmem>>) semaphore(%run_scoped3A : memref<!tpu.dma_semaphore, #tpu.memory_space<semaphore_mem>>) {add = true}
      %dma_wait3A_358 = arith.constant 0 : i32
      %dma_wait3A_359 = arith.constant 0 : i32
      %dma_wait3A_360 = tpu.memref_slice %arg15[%dma_wait3A_358, %dma_wait3A_359] : memref<10016x128xf32, #tpu.memory_space<vmem_shared>> -> memref<10016x128xf32, #tpu.memory_space<vmem_shared>>
      tpu.wait_indirect_dma semaphore(%run_scoped3A : memref<!tpu.dma_semaphore, #tpu.memory_space<semaphore_mem>>) src(%arg11 : memref<72x128xf32, #tpu.memory_space<vmem>>) dst(%dma_wait3A_360 : memref<10016x128xf32, #tpu.memory_space<vmem_shared>>)
      tpu.yield
    }) : () -> ()
    %add3A_191 = arith.constant 9864 : i32
    %add3A_192 = arith.addi %mul3A_2, %add3A_191 : i32
    %dma_wait3A_193 = tpu.memref_slice %arg4[%add3A_192] : memref<322560xi32, #tpu.memory_space<hbm>> -> memref<72xi32, #tpu.memory_space<hbm>>
    %dma_wait3A_194 = tpu.memref_slice %arg4[%add3A_192] : memref<322560xi32, #tpu.memory_space<hbm>> -> memref<72xi32, #tpu.memory_space<hbm>>
    tpu.wait_dma2 semaphore(%arg19 : memref<!tpu.dma_semaphore, #tpu.memory_space<semaphore_mem>>) src(%dma_wait3A_194 : memref<72xi32, #tpu.memory_space<hbm>>) dst(%arg8 : memref<72xi32, #tpu.memory_space<vmem>>)
    %dma_wait3A_195 = arith.constant 9864 : i32
    %dma_wait3A_196 = tpu.memref_slice %arg6[%dma_wait3A_195] : memref<10080xi32, #tpu.memory_space<vmem>> -> memref<72xi32, #tpu.memory_space<vmem>>
    %dma_wait3A_197 = arith.constant 0 : i32
    %dma_wait3A_198 = arith.constant 0 : i32
    %dma_wait3A_199 = tpu.memref_slice %arg2[%dma_wait3A_197, %dma_wait3A_198] : memref<10000x128xf32, #tpu.memory_space<hbm>> -> memref<10000x128xf32, #tpu.memory_space<hbm>>
    tpu.wait_indirect_dma semaphore(%arg23 : memref<!tpu.dma_semaphore, #tpu.memory_space<semaphore_mem>>) src(%dma_wait3A_199 : memref<10000x128xf32, #tpu.memory_space<hbm>>) dst(%arg12 : memref<72x128xf32, #tpu.memory_space<vmem>>)
    "tpu.region"() ({
      %run_scoped3A = tpu.sem_alloc : memref<!tpu.dma_semaphore, #tpu.memory_space<semaphore_mem>>
      %dma_start3A_355 = arith.constant 0 : i32
      %dma_start3A_356 = arith.constant 0 : i32
      %dma_start3A_357 = tpu.memref_slice %arg15[%dma_start3A_355, %dma_start3A_356] : memref<10016x128xf32, #tpu.memory_space<vmem_shared>> -> memref<10016x128xf32, #tpu.memory_space<vmem_shared>>
      tpu.enqueue_indirect_dma source(%arg12 : memref<72x128xf32, #tpu.memory_space<vmem>>) target(%dma_start3A_357 : memref<10016x128xf32, #tpu.memory_space<vmem_shared>>) offsets(%arg8 : memref<72xi32, #tpu.memory_space<vmem>>) semaphore(%run_scoped3A : memref<!tpu.dma_semaphore, #tpu.memory_space<semaphore_mem>>) {add = true}
      %dma_wait3A_358 = arith.constant 0 : i32
      %dma_wait3A_359 = arith.constant 0 : i32
      %dma_wait3A_360 = tpu.memref_slice %arg15[%dma_wait3A_358, %dma_wait3A_359] : memref<10016x128xf32, #tpu.memory_space<vmem_shared>> -> memref<10016x128xf32, #tpu.memory_space<vmem_shared>>
      tpu.wait_indirect_dma semaphore(%run_scoped3A : memref<!tpu.dma_semaphore, #tpu.memory_space<semaphore_mem>>) src(%arg12 : memref<72x128xf32, #tpu.memory_space<vmem>>) dst(%dma_wait3A_360 : memref<10016x128xf32, #tpu.memory_space<vmem_shared>>)
      tpu.yield
    }) : () -> ()
    %add3A_200 = arith.constant 9936 : i32
    %add3A_201 = arith.addi %mul3A_2, %add3A_200 : i32
    %dma_wait3A_202 = tpu.memref_slice %arg4[%add3A_201] : memref<322560xi32, #tpu.memory_space<hbm>> -> memref<72xi32, #tpu.memory_space<hbm>>
    %dma_wait3A_203 = tpu.memref_slice %arg4[%add3A_201] : memref<322560xi32, #tpu.memory_space<hbm>> -> memref<72xi32, #tpu.memory_space<hbm>>
    tpu.wait_dma2 semaphore(%arg20 : memref<!tpu.dma_semaphore, #tpu.memory_space<semaphore_mem>>) src(%dma_wait3A_203 : memref<72xi32, #tpu.memory_space<hbm>>) dst(%arg9 : memref<72xi32, #tpu.memory_space<vmem>>)
    %dma_wait3A_204 = arith.constant 9936 : i32
    %dma_wait3A_205 = tpu.memref_slice %arg6[%dma_wait3A_204] : memref<10080xi32, #tpu.memory_space<vmem>> -> memref<72xi32, #tpu.memory_space<vmem>>
    %dma_wait3A_206 = arith.constant 0 : i32
    %dma_wait3A_207 = arith.constant 0 : i32
    %dma_wait3A_208 = tpu.memref_slice %arg2[%dma_wait3A_206, %dma_wait3A_207] : memref<10000x128xf32, #tpu.memory_space<hbm>> -> memref<10000x128xf32, #tpu.memory_space<hbm>>
    tpu.wait_indirect_dma semaphore(%arg24 : memref<!tpu.dma_semaphore, #tpu.memory_space<semaphore_mem>>) src(%dma_wait3A_208 : memref<10000x128xf32, #tpu.memory_space<hbm>>) dst(%arg13 : memref<72x128xf32, #tpu.memory_space<vmem>>)
    "tpu.region"() ({
      %run_scoped3A = tpu.sem_alloc : memref<!tpu.dma_semaphore, #tpu.memory_space<semaphore_mem>>
      %dma_start3A_355 = arith.constant 0 : i32
      %dma_start3A_356 = arith.constant 0 : i32
      %dma_start3A_357 = tpu.memref_slice %arg15[%dma_start3A_355, %dma_start3A_356] : memref<10016x128xf32, #tpu.memory_space<vmem_shared>> -> memref<10016x128xf32, #tpu.memory_space<vmem_shared>>
      tpu.enqueue_indirect_dma source(%arg13 : memref<72x128xf32, #tpu.memory_space<vmem>>) target(%dma_start3A_357 : memref<10016x128xf32, #tpu.memory_space<vmem_shared>>) offsets(%arg9 : memref<72xi32, #tpu.memory_space<vmem>>) semaphore(%run_scoped3A : memref<!tpu.dma_semaphore, #tpu.memory_space<semaphore_mem>>) {add = true}
      %dma_wait3A_358 = arith.constant 0 : i32
      %dma_wait3A_359 = arith.constant 0 : i32
      %dma_wait3A_360 = tpu.memref_slice %arg15[%dma_wait3A_358, %dma_wait3A_359] : memref<10016x128xf32, #tpu.memory_space<vmem_shared>> -> memref<10016x128xf32, #tpu.memory_space<vmem_shared>>
      tpu.wait_indirect_dma semaphore(%run_scoped3A : memref<!tpu.dma_semaphore, #tpu.memory_space<semaphore_mem>>) src(%arg13 : memref<72x128xf32, #tpu.memory_space<vmem>>) dst(%dma_wait3A_360 : memref<10016x128xf32, #tpu.memory_space<vmem_shared>>)
      tpu.yield
    }) : () -> ()
    %add3A_209 = arith.constant 10008 : i32
    %add3A_210 = arith.addi %mul3A_2, %add3A_209 : i32
    %dma_wait3A_211 = tpu.memref_slice %arg4[%add3A_210] : memref<322560xi32, #tpu.memory_space<hbm>> -> memref<72xi32, #tpu.memory_space<hbm>>
    %dma_wait3A_212 = tpu.memref_slice %arg4[%add3A_210] : memref<322560xi32, #tpu.memory_space<hbm>> -> memref<72xi32, #tpu.memory_space<hbm>>
    tpu.wait_dma2 semaphore(%arg21 : memref<!tpu.dma_semaphore, #tpu.memory_space<semaphore_mem>>) src(%dma_wait3A_212 : memref<72xi32, #tpu.memory_space<hbm>>) dst(%arg10 : memref<72xi32, #tpu.memory_space<vmem>>)
    %dma_wait3A_213 = arith.constant 10008 : i32
    %dma_wait3A_214 = tpu.memref_slice %arg6[%dma_wait3A_213] : memref<10080xi32, #tpu.memory_space<vmem>> -> memref<72xi32, #tpu.memory_space<vmem>>
    %dma_wait3A_215 = arith.constant 0 : i32
    %dma_wait3A_216 = arith.constant 0 : i32
    %dma_wait3A_217 = tpu.memref_slice %arg2[%dma_wait3A_215, %dma_wait3A_216] : memref<10000x128xf32, #tpu.memory_space<hbm>> -> memref<10000x128xf32, #tpu.memory_space<hbm>>
    tpu.wait_indirect_dma semaphore(%arg25 : memref<!tpu.dma_semaphore, #tpu.memory_space<semaphore_mem>>) src(%dma_wait3A_217 : memref<10000x128xf32, #tpu.memory_space<hbm>>) dst(%arg14 : memref<72x128xf32, #tpu.memory_space<vmem>>)
    "tpu.region"() ({
      %run_scoped3A = tpu.sem_alloc : memref<!tpu.dma_semaphore, #tpu.memory_space<semaphore_mem>>
      %dma_start3A_355 = arith.constant 0 : i32
      %dma_start3A_356 = arith.constant 0 : i32
      %dma_start3A_357 = tpu.memref_slice %arg15[%dma_start3A_355, %dma_start3A_356] : memref<10016x128xf32, #tpu.memory_space<vmem_shared>> -> memref<10016x128xf32, #tpu.memory_space<vmem_shared>>
      tpu.enqueue_indirect_dma source(%arg14 : memref<72x128xf32, #tpu.memory_space<vmem>>) target(%dma_start3A_357 : memref<10016x128xf32, #tpu.memory_space<vmem_shared>>) offsets(%arg10 : memref<72xi32, #tpu.memory_space<vmem>>) semaphore(%run_scoped3A : memref<!tpu.dma_semaphore, #tpu.memory_space<semaphore_mem>>) {add = true}
      %dma_wait3A_358 = arith.constant 0 : i32
      %dma_wait3A_359 = arith.constant 0 : i32
      %dma_wait3A_360 = tpu.memref_slice %arg15[%dma_wait3A_358, %dma_wait3A_359] : memref<10016x128xf32, #tpu.memory_space<vmem_shared>> -> memref<10016x128xf32, #tpu.memory_space<vmem_shared>>
      tpu.wait_indirect_dma semaphore(%run_scoped3A : memref<!tpu.dma_semaphore, #tpu.memory_space<semaphore_mem>>) src(%arg14 : memref<72x128xf32, #tpu.memory_space<vmem>>) dst(%dma_wait3A_360 : memref<10016x128xf32, #tpu.memory_space<vmem_shared>>)
      tpu.yield
    }) : () -> ()
    %barrier3A_218 = arith.constant 0 : index
    tpu.barrier barrier_id(%barrier3A_218)
    %add3A_219 = arith.constant 0 : i32
    %add3A_220 = arith.addi %arg1, %add3A_219 : i32
    %lt3A_221 = arith.constant 138 : i32
    %lt3A_222 = arith.cmpi slt, %add3A_220, %lt3A_221 : i32
    %convert_element_type3A_223 = arith.extui %lt3A_222 : i1 to i32
    %cond3A_224 = arith.constant 0 : i32
    %cond3A_225 = arith.cmpi ne, %convert_element_type3A_223, %cond3A_224 : i32
    scf.if %cond3A_225 {
      %mul3A_355 = arith.constant 72 : i32
      %mul3A_356 = arith.muli %add3A_220, %mul3A_355 : i32
      %mul3A_357 = arith.constant 72 : i32
      %mul3A_358 = arith.muli %add3A_220, %mul3A_357 : i32
      %dma_start3A_359 = arith.constant 0 : i32
      %dma_start3A_360 = tpu.memref_slice %arg5[%arg0, %mul3A_358, %dma_start3A_359] : memref<2x10000x128xf32, #tpu.memory_space<hbm>> -> memref<1x72x128xf32, #tpu.memory_space<hbm>>
      %dma_start3A_361 = tpu.memref_squeeze %dma_start3A_360 : memref<1x72x128xf32, #tpu.memory_space<hbm>> -> memref<72x128xf32, #tpu.memory_space<hbm>>
      %dma_start3A_362 = arith.constant 0 : i32
      %dma_start3A_363 = tpu.memref_slice %arg15[%mul3A_356, %dma_start3A_362] : memref<10016x128xf32, #tpu.memory_space<vmem_shared>> -> memref<72x128xf32, #tpu.memory_space<vmem_shared>>
      tpu.enqueue_dma source(%dma_start3A_363 : memref<72x128xf32, #tpu.memory_space<vmem_shared>>) target(%dma_start3A_361 : memref<72x128xf32, #tpu.memory_space<hbm>>) target_semaphore(%arg17 : memref<!tpu.dma_semaphore, #tpu.memory_space<semaphore_mem>>)
    } else {
    }
    %add3A_226 = arith.constant 16 : i32
    %add3A_227 = arith.addi %arg1, %add3A_226 : i32
    %lt3A_228 = arith.constant 138 : i32
    %lt3A_229 = arith.cmpi slt, %add3A_227, %lt3A_228 : i32
    %convert_element_type3A_230 = arith.extui %lt3A_229 : i1 to i32
    %cond3A_231 = arith.constant 0 : i32
    %cond3A_232 = arith.cmpi ne, %convert_element_type3A_230, %cond3A_231 : i32
    scf.if %cond3A_232 {
      %mul3A_355 = arith.constant 72 : i32
      %mul3A_356 = arith.muli %add3A_227, %mul3A_355 : i32
      %mul3A_357 = arith.constant 72 : i32
      %mul3A_358 = arith.muli %add3A_227, %mul3A_357 : i32
      %dma_start3A_359 = arith.constant 0 : i32
      %dma_start3A_360 = tpu.memref_slice %arg5[%arg0, %mul3A_358, %dma_start3A_359] : memref<2x10000x128xf32, #tpu.memory_space<hbm>> -> memref<1x72x128xf32, #tpu.memory_space<hbm>>
      %dma_start3A_361 = tpu.memref_squeeze %dma_start3A_360 : memref<1x72x128xf32, #tpu.memory_space<hbm>> -> memref<72x128xf32, #tpu.memory_space<hbm>>
      %dma_start3A_362 = arith.constant 0 : i32
      %dma_start3A_363 = tpu.memref_slice %arg15[%mul3A_356, %dma_start3A_362] : memref<10016x128xf32, #tpu.memory_space<vmem_shared>> -> memref<72x128xf32, #tpu.memory_space<vmem_shared>>
      tpu.enqueue_dma source(%dma_start3A_363 : memref<72x128xf32, #tpu.memory_space<vmem_shared>>) target(%dma_start3A_361 : memref<72x128xf32, #tpu.memory_space<hbm>>) target_semaphore(%arg17 : memref<!tpu.dma_semaphore, #tpu.memory_space<semaphore_mem>>)
    } else {
    }
    %add3A_233 = arith.constant 32 : i32
    %add3A_234 = arith.addi %arg1, %add3A_233 : i32
    %lt3A_235 = arith.constant 138 : i32
    %lt3A_236 = arith.cmpi slt, %add3A_234, %lt3A_235 : i32
    %convert_element_type3A_237 = arith.extui %lt3A_236 : i1 to i32
    %cond3A_238 = arith.constant 0 : i32
    %cond3A_239 = arith.cmpi ne, %convert_element_type3A_237, %cond3A_238 : i32
    scf.if %cond3A_239 {
      %mul3A_355 = arith.constant 72 : i32
      %mul3A_356 = arith.muli %add3A_234, %mul3A_355 : i32
      %mul3A_357 = arith.constant 72 : i32
      %mul3A_358 = arith.muli %add3A_234, %mul3A_357 : i32
      %dma_start3A_359 = arith.constant 0 : i32
      %dma_start3A_360 = tpu.memref_slice %arg5[%arg0, %mul3A_358, %dma_start3A_359] : memref<2x10000x128xf32, #tpu.memory_space<hbm>> -> memref<1x72x128xf32, #tpu.memory_space<hbm>>
      %dma_start3A_361 = tpu.memref_squeeze %dma_start3A_360 : memref<1x72x128xf32, #tpu.memory_space<hbm>> -> memref<72x128xf32, #tpu.memory_space<hbm>>
      %dma_start3A_362 = arith.constant 0 : i32
      %dma_start3A_363 = tpu.memref_slice %arg15[%mul3A_356, %dma_start3A_362] : memref<10016x128xf32, #tpu.memory_space<vmem_shared>> -> memref<72x128xf32, #tpu.memory_space<vmem_shared>>
      tpu.enqueue_dma source(%dma_start3A_363 : memref<72x128xf32, #tpu.memory_space<vmem_shared>>) target(%dma_start3A_361 : memref<72x128xf32, #tpu.memory_space<hbm>>) target_semaphore(%arg17 : memref<!tpu.dma_semaphore, #tpu.memory_space<semaphore_mem>>)
    } else {
    }
    %add3A_240 = arith.constant 48 : i32
    %add3A_241 = arith.addi %arg1, %add3A_240 : i32
    %lt3A_242 = arith.constant 138 : i32
    %lt3A_243 = arith.cmpi slt, %add3A_241, %lt3A_242 : i32
    %convert_element_type3A_244 = arith.extui %lt3A_243 : i1 to i32
    %cond3A_245 = arith.constant 0 : i32
    %cond3A_246 = arith.cmpi ne, %convert_element_type3A_244, %cond3A_245 : i32
    scf.if %cond3A_246 {
      %mul3A_355 = arith.constant 72 : i32
      %mul3A_356 = arith.muli %add3A_241, %mul3A_355 : i32
      %mul3A_357 = arith.constant 72 : i32
      %mul3A_358 = arith.muli %add3A_241, %mul3A_357 : i32
      %dma_start3A_359 = arith.constant 0 : i32
      %dma_start3A_360 = tpu.memref_slice %arg5[%arg0, %mul3A_358, %dma_start3A_359] : memref<2x10000x128xf32, #tpu.memory_space<hbm>> -> memref<1x72x128xf32, #tpu.memory_space<hbm>>
      %dma_start3A_361 = tpu.memref_squeeze %dma_start3A_360 : memref<1x72x128xf32, #tpu.memory_space<hbm>> -> memref<72x128xf32, #tpu.memory_space<hbm>>
      %dma_start3A_362 = arith.constant 0 : i32
      %dma_start3A_363 = tpu.memref_slice %arg15[%mul3A_356, %dma_start3A_362] : memref<10016x128xf32, #tpu.memory_space<vmem_shared>> -> memref<72x128xf32, #tpu.memory_space<vmem_shared>>
      tpu.enqueue_dma source(%dma_start3A_363 : memref<72x128xf32, #tpu.memory_space<vmem_shared>>) target(%dma_start3A_361 : memref<72x128xf32, #tpu.memory_space<hbm>>) target_semaphore(%arg17 : memref<!tpu.dma_semaphore, #tpu.memory_space<semaphore_mem>>)
    } else {
    }
    %add3A_247 = arith.constant 64 : i32
    %add3A_248 = arith.addi %arg1, %add3A_247 : i32
    %lt3A_249 = arith.constant 138 : i32
    %lt3A_250 = arith.cmpi slt, %add3A_248, %lt3A_249 : i32
    %convert_element_type3A_251 = arith.extui %lt3A_250 : i1 to i32
    %cond3A_252 = arith.constant 0 : i32
    %cond3A_253 = arith.cmpi ne, %convert_element_type3A_251, %cond3A_252 : i32
    scf.if %cond3A_253 {
      %mul3A_355 = arith.constant 72 : i32
      %mul3A_356 = arith.muli %add3A_248, %mul3A_355 : i32
      %mul3A_357 = arith.constant 72 : i32
      %mul3A_358 = arith.muli %add3A_248, %mul3A_357 : i32
      %dma_start3A_359 = arith.constant 0 : i32
      %dma_start3A_360 = tpu.memref_slice %arg5[%arg0, %mul3A_358, %dma_start3A_359] : memref<2x10000x128xf32, #tpu.memory_space<hbm>> -> memref<1x72x128xf32, #tpu.memory_space<hbm>>
      %dma_start3A_361 = tpu.memref_squeeze %dma_start3A_360 : memref<1x72x128xf32, #tpu.memory_space<hbm>> -> memref<72x128xf32, #tpu.memory_space<hbm>>
      %dma_start3A_362 = arith.constant 0 : i32
      %dma_start3A_363 = tpu.memref_slice %arg15[%mul3A_356, %dma_start3A_362] : memref<10016x128xf32, #tpu.memory_space<vmem_shared>> -> memref<72x128xf32, #tpu.memory_space<vmem_shared>>
      tpu.enqueue_dma source(%dma_start3A_363 : memref<72x128xf32, #tpu.memory_space<vmem_shared>>) target(%dma_start3A_361 : memref<72x128xf32, #tpu.memory_space<hbm>>) target_semaphore(%arg17 : memref<!tpu.dma_semaphore, #tpu.memory_space<semaphore_mem>>)
    } else {
    }
    %add3A_254 = arith.constant 80 : i32
    %add3A_255 = arith.addi %arg1, %add3A_254 : i32
    %lt3A_256 = arith.constant 138 : i32
    %lt3A_257 = arith.cmpi slt, %add3A_255, %lt3A_256 : i32
    %convert_element_type3A_258 = arith.extui %lt3A_257 : i1 to i32
    %cond3A_259 = arith.constant 0 : i32
    %cond3A_260 = arith.cmpi ne, %convert_element_type3A_258, %cond3A_259 : i32
    scf.if %cond3A_260 {
      %mul3A_355 = arith.constant 72 : i32
      %mul3A_356 = arith.muli %add3A_255, %mul3A_355 : i32
      %mul3A_357 = arith.constant 72 : i32
      %mul3A_358 = arith.muli %add3A_255, %mul3A_357 : i32
      %dma_start3A_359 = arith.constant 0 : i32
      %dma_start3A_360 = tpu.memref_slice %arg5[%arg0, %mul3A_358, %dma_start3A_359] : memref<2x10000x128xf32, #tpu.memory_space<hbm>> -> memref<1x72x128xf32, #tpu.memory_space<hbm>>
      %dma_start3A_361 = tpu.memref_squeeze %dma_start3A_360 : memref<1x72x128xf32, #tpu.memory_space<hbm>> -> memref<72x128xf32, #tpu.memory_space<hbm>>
      %dma_start3A_362 = arith.constant 0 : i32
      %dma_start3A_363 = tpu.memref_slice %arg15[%mul3A_356, %dma_start3A_362] : memref<10016x128xf32, #tpu.memory_space<vmem_shared>> -> memref<72x128xf32, #tpu.memory_space<vmem_shared>>
      tpu.enqueue_dma source(%dma_start3A_363 : memref<72x128xf32, #tpu.memory_space<vmem_shared>>) target(%dma_start3A_361 : memref<72x128xf32, #tpu.memory_space<hbm>>) target_semaphore(%arg17 : memref<!tpu.dma_semaphore, #tpu.memory_space<semaphore_mem>>)
    } else {
    }
    %add3A_261 = arith.constant 96 : i32
    %add3A_262 = arith.addi %arg1, %add3A_261 : i32
    %lt3A_263 = arith.constant 138 : i32
    %lt3A_264 = arith.cmpi slt, %add3A_262, %lt3A_263 : i32
    %convert_element_type3A_265 = arith.extui %lt3A_264 : i1 to i32
    %cond3A_266 = arith.constant 0 : i32
    %cond3A_267 = arith.cmpi ne, %convert_element_type3A_265, %cond3A_266 : i32
    scf.if %cond3A_267 {
      %mul3A_355 = arith.constant 72 : i32
      %mul3A_356 = arith.muli %add3A_262, %mul3A_355 : i32
      %mul3A_357 = arith.constant 72 : i32
      %mul3A_358 = arith.muli %add3A_262, %mul3A_357 : i32
      %dma_start3A_359 = arith.constant 0 : i32
      %dma_start3A_360 = tpu.memref_slice %arg5[%arg0, %mul3A_358, %dma_start3A_359] : memref<2x10000x128xf32, #tpu.memory_space<hbm>> -> memref<1x72x128xf32, #tpu.memory_space<hbm>>
      %dma_start3A_361 = tpu.memref_squeeze %dma_start3A_360 : memref<1x72x128xf32, #tpu.memory_space<hbm>> -> memref<72x128xf32, #tpu.memory_space<hbm>>
      %dma_start3A_362 = arith.constant 0 : i32
      %dma_start3A_363 = tpu.memref_slice %arg15[%mul3A_356, %dma_start3A_362] : memref<10016x128xf32, #tpu.memory_space<vmem_shared>> -> memref<72x128xf32, #tpu.memory_space<vmem_shared>>
      tpu.enqueue_dma source(%dma_start3A_363 : memref<72x128xf32, #tpu.memory_space<vmem_shared>>) target(%dma_start3A_361 : memref<72x128xf32, #tpu.memory_space<hbm>>) target_semaphore(%arg17 : memref<!tpu.dma_semaphore, #tpu.memory_space<semaphore_mem>>)
    } else {
    }
    %add3A_268 = arith.constant 112 : i32
    %add3A_269 = arith.addi %arg1, %add3A_268 : i32
    %lt3A_270 = arith.constant 138 : i32
    %lt3A_271 = arith.cmpi slt, %add3A_269, %lt3A_270 : i32
    %convert_element_type3A_272 = arith.extui %lt3A_271 : i1 to i32
    %cond3A_273 = arith.constant 0 : i32
    %cond3A_274 = arith.cmpi ne, %convert_element_type3A_272, %cond3A_273 : i32
    scf.if %cond3A_274 {
      %mul3A_355 = arith.constant 72 : i32
      %mul3A_356 = arith.muli %add3A_269, %mul3A_355 : i32
      %mul3A_357 = arith.constant 72 : i32
      %mul3A_358 = arith.muli %add3A_269, %mul3A_357 : i32
      %dma_start3A_359 = arith.constant 0 : i32
      %dma_start3A_360 = tpu.memref_slice %arg5[%arg0, %mul3A_358, %dma_start3A_359] : memref<2x10000x128xf32, #tpu.memory_space<hbm>> -> memref<1x72x128xf32, #tpu.memory_space<hbm>>
      %dma_start3A_361 = tpu.memref_squeeze %dma_start3A_360 : memref<1x72x128xf32, #tpu.memory_space<hbm>> -> memref<72x128xf32, #tpu.memory_space<hbm>>
      %dma_start3A_362 = arith.constant 0 : i32
      %dma_start3A_363 = tpu.memref_slice %arg15[%mul3A_356, %dma_start3A_362] : memref<10016x128xf32, #tpu.memory_space<vmem_shared>> -> memref<72x128xf32, #tpu.memory_space<vmem_shared>>
      tpu.enqueue_dma source(%dma_start3A_363 : memref<72x128xf32, #tpu.memory_space<vmem_shared>>) target(%dma_start3A_361 : memref<72x128xf32, #tpu.memory_space<hbm>>) target_semaphore(%arg17 : memref<!tpu.dma_semaphore, #tpu.memory_space<semaphore_mem>>)
    } else {
    }
    %add3A_275 = arith.constant 128 : i32
    %add3A_276 = arith.addi %arg1, %add3A_275 : i32
    %lt3A_277 = arith.constant 138 : i32
    %lt3A_278 = arith.cmpi slt, %add3A_276, %lt3A_277 : i32
    %convert_element_type3A_279 = arith.extui %lt3A_278 : i1 to i32
    %cond3A_280 = arith.constant 0 : i32
    %cond3A_281 = arith.cmpi ne, %convert_element_type3A_279, %cond3A_280 : i32
    scf.if %cond3A_281 {
      %mul3A_355 = arith.constant 72 : i32
      %mul3A_356 = arith.muli %add3A_276, %mul3A_355 : i32
      %mul3A_357 = arith.constant 72 : i32
      %mul3A_358 = arith.muli %add3A_276, %mul3A_357 : i32
      %dma_start3A_359 = arith.constant 0 : i32
      %dma_start3A_360 = tpu.memref_slice %arg5[%arg0, %mul3A_358, %dma_start3A_359] : memref<2x10000x128xf32, #tpu.memory_space<hbm>> -> memref<1x72x128xf32, #tpu.memory_space<hbm>>
      %dma_start3A_361 = tpu.memref_squeeze %dma_start3A_360 : memref<1x72x128xf32, #tpu.memory_space<hbm>> -> memref<72x128xf32, #tpu.memory_space<hbm>>
      %dma_start3A_362 = arith.constant 0 : i32
      %dma_start3A_363 = tpu.memref_slice %arg15[%mul3A_356, %dma_start3A_362] : memref<10016x128xf32, #tpu.memory_space<vmem_shared>> -> memref<72x128xf32, #tpu.memory_space<vmem_shared>>
      tpu.enqueue_dma source(%dma_start3A_363 : memref<72x128xf32, #tpu.memory_space<vmem_shared>>) target(%dma_start3A_361 : memref<72x128xf32, #tpu.memory_space<hbm>>) target_semaphore(%arg17 : memref<!tpu.dma_semaphore, #tpu.memory_space<semaphore_mem>>)
    } else {
    }
    %eq3A_282 = arith.constant 0 : i32
    %eq3A_283 = arith.cmpi eq, %arg1, %eq3A_282 : i32
    %convert_element_type3A_284 = arith.extui %eq3A_283 : i1 to i32
    %cond3A_285 = arith.constant 0 : i32
    %cond3A_286 = arith.cmpi ne, %convert_element_type3A_284, %cond3A_285 : i32
    scf.if %cond3A_286 {
      %dma_start3A_355 = arith.constant 9936 : i32
      %dma_start3A_356 = arith.constant 0 : i32
      %dma_start3A_357 = tpu.memref_slice %arg5[%arg0, %dma_start3A_355, %dma_start3A_356] : memref<2x10000x128xf32, #tpu.memory_space<hbm>> -> memref<1x64x128xf32, #tpu.memory_space<hbm>>
      %dma_start3A_358 = tpu.memref_squeeze %dma_start3A_357 : memref<1x64x128xf32, #tpu.memory_space<hbm>> -> memref<64x128xf32, #tpu.memory_space<hbm>>
      %dma_start3A_359 = arith.constant 9936 : i32
      %dma_start3A_360 = arith.constant 0 : i32
      %dma_start3A_361 = tpu.memref_slice %arg15[%dma_start3A_359, %dma_start3A_360] : memref<10016x128xf32, #tpu.memory_space<vmem_shared>> -> memref<64x128xf32, #tpu.memory_space<vmem_shared>>
      tpu.enqueue_dma source(%dma_start3A_361 : memref<64x128xf32, #tpu.memory_space<vmem_shared>>) target(%dma_start3A_358 : memref<64x128xf32, #tpu.memory_space<hbm>>) target_semaphore(%arg17 : memref<!tpu.dma_semaphore, #tpu.memory_space<semaphore_mem>>)
    } else {
    }
    %add3A_287 = arith.constant 0 : i32
    %add3A_288 = arith.addi %arg1, %add3A_287 : i32
    %lt3A_289 = arith.constant 138 : i32
    %lt3A_290 = arith.cmpi slt, %add3A_288, %lt3A_289 : i32
    %convert_element_type3A_291 = arith.extui %lt3A_290 : i1 to i32
    %cond3A_292 = arith.constant 0 : i32
    %cond3A_293 = arith.cmpi ne, %convert_element_type3A_291, %cond3A_292 : i32
    scf.if %cond3A_293 {
      %mul3A_355 = arith.constant 72 : i32
      %mul3A_356 = arith.muli %add3A_288, %mul3A_355 : i32
      %mul3A_357 = arith.constant 72 : i32
      %mul3A_358 = arith.muli %add3A_288, %mul3A_357 : i32
      %dma_wait3A_359 = arith.constant 0 : i32
      %dma_wait3A_360 = tpu.memref_slice %arg5[%arg0, %mul3A_358, %dma_wait3A_359] : memref<2x10000x128xf32, #tpu.memory_space<hbm>> -> memref<1x72x128xf32, #tpu.memory_space<hbm>>
      %dma_wait3A_361 = tpu.memref_squeeze %dma_wait3A_360 : memref<1x72x128xf32, #tpu.memory_space<hbm>> -> memref<72x128xf32, #tpu.memory_space<hbm>>
      %dma_wait3A_362 = arith.constant 0 : i32
      %dma_wait3A_363 = tpu.memref_slice %arg15[%mul3A_356, %dma_wait3A_362] : memref<10016x128xf32, #tpu.memory_space<vmem_shared>> -> memref<72x128xf32, #tpu.memory_space<vmem_shared>>
      tpu.wait_dma2 semaphore(%arg17 : memref<!tpu.dma_semaphore, #tpu.memory_space<semaphore_mem>>) src(%dma_wait3A_363 : memref<72x128xf32, #tpu.memory_space<vmem_shared>>) dst(%dma_wait3A_361 : memref<72x128xf32, #tpu.memory_space<hbm>>)
    } else {
    }
    %add3A_294 = arith.constant 16 : i32
    %add3A_295 = arith.addi %arg1, %add3A_294 : i32
    %lt3A_296 = arith.constant 138 : i32
    %lt3A_297 = arith.cmpi slt, %add3A_295, %lt3A_296 : i32
    %convert_element_type3A_298 = arith.extui %lt3A_297 : i1 to i32
    %cond3A_299 = arith.constant 0 : i32
    %cond3A_300 = arith.cmpi ne, %convert_element_type3A_298, %cond3A_299 : i32
    scf.if %cond3A_300 {
      %mul3A_355 = arith.constant 72 : i32
      %mul3A_356 = arith.muli %add3A_295, %mul3A_355 : i32
      %mul3A_357 = arith.constant 72 : i32
      %mul3A_358 = arith.muli %add3A_295, %mul3A_357 : i32
      %dma_wait3A_359 = arith.constant 0 : i32
      %dma_wait3A_360 = tpu.memref_slice %arg5[%arg0, %mul3A_358, %dma_wait3A_359] : memref<2x10000x128xf32, #tpu.memory_space<hbm>> -> memref<1x72x128xf32, #tpu.memory_space<hbm>>
      %dma_wait3A_361 = tpu.memref_squeeze %dma_wait3A_360 : memref<1x72x128xf32, #tpu.memory_space<hbm>> -> memref<72x128xf32, #tpu.memory_space<hbm>>
      %dma_wait3A_362 = arith.constant 0 : i32
      %dma_wait3A_363 = tpu.memref_slice %arg15[%mul3A_356, %dma_wait3A_362] : memref<10016x128xf32, #tpu.memory_space<vmem_shared>> -> memref<72x128xf32, #tpu.memory_space<vmem_shared>>
      tpu.wait_dma2 semaphore(%arg17 : memref<!tpu.dma_semaphore, #tpu.memory_space<semaphore_mem>>) src(%dma_wait3A_363 : memref<72x128xf32, #tpu.memory_space<vmem_shared>>) dst(%dma_wait3A_361 : memref<72x128xf32, #tpu.memory_space<hbm>>)
    } else {
    }
    %add3A_301 = arith.constant 32 : i32
    %add3A_302 = arith.addi %arg1, %add3A_301 : i32
    %lt3A_303 = arith.constant 138 : i32
    %lt3A_304 = arith.cmpi slt, %add3A_302, %lt3A_303 : i32
    %convert_element_type3A_305 = arith.extui %lt3A_304 : i1 to i32
    %cond3A_306 = arith.constant 0 : i32
    %cond3A_307 = arith.cmpi ne, %convert_element_type3A_305, %cond3A_306 : i32
    scf.if %cond3A_307 {
      %mul3A_355 = arith.constant 72 : i32
      %mul3A_356 = arith.muli %add3A_302, %mul3A_355 : i32
      %mul3A_357 = arith.constant 72 : i32
      %mul3A_358 = arith.muli %add3A_302, %mul3A_357 : i32
      %dma_wait3A_359 = arith.constant 0 : i32
      %dma_wait3A_360 = tpu.memref_slice %arg5[%arg0, %mul3A_358, %dma_wait3A_359] : memref<2x10000x128xf32, #tpu.memory_space<hbm>> -> memref<1x72x128xf32, #tpu.memory_space<hbm>>
      %dma_wait3A_361 = tpu.memref_squeeze %dma_wait3A_360 : memref<1x72x128xf32, #tpu.memory_space<hbm>> -> memref<72x128xf32, #tpu.memory_space<hbm>>
      %dma_wait3A_362 = arith.constant 0 : i32
      %dma_wait3A_363 = tpu.memref_slice %arg15[%mul3A_356, %dma_wait3A_362] : memref<10016x128xf32, #tpu.memory_space<vmem_shared>> -> memref<72x128xf32, #tpu.memory_space<vmem_shared>>
      tpu.wait_dma2 semaphore(%arg17 : memref<!tpu.dma_semaphore, #tpu.memory_space<semaphore_mem>>) src(%dma_wait3A_363 : memref<72x128xf32, #tpu.memory_space<vmem_shared>>) dst(%dma_wait3A_361 : memref<72x128xf32, #tpu.memory_space<hbm>>)
    } else {
    }
    %add3A_308 = arith.constant 48 : i32
    %add3A_309 = arith.addi %arg1, %add3A_308 : i32
    %lt3A_310 = arith.constant 138 : i32
    %lt3A_311 = arith.cmpi slt, %add3A_309, %lt3A_310 : i32
    %convert_element_type3A_312 = arith.extui %lt3A_311 : i1 to i32
    %cond3A_313 = arith.constant 0 : i32
    %cond3A_314 = arith.cmpi ne, %convert_element_type3A_312, %cond3A_313 : i32
    scf.if %cond3A_314 {
      %mul3A_355 = arith.constant 72 : i32
      %mul3A_356 = arith.muli %add3A_309, %mul3A_355 : i32
      %mul3A_357 = arith.constant 72 : i32
      %mul3A_358 = arith.muli %add3A_309, %mul3A_357 : i32
      %dma_wait3A_359 = arith.constant 0 : i32
      %dma_wait3A_360 = tpu.memref_slice %arg5[%arg0, %mul3A_358, %dma_wait3A_359] : memref<2x10000x128xf32, #tpu.memory_space<hbm>> -> memref<1x72x128xf32, #tpu.memory_space<hbm>>
      %dma_wait3A_361 = tpu.memref_squeeze %dma_wait3A_360 : memref<1x72x128xf32, #tpu.memory_space<hbm>> -> memref<72x128xf32, #tpu.memory_space<hbm>>
      %dma_wait3A_362 = arith.constant 0 : i32
      %dma_wait3A_363 = tpu.memref_slice %arg15[%mul3A_356, %dma_wait3A_362] : memref<10016x128xf32, #tpu.memory_space<vmem_shared>> -> memref<72x128xf32, #tpu.memory_space<vmem_shared>>
      tpu.wait_dma2 semaphore(%arg17 : memref<!tpu.dma_semaphore, #tpu.memory_space<semaphore_mem>>) src(%dma_wait3A_363 : memref<72x128xf32, #tpu.memory_space<vmem_shared>>) dst(%dma_wait3A_361 : memref<72x128xf32, #tpu.memory_space<hbm>>)
    } else {
    }
    %add3A_315 = arith.constant 64 : i32
    %add3A_316 = arith.addi %arg1, %add3A_315 : i32
    %lt3A_317 = arith.constant 138 : i32
    %lt3A_318 = arith.cmpi slt, %add3A_316, %lt3A_317 : i32
    %convert_element_type3A_319 = arith.extui %lt3A_318 : i1 to i32
    %cond3A_320 = arith.constant 0 : i32
    %cond3A_321 = arith.cmpi ne, %convert_element_type3A_319, %cond3A_320 : i32
    scf.if %cond3A_321 {
      %mul3A_355 = arith.constant 72 : i32
      %mul3A_356 = arith.muli %add3A_316, %mul3A_355 : i32
      %mul3A_357 = arith.constant 72 : i32
      %mul3A_358 = arith.muli %add3A_316, %mul3A_357 : i32
      %dma_wait3A_359 = arith.constant 0 : i32
      %dma_wait3A_360 = tpu.memref_slice %arg5[%arg0, %mul3A_358, %dma_wait3A_359] : memref<2x10000x128xf32, #tpu.memory_space<hbm>> -> memref<1x72x128xf32, #tpu.memory_space<hbm>>
      %dma_wait3A_361 = tpu.memref_squeeze %dma_wait3A_360 : memref<1x72x128xf32, #tpu.memory_space<hbm>> -> memref<72x128xf32, #tpu.memory_space<hbm>>
      %dma_wait3A_362 = arith.constant 0 : i32
      %dma_wait3A_363 = tpu.memref_slice %arg15[%mul3A_356, %dma_wait3A_362] : memref<10016x128xf32, #tpu.memory_space<vmem_shared>> -> memref<72x128xf32, #tpu.memory_space<vmem_shared>>
      tpu.wait_dma2 semaphore(%arg17 : memref<!tpu.dma_semaphore, #tpu.memory_space<semaphore_mem>>) src(%dma_wait3A_363 : memref<72x128xf32, #tpu.memory_space<vmem_shared>>) dst(%dma_wait3A_361 : memref<72x128xf32, #tpu.memory_space<hbm>>)
    } else {
    }
    %add3A_322 = arith.constant 80 : i32
    %add3A_323 = arith.addi %arg1, %add3A_322 : i32
    %lt3A_324 = arith.constant 138 : i32
    %lt3A_325 = arith.cmpi slt, %add3A_323, %lt3A_324 : i32
    %convert_element_type3A_326 = arith.extui %lt3A_325 : i1 to i32
    %cond3A_327 = arith.constant 0 : i32
    %cond3A_328 = arith.cmpi ne, %convert_element_type3A_326, %cond3A_327 : i32
    scf.if %cond3A_328 {
      %mul3A_355 = arith.constant 72 : i32
      %mul3A_356 = arith.muli %add3A_323, %mul3A_355 : i32
      %mul3A_357 = arith.constant 72 : i32
      %mul3A_358 = arith.muli %add3A_323, %mul3A_357 : i32
      %dma_wait3A_359 = arith.constant 0 : i32
      %dma_wait3A_360 = tpu.memref_slice %arg5[%arg0, %mul3A_358, %dma_wait3A_359] : memref<2x10000x128xf32, #tpu.memory_space<hbm>> -> memref<1x72x128xf32, #tpu.memory_space<hbm>>
      %dma_wait3A_361 = tpu.memref_squeeze %dma_wait3A_360 : memref<1x72x128xf32, #tpu.memory_space<hbm>> -> memref<72x128xf32, #tpu.memory_space<hbm>>
      %dma_wait3A_362 = arith.constant 0 : i32
      %dma_wait3A_363 = tpu.memref_slice %arg15[%mul3A_356, %dma_wait3A_362] : memref<10016x128xf32, #tpu.memory_space<vmem_shared>> -> memref<72x128xf32, #tpu.memory_space<vmem_shared>>
      tpu.wait_dma2 semaphore(%arg17 : memref<!tpu.dma_semaphore, #tpu.memory_space<semaphore_mem>>) src(%dma_wait3A_363 : memref<72x128xf32, #tpu.memory_space<vmem_shared>>) dst(%dma_wait3A_361 : memref<72x128xf32, #tpu.memory_space<hbm>>)
    } else {
    }
    %add3A_329 = arith.constant 96 : i32
    %add3A_330 = arith.addi %arg1, %add3A_329 : i32
    %lt3A_331 = arith.constant 138 : i32
    %lt3A_332 = arith.cmpi slt, %add3A_330, %lt3A_331 : i32
    %convert_element_type3A_333 = arith.extui %lt3A_332 : i1 to i32
    %cond3A_334 = arith.constant 0 : i32
    %cond3A_335 = arith.cmpi ne, %convert_element_type3A_333, %cond3A_334 : i32
    scf.if %cond3A_335 {
      %mul3A_355 = arith.constant 72 : i32
      %mul3A_356 = arith.muli %add3A_330, %mul3A_355 : i32
      %mul3A_357 = arith.constant 72 : i32
      %mul3A_358 = arith.muli %add3A_330, %mul3A_357 : i32
      %dma_wait3A_359 = arith.constant 0 : i32
      %dma_wait3A_360 = tpu.memref_slice %arg5[%arg0, %mul3A_358, %dma_wait3A_359] : memref<2x10000x128xf32, #tpu.memory_space<hbm>> -> memref<1x72x128xf32, #tpu.memory_space<hbm>>
      %dma_wait3A_361 = tpu.memref_squeeze %dma_wait3A_360 : memref<1x72x128xf32, #tpu.memory_space<hbm>> -> memref<72x128xf32, #tpu.memory_space<hbm>>
      %dma_wait3A_362 = arith.constant 0 : i32
      %dma_wait3A_363 = tpu.memref_slice %arg15[%mul3A_356, %dma_wait3A_362] : memref<10016x128xf32, #tpu.memory_space<vmem_shared>> -> memref<72x128xf32, #tpu.memory_space<vmem_shared>>
      tpu.wait_dma2 semaphore(%arg17 : memref<!tpu.dma_semaphore, #tpu.memory_space<semaphore_mem>>) src(%dma_wait3A_363 : memref<72x128xf32, #tpu.memory_space<vmem_shared>>) dst(%dma_wait3A_361 : memref<72x128xf32, #tpu.memory_space<hbm>>)
    } else {
    }
    %add3A_336 = arith.constant 112 : i32
    %add3A_337 = arith.addi %arg1, %add3A_336 : i32
    %lt3A_338 = arith.constant 138 : i32
    %lt3A_339 = arith.cmpi slt, %add3A_337, %lt3A_338 : i32
    %convert_element_type3A_340 = arith.extui %lt3A_339 : i1 to i32
    %cond3A_341 = arith.constant 0 : i32
    %cond3A_342 = arith.cmpi ne, %convert_element_type3A_340, %cond3A_341 : i32
    scf.if %cond3A_342 {
      %mul3A_355 = arith.constant 72 : i32
      %mul3A_356 = arith.muli %add3A_337, %mul3A_355 : i32
      %mul3A_357 = arith.constant 72 : i32
      %mul3A_358 = arith.muli %add3A_337, %mul3A_357 : i32
      %dma_wait3A_359 = arith.constant 0 : i32
      %dma_wait3A_360 = tpu.memref_slice %arg5[%arg0, %mul3A_358, %dma_wait3A_359] : memref<2x10000x128xf32, #tpu.memory_space<hbm>> -> memref<1x72x128xf32, #tpu.memory_space<hbm>>
      %dma_wait3A_361 = tpu.memref_squeeze %dma_wait3A_360 : memref<1x72x128xf32, #tpu.memory_space<hbm>> -> memref<72x128xf32, #tpu.memory_space<hbm>>
      %dma_wait3A_362 = arith.constant 0 : i32
      %dma_wait3A_363 = tpu.memref_slice %arg15[%mul3A_356, %dma_wait3A_362] : memref<10016x128xf32, #tpu.memory_space<vmem_shared>> -> memref<72x128xf32, #tpu.memory_space<vmem_shared>>
      tpu.wait_dma2 semaphore(%arg17 : memref<!tpu.dma_semaphore, #tpu.memory_space<semaphore_mem>>) src(%dma_wait3A_363 : memref<72x128xf32, #tpu.memory_space<vmem_shared>>) dst(%dma_wait3A_361 : memref<72x128xf32, #tpu.memory_space<hbm>>)
    } else {
    }
    %add3A_343 = arith.constant 128 : i32
    %add3A_344 = arith.addi %arg1, %add3A_343 : i32
    %lt3A_345 = arith.constant 138 : i32
    %lt3A_346 = arith.cmpi slt, %add3A_344, %lt3A_345 : i32
    %convert_element_type3A_347 = arith.extui %lt3A_346 : i1 to i32
    %cond3A_348 = arith.constant 0 : i32
    %cond3A_349 = arith.cmpi ne, %convert_element_type3A_347, %cond3A_348 : i32
    scf.if %cond3A_349 {
      %mul3A_355 = arith.constant 72 : i32
      %mul3A_356 = arith.muli %add3A_344, %mul3A_355 : i32
      %mul3A_357 = arith.constant 72 : i32
      %mul3A_358 = arith.muli %add3A_344, %mul3A_357 : i32
      %dma_wait3A_359 = arith.constant 0 : i32
      %dma_wait3A_360 = tpu.memref_slice %arg5[%arg0, %mul3A_358, %dma_wait3A_359] : memref<2x10000x128xf32, #tpu.memory_space<hbm>> -> memref<1x72x128xf32, #tpu.memory_space<hbm>>
      %dma_wait3A_361 = tpu.memref_squeeze %dma_wait3A_360 : memref<1x72x128xf32, #tpu.memory_space<hbm>> -> memref<72x128xf32, #tpu.memory_space<hbm>>
      %dma_wait3A_362 = arith.constant 0 : i32
      %dma_wait3A_363 = tpu.memref_slice %arg15[%mul3A_356, %dma_wait3A_362] : memref<10016x128xf32, #tpu.memory_space<vmem_shared>> -> memref<72x128xf32, #tpu.memory_space<vmem_shared>>
      tpu.wait_dma2 semaphore(%arg17 : memref<!tpu.dma_semaphore, #tpu.memory_space<semaphore_mem>>) src(%dma_wait3A_363 : memref<72x128xf32, #tpu.memory_space<vmem_shared>>) dst(%dma_wait3A_361 : memref<72x128xf32, #tpu.memory_space<hbm>>)
    } else {
    }
    %eq3A_350 = arith.constant 0 : i32
    %eq3A_351 = arith.cmpi eq, %arg1, %eq3A_350 : i32
    %convert_element_type3A_352 = arith.extui %eq3A_351 : i1 to i32
    %cond3A_353 = arith.constant 0 : i32
    %cond3A_354 = arith.cmpi ne, %convert_element_type3A_352, %cond3A_353 : i32
    scf.if %cond3A_354 {
      %dma_wait3A_355 = arith.constant 9936 : i32
      %dma_wait3A_356 = arith.constant 0 : i32
      %dma_wait3A_357 = tpu.memref_slice %arg5[%arg0, %dma_wait3A_355, %dma_wait3A_356] : memref<2x10000x128xf32, #tpu.memory_space<hbm>> -> memref<1x64x128xf32, #tpu.memory_space<hbm>>
      %dma_wait3A_358 = tpu.memref_squeeze %dma_wait3A_357 : memref<1x64x128xf32, #tpu.memory_space<hbm>> -> memref<64x128xf32, #tpu.memory_space<hbm>>
      %dma_wait3A_359 = arith.constant 9936 : i32
      %dma_wait3A_360 = arith.constant 0 : i32
      %dma_wait3A_361 = tpu.memref_slice %arg15[%dma_wait3A_359, %dma_wait3A_360] : memref<10016x128xf32, #tpu.memory_space<vmem_shared>> -> memref<64x128xf32, #tpu.memory_space<vmem_shared>>
      tpu.wait_dma2 semaphore(%arg17 : memref<!tpu.dma_semaphore, #tpu.memory_space<semaphore_mem>>) src(%dma_wait3A_361 : memref<64x128xf32, #tpu.memory_space<vmem_shared>>) dst(%dma_wait3A_358 : memref<64x128xf32, #tpu.memory_space<hbm>>)
    } else {
    }
    return
  }
}

#map = affine_map<(d0, d1) -> (0, 0)>
#map1 = affine_map<(d0, d1) -> (0)>
#map2 = affine_map<(d0, d1) -> (0, 0, 0)>
module attributes {stable_mosaic.version = 14 : i64} {
  func.func @seg_kernel(%arg0: i32, %arg1: i32, %arg2: memref<10000x128xf32, #tpu.memory_space<hbm>>, %arg3: memref<322560xi32, #tpu.memory_space<hbm>>, %arg4: memref<322560xi32, #tpu.memory_space<hbm>>, %arg5: memref<2x10000x128xf32, #tpu.memory_space<hbm>>, %arg6: memref<10080xi32, #tpu.memory_space<vmem>>, %arg7: memref<72xi32, #tpu.memory_space<vmem>>, %arg8: memref<72xi32, #tpu.memory_space<vmem>>, %arg9: memref<72xi32, #tpu.memory_space<vmem>>, %arg10: memref<72xi32, #tpu.memory_space<vmem>>, %arg11: memref<72x128xf32, #tpu.memory_space<vmem>>, %arg12: memref<72x128xf32, #tpu.memory_space<vmem>>, %arg13: memref<72x128xf32, #tpu.memory_space<vmem>>, %arg14: memref<72x128xf32, #tpu.memory_space<vmem>>, %arg15: memref<10016x128xf32, #tpu.memory_space<vmem_shared>>, %arg16: memref<!tpu.dma_semaphore, #tpu.memory_space<semaphore_mem>>, %arg17: memref<!tpu.dma_semaphore, #tpu.memory_space<semaphore_mem>>, %arg18: memref<!tpu.dma_semaphore, #tpu.memory_space<semaphore_mem>>, %arg19: memref<!tpu.dma_semaphore, #tpu.memory_space<semaphore_mem>>, %arg20: memref<!tpu.dma_semaphore, #tpu.memory_space<semaphore_mem>>, %arg21: memref<!tpu.dma_semaphore, #tpu.memory_space<semaphore_mem>>, %arg22: memref<!tpu.dma_semaphore, #tpu.memory_space<semaphore_mem>>, %arg23: memref<!tpu.dma_semaphore, #tpu.memory_space<semaphore_mem>>, %arg24: memref<!tpu.dma_semaphore, #tpu.memory_space<semaphore_mem>>, %arg25: memref<!tpu.dma_semaphore, #tpu.memory_space<semaphore_mem>>, %arg26: memref<!tpu.dma_semaphore, #tpu.memory_space<semaphore_mem>>, %arg27: memref<!tpu.dma_semaphore, #tpu.memory_space<semaphore_mem>>, %arg28: memref<!tpu.dma_semaphore, #tpu.memory_space<semaphore_mem>>, %arg29: memref<!tpu.dma_semaphore, #tpu.memory_space<semaphore_mem>>) attributes {dimension_semantics = [#tpu.dimension_semantics<core_parallel>, #tpu.dimension_semantics<subcore_parallel>], iteration_bounds = array<i64: 2, 16>, scalar_prefetch = 0 : i64, scratch_operands = 24 : i64, tpu.core_type = #tpu.core_type<sc_vector_subcore>, window_params = [{transform_indices = #map}, {transform_indices = #map1}, {transform_indices = #map1}, {transform_indices = #map2}]} {
    %mul3A = arith.constant 2 : i32
    %mul3A_0 = arith.muli %arg1, %mul3A : i32
    %add3A = arith.addi %mul3A_0, %arg0 : i32
    %mul3A_1 = arith.constant 10080 : i32
    %mul3A_2 = arith.muli %add3A, %mul3A_1 : i32
    %dma_start3A = tpu.memref_slice %arg3[%mul3A_2] : memref<322560xi32, #tpu.memory_space<hbm>> -> memref<10080xi32, #tpu.memory_space<hbm>>
    %dma_start3A_3 = tpu.memref_slice %arg3[%mul3A_2] : memref<322560xi32, #tpu.memory_space<hbm>> -> memref<10080xi32, #tpu.memory_space<hbm>>
    tpu.enqueue_dma source(%dma_start3A_3 : memref<10080xi32, #tpu.memory_space<hbm>>) target(%arg6 : memref<10080xi32, #tpu.memory_space<vmem>>) target_semaphore(%arg16 : memref<!tpu.dma_semaphore, #tpu.memory_space<semaphore_mem>>)
    %add3A_4 = arith.constant 0 : i32
    %add3A_5 = arith.addi %mul3A_2, %add3A_4 : i32
    %dma_start3A_6 = tpu.memref_slice %arg4[%add3A_5] : memref<322560xi32, #tpu.memory_space<hbm>> -> memref<72xi32, #tpu.memory_space<hbm>>
    %dma_start3A_7 = tpu.memref_slice %arg4[%add3A_5] : memref<322560xi32, #tpu.memory_space<hbm>> -> memref<72xi32, #tpu.memory_space<hbm>>
    tpu.enqueue_dma source(%dma_start3A_7 : memref<72xi32, #tpu.memory_space<hbm>>) target(%arg7 : memref<72xi32, #tpu.memory_space<vmem>>) target_semaphore(%arg18 : memref<!tpu.dma_semaphore, #tpu.memory_space<semaphore_mem>>)
    %add3A_8 = arith.constant 72 : i32
    %add3A_9 = arith.addi %mul3A_2, %add3A_8 : i32
    %dma_start3A_10 = tpu.memref_slice %arg4[%add3A_9] : memref<322560xi32, #tpu.memory_space<hbm>> -> memref<72xi32, #tpu.memory_space<hbm>>
    %dma_start3A_11 = tpu.memref_slice %arg4[%add3A_9] : memref<322560xi32, #tpu.memory_space<hbm>> -> memref<72xi32, #tpu.memory_space<hbm>>
    tpu.enqueue_dma source(%dma_start3A_11 : memref<72xi32, #tpu.memory_space<hbm>>) target(%arg8 : memref<72xi32, #tpu.memory_space<vmem>>) target_semaphore(%arg19 : memref<!tpu.dma_semaphore, #tpu.memory_space<semaphore_mem>>)
    %add3A_12 = arith.constant 144 : i32
    %add3A_13 = arith.addi %mul3A_2, %add3A_12 : i32
    %dma_start3A_14 = tpu.memref_slice %arg4[%add3A_13] : memref<322560xi32, #tpu.memory_space<hbm>> -> memref<72xi32, #tpu.memory_space<hbm>>
    %dma_start3A_15 = tpu.memref_slice %arg4[%add3A_13] : memref<322560xi32, #tpu.memory_space<hbm>> -> memref<72xi32, #tpu.memory_space<hbm>>
    tpu.enqueue_dma source(%dma_start3A_15 : memref<72xi32, #tpu.memory_space<hbm>>) target(%arg9 : memref<72xi32, #tpu.memory_space<vmem>>) target_semaphore(%arg20 : memref<!tpu.dma_semaphore, #tpu.memory_space<semaphore_mem>>)
    %add3A_16 = arith.constant 216 : i32
    %add3A_17 = arith.addi %mul3A_2, %add3A_16 : i32
    %dma_start3A_18 = tpu.memref_slice %arg4[%add3A_17] : memref<322560xi32, #tpu.memory_space<hbm>> -> memref<72xi32, #tpu.memory_space<hbm>>
    %dma_start3A_19 = tpu.memref_slice %arg4[%add3A_17] : memref<322560xi32, #tpu.memory_space<hbm>> -> memref<72xi32, #tpu.memory_space<hbm>>
    tpu.enqueue_dma source(%dma_start3A_19 : memref<72xi32, #tpu.memory_space<hbm>>) target(%arg10 : memref<72xi32, #tpu.memory_space<vmem>>) target_semaphore(%arg21 : memref<!tpu.dma_semaphore, #tpu.memory_space<semaphore_mem>>)
    %dma_wait3A = tpu.memref_slice %arg3[%mul3A_2] : memref<322560xi32, #tpu.memory_space<hbm>> -> memref<10080xi32, #tpu.memory_space<hbm>>
    %dma_wait3A_20 = tpu.memref_slice %arg3[%mul3A_2] : memref<322560xi32, #tpu.memory_space<hbm>> -> memref<10080xi32, #tpu.memory_space<hbm>>
    tpu.wait_dma2 semaphore(%arg16 : memref<!tpu.dma_semaphore, #tpu.memory_space<semaphore_mem>>) src(%dma_wait3A_20 : memref<10080xi32, #tpu.memory_space<hbm>>) dst(%arg6 : memref<10080xi32, #tpu.memory_space<vmem>>)
    %dma_start3A_21 = arith.constant 72 : i32
    %dma_start3A_22 = tpu.memref_slice %arg6[%dma_start3A_21] : memref<10080xi32, #tpu.memory_space<vmem>> -> memref<72xi32, #tpu.memory_space<vmem>>
    %dma_start3A_23 = arith.constant 0 : i32
    %dma_start3A_24 = arith.constant 0 : i32
    %dma_start3A_25 = tpu.memref_slice %arg2[%dma_start3A_23, %dma_start3A_24] : memref<10000x128xf32, #tpu.memory_space<hbm>> -> memref<10000x128xf32, #tpu.memory_space<hbm>>
    tpu.enqueue_indirect_dma source(%dma_start3A_25 : memref<10000x128xf32, #tpu.memory_space<hbm>>) target(%arg12 : memref<72x128xf32, #tpu.memory_space<vmem>>) offsets(%dma_start3A_22 : memref<72xi32, #tpu.memory_space<vmem>>) semaphore(%arg23 : memref<!tpu.dma_semaphore, #tpu.memory_space<semaphore_mem>>)
    %dma_start3A_26 = arith.constant 144 : i32
    %dma_start3A_27 = tpu.memref_slice %arg6[%dma_start3A_26] : memref<10080xi32, #tpu.memory_space<vmem>> -> memref<72xi32, #tpu.memory_space<vmem>>
    %dma_start3A_28 = arith.constant 0 : i32
    %dma_start3A_29 = arith.constant 0 : i32
    %dma_start3A_30 = tpu.memref_slice %arg2[%dma_start3A_28, %dma_start3A_29] : memref<10000x128xf32, #tpu.memory_space<hbm>> -> memref<10000x128xf32, #tpu.memory_space<hbm>>
    tpu.enqueue_indirect_dma source(%dma_start3A_30 : memref<10000x128xf32, #tpu.memory_space<hbm>>) target(%arg13 : memref<72x128xf32, #tpu.memory_space<vmem>>) offsets(%dma_start3A_27 : memref<72xi32, #tpu.memory_space<vmem>>) semaphore(%arg24 : memref<!tpu.dma_semaphore, #tpu.memory_space<semaphore_mem>>)
    %dma_start3A_31 = arith.constant 216 : i32
    %dma_start3A_32 = tpu.memref_slice %arg6[%dma_start3A_31] : memref<10080xi32, #tpu.memory_space<vmem>> -> memref<72xi32, #tpu.memory_space<vmem>>
    %dma_start3A_33 = arith.constant 0 : i32
    %dma_start3A_34 = arith.constant 0 : i32
    %dma_start3A_35 = tpu.memref_slice %arg2[%dma_start3A_33, %dma_start3A_34] : memref<10000x128xf32, #tpu.memory_space<hbm>> -> memref<10000x128xf32, #tpu.memory_space<hbm>>
    tpu.enqueue_indirect_dma source(%dma_start3A_35 : memref<10000x128xf32, #tpu.memory_space<hbm>>) target(%arg14 : memref<72x128xf32, #tpu.memory_space<vmem>>) offsets(%dma_start3A_32 : memref<72xi32, #tpu.memory_space<vmem>>) semaphore(%arg25 : memref<!tpu.dma_semaphore, #tpu.memory_space<semaphore_mem>>)
    %scan3A = arith.constant 0 : i32
    %scan3A_36 = arith.constant 72 : i32
    %scan3A_37 = arith.addi %scan3A, %scan3A_36 : i32
    %scan3A_38 = arith.constant 1 : i32
    scf.for %scan3A_355 = %scan3A to %scan3A_37 step %scan3A_38  : i32 {
      %mul3A_356 = arith.constant 1 : i32
      %mul3A_357 = arith.muli %scan3A_355, %mul3A_356 : i32
      %add3A_358 = arith.constant 0 : i32
      %add3A_359 = arith.addi %add3A_358, %mul3A_357 : i32
      %scan3A_360 = arith.constant 0 : i32
      %scan3A_361 = arith.constant 8 : i32
      %scan3A_362 = arith.addi %scan3A_360, %scan3A_361 : i32
      %scan3A_363 = arith.constant 1 : i32
      scf.for %scan3A_365 = %scan3A_360 to %scan3A_362 step %scan3A_363  : i32 {
        %mul3A_366 = arith.constant 16 : i32
        %mul3A_367 = arith.muli %scan3A_365, %mul3A_366 : i32
        %add3A_368 = arith.constant 0 : i32
        %add3A_369 = arith.addi %add3A_368, %mul3A_367 : i32
        %broadcast_in_dim3A = arith.constant 0.000000e+00 : f32
        %broadcast_in_dim3A_370 = vector.broadcast %broadcast_in_dim3A : f32 to vector<16xf32>
        %swap3A = arith.index_cast %add3A_359 : i32 to index
        %swap3A_371 = arith.index_cast %add3A_369 : i32 to index
        %swap3A_372 = tpu.vector_load %arg11[%swap3A, %swap3A_371] {strides = array<i32>} : memref<72x128xf32, #tpu.memory_space<vmem>>, vector<1x16xf32>,
        %swap3A_373 = vector.shape_cast %swap3A_372 : vector<1x16xf32> to vector<16xf32>
        %swap3A_374 = vector.shape_cast %broadcast_in_dim3A_370 : vector<16xf32> to vector<1x16xf32>
        tpu.vector_store %arg11[%swap3A, %swap3A_371], %swap3A_374 {strides = array<i32>} : memref<72x128xf32, #tpu.memory_space<vmem>>, vector<1x16xf32>,
      }
      %scan3A_364 = arith.constant 8 : i32
    }
    %scan3A_39 = arith.constant 72 : i32
    %add3A_40 = arith.constant 0 : i32
    %add3A_41 = arith.addi %arg1, %add3A_40 : i32
    %lt3A = arith.constant 139 : i32
    %lt3A_42 = arith.cmpi slt, %add3A_41, %lt3A : i32
    %convert_element_type3A = arith.extui %lt3A_42 : i1 to i32
    %cond3A = arith.constant 0 : i32
    %cond3A_43 = arith.cmpi ne, %convert_element_type3A, %cond3A : i32
    scf.if %cond3A_43 {
      %mul3A_355 = arith.constant 72 : i32
      %mul3A_356 = arith.muli %add3A_41, %mul3A_355 : i32
      %dma_start3A_357 = arith.constant 0 : i32
      %dma_start3A_358 = tpu.memref_slice %arg15[%mul3A_356, %dma_start3A_357] : memref<10016x128xf32, #tpu.memory_space<vmem_shared>> -> memref<72x128xf32, #tpu.memory_space<vmem_shared>>
      %dma_start3A_359 = arith.constant 0 : i32
      %dma_start3A_360 = tpu.memref_slice %arg15[%mul3A_356, %dma_start3A_359] : memref<10016x128xf32, #tpu.memory_space<vmem_shared>> -> memref<72x128xf32, #tpu.memory_space<vmem_shared>>
      tpu.enqueue_dma source(%arg11 : memref<72x128xf32, #tpu.memory_space<vmem>>) target(%dma_start3A_360 : memref<72x128xf32, #tpu.memory_space<vmem_shared>>) target_semaphore(%arg17 : memref<!tpu.dma_semaphore, #tpu.memory_space<semaphore_mem>>)
    } else {
    }
    %add3A_44 = arith.constant 16 : i32
    %add3A_45 = arith.addi %arg1, %add3A_44 : i32
    %lt3A_46 = arith.constant 139 : i32
    %lt3A_47 = arith.cmpi slt, %add3A_45, %lt3A_46 : i32
    %convert_element_type3A_48 = arith.extui %lt3A_47 : i1 to i32
    %cond3A_49 = arith.constant 0 : i32
    %cond3A_50 = arith.cmpi ne, %convert_element_type3A_48, %cond3A_49 : i32
    scf.if %cond3A_50 {
      %mul3A_355 = arith.constant 72 : i32
      %mul3A_356 = arith.muli %add3A_45, %mul3A_355 : i32
      %dma_start3A_357 = arith.constant 0 : i32
      %dma_start3A_358 = tpu.memref_slice %arg15[%mul3A_356, %dma_start3A_357] : memref<10016x128xf32, #tpu.memory_space<vmem_shared>> -> memref<72x128xf32, #tpu.memory_space<vmem_shared>>
      %dma_start3A_359 = arith.constant 0 : i32
      %dma_start3A_360 = tpu.memref_slice %arg15[%mul3A_356, %dma_start3A_359] : memref<10016x128xf32, #tpu.memory_space<vmem_shared>> -> memref<72x128xf32, #tpu.memory_space<vmem_shared>>
      tpu.enqueue_dma source(%arg11 : memref<72x128xf32, #tpu.memory_space<vmem>>) target(%dma_start3A_360 : memref<72x128xf32, #tpu.memory_space<vmem_shared>>) target_semaphore(%arg17 : memref<!tpu.dma_semaphore, #tpu.memory_space<semaphore_mem>>)
    } else {
    }
    %add3A_51 = arith.constant 32 : i32
    %add3A_52 = arith.addi %arg1, %add3A_51 : i32
    %lt3A_53 = arith.constant 139 : i32
    %lt3A_54 = arith.cmpi slt, %add3A_52, %lt3A_53 : i32
    %convert_element_type3A_55 = arith.extui %lt3A_54 : i1 to i32
    %cond3A_56 = arith.constant 0 : i32
    %cond3A_57 = arith.cmpi ne, %convert_element_type3A_55, %cond3A_56 : i32
    scf.if %cond3A_57 {
      %mul3A_355 = arith.constant 72 : i32
      %mul3A_356 = arith.muli %add3A_52, %mul3A_355 : i32
      %dma_start3A_357 = arith.constant 0 : i32
      %dma_start3A_358 = tpu.memref_slice %arg15[%mul3A_356, %dma_start3A_357] : memref<10016x128xf32, #tpu.memory_space<vmem_shared>> -> memref<72x128xf32, #tpu.memory_space<vmem_shared>>
      %dma_start3A_359 = arith.constant 0 : i32
      %dma_start3A_360 = tpu.memref_slice %arg15[%mul3A_356, %dma_start3A_359] : memref<10016x128xf32, #tpu.memory_space<vmem_shared>> -> memref<72x128xf32, #tpu.memory_space<vmem_shared>>
      tpu.enqueue_dma source(%arg11 : memref<72x128xf32, #tpu.memory_space<vmem>>) target(%dma_start3A_360 : memref<72x128xf32, #tpu.memory_space<vmem_shared>>) target_semaphore(%arg17 : memref<!tpu.dma_semaphore, #tpu.memory_space<semaphore_mem>>)
    } else {
    }
    %add3A_58 = arith.constant 48 : i32
    %add3A_59 = arith.addi %arg1, %add3A_58 : i32
    %lt3A_60 = arith.constant 139 : i32
    %lt3A_61 = arith.cmpi slt, %add3A_59, %lt3A_60 : i32
    %convert_element_type3A_62 = arith.extui %lt3A_61 : i1 to i32
    %cond3A_63 = arith.constant 0 : i32
    %cond3A_64 = arith.cmpi ne, %convert_element_type3A_62, %cond3A_63 : i32
    scf.if %cond3A_64 {
      %mul3A_355 = arith.constant 72 : i32
      %mul3A_356 = arith.muli %add3A_59, %mul3A_355 : i32
      %dma_start3A_357 = arith.constant 0 : i32
      %dma_start3A_358 = tpu.memref_slice %arg15[%mul3A_356, %dma_start3A_357] : memref<10016x128xf32, #tpu.memory_space<vmem_shared>> -> memref<72x128xf32, #tpu.memory_space<vmem_shared>>
      %dma_start3A_359 = arith.constant 0 : i32
      %dma_start3A_360 = tpu.memref_slice %arg15[%mul3A_356, %dma_start3A_359] : memref<10016x128xf32, #tpu.memory_space<vmem_shared>> -> memref<72x128xf32, #tpu.memory_space<vmem_shared>>
      tpu.enqueue_dma source(%arg11 : memref<72x128xf32, #tpu.memory_space<vmem>>) target(%dma_start3A_360 : memref<72x128xf32, #tpu.memory_space<vmem_shared>>) target_semaphore(%arg17 : memref<!tpu.dma_semaphore, #tpu.memory_space<semaphore_mem>>)
    } else {
    }
    %add3A_65 = arith.constant 64 : i32
    %add3A_66 = arith.addi %arg1, %add3A_65 : i32
    %lt3A_67 = arith.constant 139 : i32
    %lt3A_68 = arith.cmpi slt, %add3A_66, %lt3A_67 : i32
    %convert_element_type3A_69 = arith.extui %lt3A_68 : i1 to i32
    %cond3A_70 = arith.constant 0 : i32
    %cond3A_71 = arith.cmpi ne, %convert_element_type3A_69, %cond3A_70 : i32
    scf.if %cond3A_71 {
      %mul3A_355 = arith.constant 72 : i32
      %mul3A_356 = arith.muli %add3A_66, %mul3A_355 : i32
      %dma_start3A_357 = arith.constant 0 : i32
      %dma_start3A_358 = tpu.memref_slice %arg15[%mul3A_356, %dma_start3A_357] : memref<10016x128xf32, #tpu.memory_space<vmem_shared>> -> memref<72x128xf32, #tpu.memory_space<vmem_shared>>
      %dma_start3A_359 = arith.constant 0 : i32
      %dma_start3A_360 = tpu.memref_slice %arg15[%mul3A_356, %dma_start3A_359] : memref<10016x128xf32, #tpu.memory_space<vmem_shared>> -> memref<72x128xf32, #tpu.memory_space<vmem_shared>>
      tpu.enqueue_dma source(%arg11 : memref<72x128xf32, #tpu.memory_space<vmem>>) target(%dma_start3A_360 : memref<72x128xf32, #tpu.memory_space<vmem_shared>>) target_semaphore(%arg17 : memref<!tpu.dma_semaphore, #tpu.memory_space<semaphore_mem>>)
    } else {
    }
    %add3A_72 = arith.constant 80 : i32
    %add3A_73 = arith.addi %arg1, %add3A_72 : i32
    %lt3A_74 = arith.constant 139 : i32
    %lt3A_75 = arith.cmpi slt, %add3A_73, %lt3A_74 : i32
    %convert_element_type3A_76 = arith.extui %lt3A_75 : i1 to i32
    %cond3A_77 = arith.constant 0 : i32
    %cond3A_78 = arith.cmpi ne, %convert_element_type3A_76, %cond3A_77 : i32
    scf.if %cond3A_78 {
      %mul3A_355 = arith.constant 72 : i32
      %mul3A_356 = arith.muli %add3A_73, %mul3A_355 : i32
      %dma_start3A_357 = arith.constant 0 : i32
      %dma_start3A_358 = tpu.memref_slice %arg15[%mul3A_356, %dma_start3A_357] : memref<10016x128xf32, #tpu.memory_space<vmem_shared>> -> memref<72x128xf32, #tpu.memory_space<vmem_shared>>
      %dma_start3A_359 = arith.constant 0 : i32
      %dma_start3A_360 = tpu.memref_slice %arg15[%mul3A_356, %dma_start3A_359] : memref<10016x128xf32, #tpu.memory_space<vmem_shared>> -> memref<72x128xf32, #tpu.memory_space<vmem_shared>>
      tpu.enqueue_dma source(%arg11 : memref<72x128xf32, #tpu.memory_space<vmem>>) target(%dma_start3A_360 : memref<72x128xf32, #tpu.memory_space<vmem_shared>>) target_semaphore(%arg17 : memref<!tpu.dma_semaphore, #tpu.memory_space<semaphore_mem>>)
    } else {
    }
    %add3A_79 = arith.constant 96 : i32
    %add3A_80 = arith.addi %arg1, %add3A_79 : i32
    %lt3A_81 = arith.constant 139 : i32
    %lt3A_82 = arith.cmpi slt, %add3A_80, %lt3A_81 : i32
    %convert_element_type3A_83 = arith.extui %lt3A_82 : i1 to i32
    %cond3A_84 = arith.constant 0 : i32
    %cond3A_85 = arith.cmpi ne, %convert_element_type3A_83, %cond3A_84 : i32
    scf.if %cond3A_85 {
      %mul3A_355 = arith.constant 72 : i32
      %mul3A_356 = arith.muli %add3A_80, %mul3A_355 : i32
      %dma_start3A_357 = arith.constant 0 : i32
      %dma_start3A_358 = tpu.memref_slice %arg15[%mul3A_356, %dma_start3A_357] : memref<10016x128xf32, #tpu.memory_space<vmem_shared>> -> memref<72x128xf32, #tpu.memory_space<vmem_shared>>
      %dma_start3A_359 = arith.constant 0 : i32
      %dma_start3A_360 = tpu.memref_slice %arg15[%mul3A_356, %dma_start3A_359] : memref<10016x128xf32, #tpu.memory_space<vmem_shared>> -> memref<72x128xf32, #tpu.memory_space<vmem_shared>>
      tpu.enqueue_dma source(%arg11 : memref<72x128xf32, #tpu.memory_space<vmem>>) target(%dma_start3A_360 : memref<72x128xf32, #tpu.memory_space<vmem_shared>>) target_semaphore(%arg17 : memref<!tpu.dma_semaphore, #tpu.memory_space<semaphore_mem>>)
    } else {
    }
    %add3A_86 = arith.constant 112 : i32
    %add3A_87 = arith.addi %arg1, %add3A_86 : i32
    %lt3A_88 = arith.constant 139 : i32
    %lt3A_89 = arith.cmpi slt, %add3A_87, %lt3A_88 : i32
    %convert_element_type3A_90 = arith.extui %lt3A_89 : i1 to i32
    %cond3A_91 = arith.constant 0 : i32
    %cond3A_92 = arith.cmpi ne, %convert_element_type3A_90, %cond3A_91 : i32
    scf.if %cond3A_92 {
      %mul3A_355 = arith.constant 72 : i32
      %mul3A_356 = arith.muli %add3A_87, %mul3A_355 : i32
      %dma_start3A_357 = arith.constant 0 : i32
      %dma_start3A_358 = tpu.memref_slice %arg15[%mul3A_356, %dma_start3A_357] : memref<10016x128xf32, #tpu.memory_space<vmem_shared>> -> memref<72x128xf32, #tpu.memory_space<vmem_shared>>
      %dma_start3A_359 = arith.constant 0 : i32
      %dma_start3A_360 = tpu.memref_slice %arg15[%mul3A_356, %dma_start3A_359] : memref<10016x128xf32, #tpu.memory_space<vmem_shared>> -> memref<72x128xf32, #tpu.memory_space<vmem_shared>>
      tpu.enqueue_dma source(%arg11 : memref<72x128xf32, #tpu.memory_space<vmem>>) target(%dma_start3A_360 : memref<72x128xf32, #tpu.memory_space<vmem_shared>>) target_semaphore(%arg17 : memref<!tpu.dma_semaphore, #tpu.memory_space<semaphore_mem>>)
    } else {
    }
    %add3A_93 = arith.constant 128 : i32
    %add3A_94 = arith.addi %arg1, %add3A_93 : i32
    %lt3A_95 = arith.constant 139 : i32
    %lt3A_96 = arith.cmpi slt, %add3A_94, %lt3A_95 : i32
    %convert_element_type3A_97 = arith.extui %lt3A_96 : i1 to i32
    %cond3A_98 = arith.constant 0 : i32
    %cond3A_99 = arith.cmpi ne, %convert_element_type3A_97, %cond3A_98 : i32
    scf.if %cond3A_99 {
      %mul3A_355 = arith.constant 72 : i32
      %mul3A_356 = arith.muli %add3A_94, %mul3A_355 : i32
      %dma_start3A_357 = arith.constant 0 : i32
      %dma_start3A_358 = tpu.memref_slice %arg15[%mul3A_356, %dma_start3A_357] : memref<10016x128xf32, #tpu.memory_space<vmem_shared>> -> memref<72x128xf32, #tpu.memory_space<vmem_shared>>
      %dma_start3A_359 = arith.constant 0 : i32
      %dma_start3A_360 = tpu.memref_slice %arg15[%mul3A_356, %dma_start3A_359] : memref<10016x128xf32, #tpu.memory_space<vmem_shared>> -> memref<72x128xf32, #tpu.memory_space<vmem_shared>>
      tpu.enqueue_dma source(%arg11 : memref<72x128xf32, #tpu.memory_space<vmem>>) target(%dma_start3A_360 : memref<72x128xf32, #tpu.memory_space<vmem_shared>>) target_semaphore(%arg17 : memref<!tpu.dma_semaphore, #tpu.memory_space<semaphore_mem>>)
    } else {
    }
    %eq3A = arith.constant 0 : i32
    %eq3A_100 = arith.cmpi eq, %arg1, %eq3A : i32
    %convert_element_type3A_101 = arith.extui %eq3A_100 : i1 to i32
    %cond3A_102 = arith.constant 0 : i32
    %cond3A_103 = arith.cmpi ne, %convert_element_type3A_101, %cond3A_102 : i32
    scf.if %cond3A_103 {
      %dma_start3A_355 = arith.constant 0 : i32
      %dma_start3A_356 = arith.constant 0 : i32
      %dma_start3A_357 = tpu.memref_slice %arg11[%dma_start3A_355, %dma_start3A_356] : memref<72x128xf32, #tpu.memory_space<vmem>> -> memref<8x128xf32, #tpu.memory_space<vmem>>
      %dma_start3A_358 = arith.constant 10008 : i32
      %dma_start3A_359 = arith.constant 0 : i32
      %dma_start3A_360 = tpu.memref_slice %arg15[%dma_start3A_358, %dma_start3A_359] : memref<10016x128xf32, #tpu.memory_space<vmem_shared>> -> memref<8x128xf32, #tpu.memory_space<vmem_shared>>
      %dma_start3A_361 = arith.constant 10008 : i32
      %dma_start3A_362 = arith.constant 0 : i32
      %dma_start3A_363 = tpu.memref_slice %arg15[%dma_start3A_361, %dma_start3A_362] : memref<10016x128xf32, #tpu.memory_space<vmem_shared>> -> memref<8x128xf32, #tpu.memory_space<vmem_shared>>
      %dma_start3A_364 = arith.constant 0 : i32
      %dma_start3A_365 = arith.constant 0 : i32
      %dma_start3A_366 = tpu.memref_slice %arg11[%dma_start3A_364, %dma_start3A_365] : memref<72x128xf32, #tpu.memory_space<vmem>> -> memref<8x128xf32, #tpu.memory_space<vmem>>
      tpu.enqueue_dma source(%dma_start3A_366 : memref<8x128xf32, #tpu.memory_space<vmem>>) target(%dma_start3A_363 : memref<8x128xf32, #tpu.memory_space<vmem_shared>>) target_semaphore(%arg17 : memref<!tpu.dma_semaphore, #tpu.memory_space<semaphore_mem>>)
    } else {
    }
    %add3A_104 = arith.constant 0 : i32
    %add3A_105 = arith.addi %arg1, %add3A_104 : i32
    %lt3A_106 = arith.constant 139 : i32
    %lt3A_107 = arith.cmpi slt, %add3A_105, %lt3A_106 : i32
    %convert_element_type3A_108 = arith.extui %lt3A_107 : i1 to i32
    %cond3A_109 = arith.constant 0 : i32
    %cond3A_110 = arith.cmpi ne, %convert_element_type3A_108, %cond3A_109 : i32
    scf.if %cond3A_110 {
      %mul3A_355 = arith.constant 72 : i32
      %mul3A_356 = arith.muli %add3A_105, %mul3A_355 : i32
      %dma_wait3A_357 = arith.constant 0 : i32
      %dma_wait3A_358 = tpu.memref_slice %arg15[%mul3A_356, %dma_wait3A_357] : memref<10016x128xf32, #tpu.memory_space<vmem_shared>> -> memref<72x128xf32, #tpu.memory_space<vmem_shared>>
      %dma_wait3A_359 = arith.constant 0 : i32
      %dma_wait3A_360 = tpu.memref_slice %arg15[%mul3A_356, %dma_wait3A_359] : memref<10016x128xf32, #tpu.memory_space<vmem_shared>> -> memref<72x128xf32, #tpu.memory_space<vmem_shared>>
      tpu.wait_dma2 semaphore(%arg17 : memref<!tpu.dma_semaphore, #tpu.memory_space<semaphore_mem>>) src(%arg11 : memref<72x128xf32, #tpu.memory_space<vmem>>) dst(%dma_wait3A_360 : memref<72x128xf32, #tpu.memory_space<vmem_shared>>)
    } else {
    }
    %add3A_111 = arith.constant 16 : i32
    %add3A_112 = arith.addi %arg1, %add3A_111 : i32
    %lt3A_113 = arith.constant 139 : i32
    %lt3A_114 = arith.cmpi slt, %add3A_112, %lt3A_113 : i32
    %convert_element_type3A_115 = arith.extui %lt3A_114 : i1 to i32
    %cond3A_116 = arith.constant 0 : i32
    %cond3A_117 = arith.cmpi ne, %convert_element_type3A_115, %cond3A_116 : i32
    scf.if %cond3A_117 {
      %mul3A_355 = arith.constant 72 : i32
      %mul3A_356 = arith.muli %add3A_112, %mul3A_355 : i32
      %dma_wait3A_357 = arith.constant 0 : i32
      %dma_wait3A_358 = tpu.memref_slice %arg15[%mul3A_356, %dma_wait3A_357] : memref<10016x128xf32, #tpu.memory_space<vmem_shared>> -> memref<72x128xf32, #tpu.memory_space<vmem_shared>>
      %dma_wait3A_359 = arith.constant 0 : i32
      %dma_wait3A_360 = tpu.memref_slice %arg15[%mul3A_356, %dma_wait3A_359] : memref<10016x128xf32, #tpu.memory_space<vmem_shared>> -> memref<72x128xf32, #tpu.memory_space<vmem_shared>>
      tpu.wait_dma2 semaphore(%arg17 : memref<!tpu.dma_semaphore, #tpu.memory_space<semaphore_mem>>) src(%arg11 : memref<72x128xf32, #tpu.memory_space<vmem>>) dst(%dma_wait3A_360 : memref<72x128xf32, #tpu.memory_space<vmem_shared>>)
    } else {
    }
    %add3A_118 = arith.constant 32 : i32
    %add3A_119 = arith.addi %arg1, %add3A_118 : i32
    %lt3A_120 = arith.constant 139 : i32
    %lt3A_121 = arith.cmpi slt, %add3A_119, %lt3A_120 : i32
    %convert_element_type3A_122 = arith.extui %lt3A_121 : i1 to i32
    %cond3A_123 = arith.constant 0 : i32
    %cond3A_124 = arith.cmpi ne, %convert_element_type3A_122, %cond3A_123 : i32
    scf.if %cond3A_124 {
      %mul3A_355 = arith.constant 72 : i32
      %mul3A_356 = arith.muli %add3A_119, %mul3A_355 : i32
      %dma_wait3A_357 = arith.constant 0 : i32
      %dma_wait3A_358 = tpu.memref_slice %arg15[%mul3A_356, %dma_wait3A_357] : memref<10016x128xf32, #tpu.memory_space<vmem_shared>> -> memref<72x128xf32, #tpu.memory_space<vmem_shared>>
      %dma_wait3A_359 = arith.constant 0 : i32
      %dma_wait3A_360 = tpu.memref_slice %arg15[%mul3A_356, %dma_wait3A_359] : memref<10016x128xf32, #tpu.memory_space<vmem_shared>> -> memref<72x128xf32, #tpu.memory_space<vmem_shared>>
      tpu.wait_dma2 semaphore(%arg17 : memref<!tpu.dma_semaphore, #tpu.memory_space<semaphore_mem>>) src(%arg11 : memref<72x128xf32, #tpu.memory_space<vmem>>) dst(%dma_wait3A_360 : memref<72x128xf32, #tpu.memory_space<vmem_shared>>)
    } else {
    }
    %add3A_125 = arith.constant 48 : i32
    %add3A_126 = arith.addi %arg1, %add3A_125 : i32
    %lt3A_127 = arith.constant 139 : i32
    %lt3A_128 = arith.cmpi slt, %add3A_126, %lt3A_127 : i32
    %convert_element_type3A_129 = arith.extui %lt3A_128 : i1 to i32
    %cond3A_130 = arith.constant 0 : i32
    %cond3A_131 = arith.cmpi ne, %convert_element_type3A_129, %cond3A_130 : i32
    scf.if %cond3A_131 {
      %mul3A_355 = arith.constant 72 : i32
      %mul3A_356 = arith.muli %add3A_126, %mul3A_355 : i32
      %dma_wait3A_357 = arith.constant 0 : i32
      %dma_wait3A_358 = tpu.memref_slice %arg15[%mul3A_356, %dma_wait3A_357] : memref<10016x128xf32, #tpu.memory_space<vmem_shared>> -> memref<72x128xf32, #tpu.memory_space<vmem_shared>>
      %dma_wait3A_359 = arith.constant 0 : i32
      %dma_wait3A_360 = tpu.memref_slice %arg15[%mul3A_356, %dma_wait3A_359] : memref<10016x128xf32, #tpu.memory_space<vmem_shared>> -> memref<72x128xf32, #tpu.memory_space<vmem_shared>>
      tpu.wait_dma2 semaphore(%arg17 : memref<!tpu.dma_semaphore, #tpu.memory_space<semaphore_mem>>) src(%arg11 : memref<72x128xf32, #tpu.memory_space<vmem>>) dst(%dma_wait3A_360 : memref<72x128xf32, #tpu.memory_space<vmem_shared>>)
    } else {
    }
    %add3A_132 = arith.constant 64 : i32
    %add3A_133 = arith.addi %arg1, %add3A_132 : i32
    %lt3A_134 = arith.constant 139 : i32
    %lt3A_135 = arith.cmpi slt, %add3A_133, %lt3A_134 : i32
    %convert_element_type3A_136 = arith.extui %lt3A_135 : i1 to i32
    %cond3A_137 = arith.constant 0 : i32
    %cond3A_138 = arith.cmpi ne, %convert_element_type3A_136, %cond3A_137 : i32
    scf.if %cond3A_138 {
      %mul3A_355 = arith.constant 72 : i32
      %mul3A_356 = arith.muli %add3A_133, %mul3A_355 : i32
      %dma_wait3A_357 = arith.constant 0 : i32
      %dma_wait3A_358 = tpu.memref_slice %arg15[%mul3A_356, %dma_wait3A_357] : memref<10016x128xf32, #tpu.memory_space<vmem_shared>> -> memref<72x128xf32, #tpu.memory_space<vmem_shared>>
      %dma_wait3A_359 = arith.constant 0 : i32
      %dma_wait3A_360 = tpu.memref_slice %arg15[%mul3A_356, %dma_wait3A_359] : memref<10016x128xf32, #tpu.memory_space<vmem_shared>> -> memref<72x128xf32, #tpu.memory_space<vmem_shared>>
      tpu.wait_dma2 semaphore(%arg17 : memref<!tpu.dma_semaphore, #tpu.memory_space<semaphore_mem>>) src(%arg11 : memref<72x128xf32, #tpu.memory_space<vmem>>) dst(%dma_wait3A_360 : memref<72x128xf32, #tpu.memory_space<vmem_shared>>)
    } else {
    }
    %add3A_139 = arith.constant 80 : i32
    %add3A_140 = arith.addi %arg1, %add3A_139 : i32
    %lt3A_141 = arith.constant 139 : i32
    %lt3A_142 = arith.cmpi slt, %add3A_140, %lt3A_141 : i32
    %convert_element_type3A_143 = arith.extui %lt3A_142 : i1 to i32
    %cond3A_144 = arith.constant 0 : i32
    %cond3A_145 = arith.cmpi ne, %convert_element_type3A_143, %cond3A_144 : i32
    scf.if %cond3A_145 {
      %mul3A_355 = arith.constant 72 : i32
      %mul3A_356 = arith.muli %add3A_140, %mul3A_355 : i32
      %dma_wait3A_357 = arith.constant 0 : i32
      %dma_wait3A_358 = tpu.memref_slice %arg15[%mul3A_356, %dma_wait3A_357] : memref<10016x128xf32, #tpu.memory_space<vmem_shared>> -> memref<72x128xf32, #tpu.memory_space<vmem_shared>>
      %dma_wait3A_359 = arith.constant 0 : i32
      %dma_wait3A_360 = tpu.memref_slice %arg15[%mul3A_356, %dma_wait3A_359] : memref<10016x128xf32, #tpu.memory_space<vmem_shared>> -> memref<72x128xf32, #tpu.memory_space<vmem_shared>>
      tpu.wait_dma2 semaphore(%arg17 : memref<!tpu.dma_semaphore, #tpu.memory_space<semaphore_mem>>) src(%arg11 : memref<72x128xf32, #tpu.memory_space<vmem>>) dst(%dma_wait3A_360 : memref<72x128xf32, #tpu.memory_space<vmem_shared>>)
    } else {
    }
    %add3A_146 = arith.constant 96 : i32
    %add3A_147 = arith.addi %arg1, %add3A_146 : i32
    %lt3A_148 = arith.constant 139 : i32
    %lt3A_149 = arith.cmpi slt, %add3A_147, %lt3A_148 : i32
    %convert_element_type3A_150 = arith.extui %lt3A_149 : i1 to i32
    %cond3A_151 = arith.constant 0 : i32
    %cond3A_152 = arith.cmpi ne, %convert_element_type3A_150, %cond3A_151 : i32
    scf.if %cond3A_152 {
      %mul3A_355 = arith.constant 72 : i32
      %mul3A_356 = arith.muli %add3A_147, %mul3A_355 : i32
      %dma_wait3A_357 = arith.constant 0 : i32
      %dma_wait3A_358 = tpu.memref_slice %arg15[%mul3A_356, %dma_wait3A_357] : memref<10016x128xf32, #tpu.memory_space<vmem_shared>> -> memref<72x128xf32, #tpu.memory_space<vmem_shared>>
      %dma_wait3A_359 = arith.constant 0 : i32
      %dma_wait3A_360 = tpu.memref_slice %arg15[%mul3A_356, %dma_wait3A_359] : memref<10016x128xf32, #tpu.memory_space<vmem_shared>> -> memref<72x128xf32, #tpu.memory_space<vmem_shared>>
      tpu.wait_dma2 semaphore(%arg17 : memref<!tpu.dma_semaphore, #tpu.memory_space<semaphore_mem>>) src(%arg11 : memref<72x128xf32, #tpu.memory_space<vmem>>) dst(%dma_wait3A_360 : memref<72x128xf32, #tpu.memory_space<vmem_shared>>)
    } else {
    }
    %add3A_153 = arith.constant 112 : i32
    %add3A_154 = arith.addi %arg1, %add3A_153 : i32
    %lt3A_155 = arith.constant 139 : i32
    %lt3A_156 = arith.cmpi slt, %add3A_154, %lt3A_155 : i32
    %convert_element_type3A_157 = arith.extui %lt3A_156 : i1 to i32
    %cond3A_158 = arith.constant 0 : i32
    %cond3A_159 = arith.cmpi ne, %convert_element_type3A_157, %cond3A_158 : i32
    scf.if %cond3A_159 {
      %mul3A_355 = arith.constant 72 : i32
      %mul3A_356 = arith.muli %add3A_154, %mul3A_355 : i32
      %dma_wait3A_357 = arith.constant 0 : i32
      %dma_wait3A_358 = tpu.memref_slice %arg15[%mul3A_356, %dma_wait3A_357] : memref<10016x128xf32, #tpu.memory_space<vmem_shared>> -> memref<72x128xf32, #tpu.memory_space<vmem_shared>>
      %dma_wait3A_359 = arith.constant 0 : i32
      %dma_wait3A_360 = tpu.memref_slice %arg15[%mul3A_356, %dma_wait3A_359] : memref<10016x128xf32, #tpu.memory_space<vmem_shared>> -> memref<72x128xf32, #tpu.memory_space<vmem_shared>>
      tpu.wait_dma2 semaphore(%arg17 : memref<!tpu.dma_semaphore, #tpu.memory_space<semaphore_mem>>) src(%arg11 : memref<72x128xf32, #tpu.memory_space<vmem>>) dst(%dma_wait3A_360 : memref<72x128xf32, #tpu.memory_space<vmem_shared>>)
    } else {
    }
    %add3A_160 = arith.constant 128 : i32
    %add3A_161 = arith.addi %arg1, %add3A_160 : i32
    %lt3A_162 = arith.constant 139 : i32
    %lt3A_163 = arith.cmpi slt, %add3A_161, %lt3A_162 : i32
    %convert_element_type3A_164 = arith.extui %lt3A_163 : i1 to i32
    %cond3A_165 = arith.constant 0 : i32
    %cond3A_166 = arith.cmpi ne, %convert_element_type3A_164, %cond3A_165 : i32
    scf.if %cond3A_166 {
      %mul3A_355 = arith.constant 72 : i32
      %mul3A_356 = arith.muli %add3A_161, %mul3A_355 : i32
      %dma_wait3A_357 = arith.constant 0 : i32
      %dma_wait3A_358 = tpu.memref_slice %arg15[%mul3A_356, %dma_wait3A_357] : memref<10016x128xf32, #tpu.memory_space<vmem_shared>> -> memref<72x128xf32, #tpu.memory_space<vmem_shared>>
      %dma_wait3A_359 = arith.constant 0 : i32
      %dma_wait3A_360 = tpu.memref_slice %arg15[%mul3A_356, %dma_wait3A_359] : memref<10016x128xf32, #tpu.memory_space<vmem_shared>> -> memref<72x128xf32, #tpu.memory_space<vmem_shared>>
      tpu.wait_dma2 semaphore(%arg17 : memref<!tpu.dma_semaphore, #tpu.memory_space<semaphore_mem>>) src(%arg11 : memref<72x128xf32, #tpu.memory_space<vmem>>) dst(%dma_wait3A_360 : memref<72x128xf32, #tpu.memory_space<vmem_shared>>)
    } else {
    }
    %eq3A_167 = arith.constant 0 : i32
    %eq3A_168 = arith.cmpi eq, %arg1, %eq3A_167 : i32
    %convert_element_type3A_169 = arith.extui %eq3A_168 : i1 to i32
    %cond3A_170 = arith.constant 0 : i32
    %cond3A_171 = arith.cmpi ne, %convert_element_type3A_169, %cond3A_170 : i32
    scf.if %cond3A_171 {
      %dma_wait3A_355 = arith.constant 0 : i32
      %dma_wait3A_356 = arith.constant 0 : i32
      %dma_wait3A_357 = tpu.memref_slice %arg11[%dma_wait3A_355, %dma_wait3A_356] : memref<72x128xf32, #tpu.memory_space<vmem>> -> memref<8x128xf32, #tpu.memory_space<vmem>>
      %dma_wait3A_358 = arith.constant 10008 : i32
      %dma_wait3A_359 = arith.constant 0 : i32
      %dma_wait3A_360 = tpu.memref_slice %arg15[%dma_wait3A_358, %dma_wait3A_359] : memref<10016x128xf32, #tpu.memory_space<vmem_shared>> -> memref<8x128xf32, #tpu.memory_space<vmem_shared>>
      %dma_wait3A_361 = arith.constant 10008 : i32
      %dma_wait3A_362 = arith.constant 0 : i32
      %dma_wait3A_363 = tpu.memref_slice %arg15[%dma_wait3A_361, %dma_wait3A_362] : memref<10016x128xf32, #tpu.memory_space<vmem_shared>> -> memref<8x128xf32, #tpu.memory_space<vmem_shared>>
      %dma_wait3A_364 = arith.constant 0 : i32
      %dma_wait3A_365 = arith.constant 0 : i32
      %dma_wait3A_366 = tpu.memref_slice %arg11[%dma_wait3A_364, %dma_wait3A_365] : memref<72x128xf32, #tpu.memory_space<vmem>> -> memref<8x128xf32, #tpu.memory_space<vmem>>
      tpu.wait_dma2 semaphore(%arg17 : memref<!tpu.dma_semaphore, #tpu.memory_space<semaphore_mem>>) src(%dma_wait3A_366 : memref<8x128xf32, #tpu.memory_space<vmem>>) dst(%dma_wait3A_363 : memref<8x128xf32, #tpu.memory_space<vmem_shared>>)
    } else {
    }
    %dma_start3A_172 = arith.constant 0 : i32
    %dma_start3A_173 = tpu.memref_slice %arg6[%dma_start3A_172] : memref<10080xi32, #tpu.memory_space<vmem>> -> memref<72xi32, #tpu.memory_space<vmem>>
    %dma_start3A_174 = arith.constant 0 : i32
    %dma_start3A_175 = arith.constant 0 : i32
    %dma_start3A_176 = tpu.memref_slice %arg2[%dma_start3A_174, %dma_start3A_175] : memref<10000x128xf32, #tpu.memory_space<hbm>> -> memref<10000x128xf32, #tpu.memory_space<hbm>>
    tpu.enqueue_indirect_dma source(%dma_start3A_176 : memref<10000x128xf32, #tpu.memory_space<hbm>>) target(%arg11 : memref<72x128xf32, #tpu.memory_space<vmem>>) offsets(%dma_start3A_173 : memref<72xi32, #tpu.memory_space<vmem>>) semaphore(%arg22 : memref<!tpu.dma_semaphore, #tpu.memory_space<semaphore_mem>>)
    %barrier3A = arith.constant 0 : index
    tpu.barrier barrier_id(%barrier3A)
    %scan3A_177 = arith.constant 0 : i32
    %scan3A_178 = arith.constant 34 : i32
    %scan3A_179 = arith.addi %scan3A_177, %scan3A_178 : i32
    %scan3A_180 = arith.constant 1 : i32
    scf.for %scan3A_355 = %scan3A_177 to %scan3A_179 step %scan3A_180  : i32 {
      %mul3A_356 = arith.constant 4 : i32
      %mul3A_357 = arith.muli %scan3A_355, %mul3A_356 : i32
      %add3A_358 = arith.constant 0 : i32
      %add3A_359 = arith.addi %add3A_358, %mul3A_357 : i32
      %add3A_360 = arith.constant 0 : i32
      %add3A_361 = arith.addi %add3A_359, %add3A_360 : i32
      %mul3A_362 = arith.constant 72 : i32
      %mul3A_363 = arith.muli %add3A_361, %mul3A_362 : i32
      %add3A_364 = arith.addi %mul3A_2, %mul3A_363 : i32
      %dma_wait3A_365 = tpu.memref_slice %arg4[%add3A_364] : memref<322560xi32, #tpu.memory_space<hbm>> -> memref<72xi32, #tpu.memory_space<hbm>>
      %dma_wait3A_366 = tpu.memref_slice %arg4[%add3A_364] : memref<322560xi32, #tpu.memory_space<hbm>> -> memref<72xi32, #tpu.memory_space<hbm>>
      tpu.wait_dma2 semaphore(%arg18 : memref<!tpu.dma_semaphore, #tpu.memory_space<semaphore_mem>>) src(%dma_wait3A_366 : memref<72xi32, #tpu.memory_space<hbm>>) dst(%arg7 : memref<72xi32, #tpu.memory_space<vmem>>)
      %mul3A_367 = arith.constant 72 : i32
      %mul3A_368 = arith.muli %add3A_361, %mul3A_367 : i32
      %dma_wait3A_369 = tpu.memref_slice %arg6[%mul3A_368] : memref<10080xi32, #tpu.memory_space<vmem>> -> memref<72xi32, #tpu.memory_space<vmem>>
      %dma_wait3A_370 = arith.constant 0 : i32
      %dma_wait3A_371 = arith.constant 0 : i32
      %dma_wait3A_372 = tpu.memref_slice %arg2[%dma_wait3A_370, %dma_wait3A_371] : memref<10000x128xf32, #tpu.memory_space<hbm>> -> memref<10000x128xf32, #tpu.memory_space<hbm>>
      tpu.wait_indirect_dma semaphore(%arg22 : memref<!tpu.dma_semaphore, #tpu.memory_space<semaphore_mem>>) src(%dma_wait3A_372 : memref<10000x128xf32, #tpu.memory_space<hbm>>) dst(%arg11 : memref<72x128xf32, #tpu.memory_space<vmem>>)
      %dma_start3A_373 = arith.constant 0 : i32
      %dma_start3A_374 = arith.constant 0 : i32
      %dma_start3A_375 = tpu.memref_slice %arg15[%dma_start3A_373, %dma_start3A_374] : memref<10016x128xf32, #tpu.memory_space<vmem_shared>> -> memref<10016x128xf32, #tpu.memory_space<vmem_shared>>
      tpu.enqueue_indirect_dma source(%arg11 : memref<72x128xf32, #tpu.memory_space<vmem>>) target(%dma_start3A_375 : memref<10016x128xf32, #tpu.memory_space<vmem_shared>>) offsets(%arg7 : memref<72xi32, #tpu.memory_space<vmem>>) semaphore(%arg26 : memref<!tpu.dma_semaphore, #tpu.memory_space<semaphore_mem>>) {add = true}
      %dma_wait3A_376 = arith.constant 0 : i32
      %dma_wait3A_377 = arith.constant 0 : i32
      %dma_wait3A_378 = tpu.memref_slice %arg15[%dma_wait3A_376, %dma_wait3A_377] : memref<10016x128xf32, #tpu.memory_space<vmem_shared>> -> memref<10016x128xf32, #tpu.memory_space<vmem_shared>>
      tpu.wait_indirect_dma semaphore(%arg26 : memref<!tpu.dma_semaphore, #tpu.memory_space<semaphore_mem>>) src(%arg11 : memref<72x128xf32, #tpu.memory_space<vmem>>) dst(%dma_wait3A_378 : memref<10016x128xf32, #tpu.memory_space<vmem_shared>>)
      %add3A_379 = arith.constant 4 : i32
      %add3A_380 = arith.addi %add3A_361, %add3A_379 : i32
      %mul3A_381 = arith.constant 72 : i32
      %mul3A_382 = arith.muli %add3A_380, %mul3A_381 : i32
      %dma_start3A_383 = tpu.memref_slice %arg6[%mul3A_382] : memref<10080xi32, #tpu.memory_space<vmem>> -> memref<72xi32, #tpu.memory_space<vmem>>
      %dma_start3A_384 = arith.constant 0 : i32
      %dma_start3A_385 = arith.constant 0 : i32
      %dma_start3A_386 = tpu.memref_slice %arg2[%dma_start3A_384, %dma_start3A_385] : memref<10000x128xf32, #tpu.memory_space<hbm>> -> memref<10000x128xf32, #tpu.memory_space<hbm>>
      tpu.enqueue_indirect_dma source(%dma_start3A_386 : memref<10000x128xf32, #tpu.memory_space<hbm>>) target(%arg11 : memref<72x128xf32, #tpu.memory_space<vmem>>) offsets(%dma_start3A_383 : memref<72xi32, #tpu.memory_space<vmem>>) semaphore(%arg22 : memref<!tpu.dma_semaphore, #tpu.memory_space<semaphore_mem>>)
      %add3A_387 = arith.constant 4 : i32
      %add3A_388 = arith.addi %add3A_361, %add3A_387 : i32
      %mul3A_389 = arith.constant 72 : i32
      %mul3A_390 = arith.muli %add3A_388, %mul3A_389 : i32
      %add3A_391 = arith.addi %mul3A_2, %mul3A_390 : i32
      %dma_start3A_392 = tpu.memref_slice %arg4[%add3A_391] : memref<322560xi32, #tpu.memory_space<hbm>> -> memref<72xi32, #tpu.memory_space<hbm>>
      %dma_start3A_393 = tpu.memref_slice %arg4[%add3A_391] : memref<322560xi32, #tpu.memory_space<hbm>> -> memref<72xi32, #tpu.memory_space<hbm>>
      tpu.enqueue_dma source(%dma_start3A_393 : memref<72xi32, #tpu.memory_space<hbm>>) target(%arg7 : memref<72xi32, #tpu.memory_space<vmem>>) target_semaphore(%arg18 : memref<!tpu.dma_semaphore, #tpu.memory_space<semaphore_mem>>)
      %add3A_394 = arith.constant 1 : i32
      %add3A_395 = arith.addi %add3A_359, %add3A_394 : i32
      %mul3A_396 = arith.constant 72 : i32
      %mul3A_397 = arith.muli %add3A_395, %mul3A_396 : i32
      %add3A_398 = arith.addi %mul3A_2, %mul3A_397 : i32
      %dma_wait3A_399 = tpu.memref_slice %arg4[%add3A_398] : memref<322560xi32, #tpu.memory_space<hbm>> -> memref<72xi32, #tpu.memory_space<hbm>>
      %dma_wait3A_400 = tpu.memref_slice %arg4[%add3A_398] : memref<322560xi32, #tpu.memory_space<hbm>> -> memref<72xi32, #tpu.memory_space<hbm>>
      tpu.wait_dma2 semaphore(%arg19 : memref<!tpu.dma_semaphore, #tpu.memory_space<semaphore_mem>>) src(%dma_wait3A_400 : memref<72xi32, #tpu.memory_space<hbm>>) dst(%arg8 : memref<72xi32, #tpu.memory_space<vmem>>)
      %mul3A_401 = arith.constant 72 : i32
      %mul3A_402 = arith.muli %add3A_395, %mul3A_401 : i32
      %dma_wait3A_403 = tpu.memref_slice %arg6[%mul3A_402] : memref<10080xi32, #tpu.memory_space<vmem>> -> memref<72xi32, #tpu.memory_space<vmem>>
      %dma_wait3A_404 = arith.constant 0 : i32
      %dma_wait3A_405 = arith.constant 0 : i32
      %dma_wait3A_406 = tpu.memref_slice %arg2[%dma_wait3A_404, %dma_wait3A_405] : memref<10000x128xf32, #tpu.memory_space<hbm>> -> memref<10000x128xf32, #tpu.memory_space<hbm>>
      tpu.wait_indirect_dma semaphore(%arg23 : memref<!tpu.dma_semaphore, #tpu.memory_space<semaphore_mem>>) src(%dma_wait3A_406 : memref<10000x128xf32, #tpu.memory_space<hbm>>) dst(%arg12 : memref<72x128xf32, #tpu.memory_space<vmem>>)
      %dma_start3A_407 = arith.constant 0 : i32
      %dma_start3A_408 = arith.constant 0 : i32
      %dma_start3A_409 = tpu.memref_slice %arg15[%dma_start3A_407, %dma_start3A_408] : memref<10016x128xf32, #tpu.memory_space<vmem_shared>> -> memref<10016x128xf32, #tpu.memory_space<vmem_shared>>
      tpu.enqueue_indirect_dma source(%arg12 : memref<72x128xf32, #tpu.memory_space<vmem>>) target(%dma_start3A_409 : memref<10016x128xf32, #tpu.memory_space<vmem_shared>>) offsets(%arg8 : memref<72xi32, #tpu.memory_space<vmem>>) semaphore(%arg27 : memref<!tpu.dma_semaphore, #tpu.memory_space<semaphore_mem>>) {add = true}
      %dma_wait3A_410 = arith.constant 0 : i32
      %dma_wait3A_411 = arith.constant 0 : i32
      %dma_wait3A_412 = tpu.memref_slice %arg15[%dma_wait3A_410, %dma_wait3A_411] : memref<10016x128xf32, #tpu.memory_space<vmem_shared>> -> memref<10016x128xf32, #tpu.memory_space<vmem_shared>>
      tpu.wait_indirect_dma semaphore(%arg27 : memref<!tpu.dma_semaphore, #tpu.memory_space<semaphore_mem>>) src(%arg12 : memref<72x128xf32, #tpu.memory_space<vmem>>) dst(%dma_wait3A_412 : memref<10016x128xf32, #tpu.memory_space<vmem_shared>>)
      %add3A_413 = arith.constant 4 : i32
      %add3A_414 = arith.addi %add3A_395, %add3A_413 : i32
      %mul3A_415 = arith.constant 72 : i32
      %mul3A_416 = arith.muli %add3A_414, %mul3A_415 : i32
      %dma_start3A_417 = tpu.memref_slice %arg6[%mul3A_416] : memref<10080xi32, #tpu.memory_space<vmem>> -> memref<72xi32, #tpu.memory_space<vmem>>
      %dma_start3A_418 = arith.constant 0 : i32
      %dma_start3A_419 = arith.constant 0 : i32
      %dma_start3A_420 = tpu.memref_slice %arg2[%dma_start3A_418, %dma_start3A_419] : memref<10000x128xf32, #tpu.memory_space<hbm>> -> memref<10000x128xf32, #tpu.memory_space<hbm>>
      tpu.enqueue_indirect_dma source(%dma_start3A_420 : memref<10000x128xf32, #tpu.memory_space<hbm>>) target(%arg12 : memref<72x128xf32, #tpu.memory_space<vmem>>) offsets(%dma_start3A_417 : memref<72xi32, #tpu.memory_space<vmem>>) semaphore(%arg23 : memref<!tpu.dma_semaphore, #tpu.memory_space<semaphore_mem>>)
      %add3A_421 = arith.constant 4 : i32
      %add3A_422 = arith.addi %add3A_395, %add3A_421 : i32
      %mul3A_423 = arith.constant 72 : i32
      %mul3A_424 = arith.muli %add3A_422, %mul3A_423 : i32
      %add3A_425 = arith.addi %mul3A_2, %mul3A_424 : i32
      %dma_start3A_426 = tpu.memref_slice %arg4[%add3A_425] : memref<322560xi32, #tpu.memory_space<hbm>> -> memref<72xi32, #tpu.memory_space<hbm>>
      %dma_start3A_427 = tpu.memref_slice %arg4[%add3A_425] : memref<322560xi32, #tpu.memory_space<hbm>> -> memref<72xi32, #tpu.memory_space<hbm>>
      tpu.enqueue_dma source(%dma_start3A_427 : memref<72xi32, #tpu.memory_space<hbm>>) target(%arg8 : memref<72xi32, #tpu.memory_space<vmem>>) target_semaphore(%arg19 : memref<!tpu.dma_semaphore, #tpu.memory_space<semaphore_mem>>)
      %add3A_428 = arith.constant 2 : i32
      %add3A_429 = arith.addi %add3A_359, %add3A_428 : i32
      %mul3A_430 = arith.constant 72 : i32
      %mul3A_431 = arith.muli %add3A_429, %mul3A_430 : i32
      %add3A_432 = arith.addi %mul3A_2, %mul3A_431 : i32
      %dma_wait3A_433 = tpu.memref_slice %arg4[%add3A_432] : memref<322560xi32, #tpu.memory_space<hbm>> -> memref<72xi32, #tpu.memory_space<hbm>>
      %dma_wait3A_434 = tpu.memref_slice %arg4[%add3A_432] : memref<322560xi32, #tpu.memory_space<hbm>> -> memref<72xi32, #tpu.memory_space<hbm>>
      tpu.wait_dma2 semaphore(%arg20 : memref<!tpu.dma_semaphore, #tpu.memory_space<semaphore_mem>>) src(%dma_wait3A_434 : memref<72xi32, #tpu.memory_space<hbm>>) dst(%arg9 : memref<72xi32, #tpu.memory_space<vmem>>)
      %mul3A_435 = arith.constant 72 : i32
      %mul3A_436 = arith.muli %add3A_429, %mul3A_435 : i32
      %dma_wait3A_437 = tpu.memref_slice %arg6[%mul3A_436] : memref<10080xi32, #tpu.memory_space<vmem>> -> memref<72xi32, #tpu.memory_space<vmem>>
      %dma_wait3A_438 = arith.constant 0 : i32
      %dma_wait3A_439 = arith.constant 0 : i32
      %dma_wait3A_440 = tpu.memref_slice %arg2[%dma_wait3A_438, %dma_wait3A_439] : memref<10000x128xf32, #tpu.memory_space<hbm>> -> memref<10000x128xf32, #tpu.memory_space<hbm>>
      tpu.wait_indirect_dma semaphore(%arg24 : memref<!tpu.dma_semaphore, #tpu.memory_space<semaphore_mem>>) src(%dma_wait3A_440 : memref<10000x128xf32, #tpu.memory_space<hbm>>) dst(%arg13 : memref<72x128xf32, #tpu.memory_space<vmem>>)
      %dma_start3A_441 = arith.constant 0 : i32
      %dma_start3A_442 = arith.constant 0 : i32
      %dma_start3A_443 = tpu.memref_slice %arg15[%dma_start3A_441, %dma_start3A_442] : memref<10016x128xf32, #tpu.memory_space<vmem_shared>> -> memref<10016x128xf32, #tpu.memory_space<vmem_shared>>
      tpu.enqueue_indirect_dma source(%arg13 : memref<72x128xf32, #tpu.memory_space<vmem>>) target(%dma_start3A_443 : memref<10016x128xf32, #tpu.memory_space<vmem_shared>>) offsets(%arg9 : memref<72xi32, #tpu.memory_space<vmem>>) semaphore(%arg28 : memref<!tpu.dma_semaphore, #tpu.memory_space<semaphore_mem>>) {add = true}
      %dma_wait3A_444 = arith.constant 0 : i32
      %dma_wait3A_445 = arith.constant 0 : i32
      %dma_wait3A_446 = tpu.memref_slice %arg15[%dma_wait3A_444, %dma_wait3A_445] : memref<10016x128xf32, #tpu.memory_space<vmem_shared>> -> memref<10016x128xf32, #tpu.memory_space<vmem_shared>>
      tpu.wait_indirect_dma semaphore(%arg28 : memref<!tpu.dma_semaphore, #tpu.memory_space<semaphore_mem>>) src(%arg13 : memref<72x128xf32, #tpu.memory_space<vmem>>) dst(%dma_wait3A_446 : memref<10016x128xf32, #tpu.memory_space<vmem_shared>>)
      %add3A_447 = arith.constant 4 : i32
      %add3A_448 = arith.addi %add3A_429, %add3A_447 : i32
      %mul3A_449 = arith.constant 72 : i32
      %mul3A_450 = arith.muli %add3A_448, %mul3A_449 : i32
      %dma_start3A_451 = tpu.memref_slice %arg6[%mul3A_450] : memref<10080xi32, #tpu.memory_space<vmem>> -> memref<72xi32, #tpu.memory_space<vmem>>
      %dma_start3A_452 = arith.constant 0 : i32
      %dma_start3A_453 = arith.constant 0 : i32
      %dma_start3A_454 = tpu.memref_slice %arg2[%dma_start3A_452, %dma_start3A_453] : memref<10000x128xf32, #tpu.memory_space<hbm>> -> memref<10000x128xf32, #tpu.memory_space<hbm>>
      tpu.enqueue_indirect_dma source(%dma_start3A_454 : memref<10000x128xf32, #tpu.memory_space<hbm>>) target(%arg13 : memref<72x128xf32, #tpu.memory_space<vmem>>) offsets(%dma_start3A_451 : memref<72xi32, #tpu.memory_space<vmem>>) semaphore(%arg24 : memref<!tpu.dma_semaphore, #tpu.memory_space<semaphore_mem>>)
      %add3A_455 = arith.constant 4 : i32
      %add3A_456 = arith.addi %add3A_429, %add3A_455 : i32
      %mul3A_457 = arith.constant 72 : i32
      %mul3A_458 = arith.muli %add3A_456, %mul3A_457 : i32
      %add3A_459 = arith.addi %mul3A_2, %mul3A_458 : i32
      %dma_start3A_460 = tpu.memref_slice %arg4[%add3A_459] : memref<322560xi32, #tpu.memory_space<hbm>> -> memref<72xi32, #tpu.memory_space<hbm>>
      %dma_start3A_461 = tpu.memref_slice %arg4[%add3A_459] : memref<322560xi32, #tpu.memory_space<hbm>> -> memref<72xi32, #tpu.memory_space<hbm>>
      tpu.enqueue_dma source(%dma_start3A_461 : memref<72xi32, #tpu.memory_space<hbm>>) target(%arg9 : memref<72xi32, #tpu.memory_space<vmem>>) target_semaphore(%arg20 : memref<!tpu.dma_semaphore, #tpu.memory_space<semaphore_mem>>)
      %add3A_462 = arith.constant 3 : i32
      %add3A_463 = arith.addi %add3A_359, %add3A_462 : i32
      %mul3A_464 = arith.constant 72 : i32
      %mul3A_465 = arith.muli %add3A_463, %mul3A_464 : i32
      %add3A_466 = arith.addi %mul3A_2, %mul3A_465 : i32
      %dma_wait3A_467 = tpu.memref_slice %arg4[%add3A_466] : memref<322560xi32, #tpu.memory_space<hbm>> -> memref<72xi32, #tpu.memory_space<hbm>>
      %dma_wait3A_468 = tpu.memref_slice %arg4[%add3A_466] : memref<322560xi32, #tpu.memory_space<hbm>> -> memref<72xi32, #tpu.memory_space<hbm>>
      tpu.wait_dma2 semaphore(%arg21 : memref<!tpu.dma_semaphore, #tpu.memory_space<semaphore_mem>>) src(%dma_wait3A_468 : memref<72xi32, #tpu.memory_space<hbm>>) dst(%arg10 : memref<72xi32, #tpu.memory_space<vmem>>)
      %mul3A_469 = arith.constant 72 : i32
      %mul3A_470 = arith.muli %add3A_463, %mul3A_469 : i32
      %dma_wait3A_471 = tpu.memref_slice %arg6[%mul3A_470] : memref<10080xi32, #tpu.memory_space<vmem>> -> memref<72xi32, #tpu.memory_space<vmem>>
      %dma_wait3A_472 = arith.constant 0 : i32
      %dma_wait3A_473 = arith.constant 0 : i32
      %dma_wait3A_474 = tpu.memref_slice %arg2[%dma_wait3A_472, %dma_wait3A_473] : memref<10000x128xf32, #tpu.memory_space<hbm>> -> memref<10000x128xf32, #tpu.memory_space<hbm>>
      tpu.wait_indirect_dma semaphore(%arg25 : memref<!tpu.dma_semaphore, #tpu.memory_space<semaphore_mem>>) src(%dma_wait3A_474 : memref<10000x128xf32, #tpu.memory_space<hbm>>) dst(%arg14 : memref<72x128xf32, #tpu.memory_space<vmem>>)
      %dma_start3A_475 = arith.constant 0 : i32
      %dma_start3A_476 = arith.constant 0 : i32
      %dma_start3A_477 = tpu.memref_slice %arg15[%dma_start3A_475, %dma_start3A_476] : memref<10016x128xf32, #tpu.memory_space<vmem_shared>> -> memref<10016x128xf32, #tpu.memory_space<vmem_shared>>
      tpu.enqueue_indirect_dma source(%arg14 : memref<72x128xf32, #tpu.memory_space<vmem>>) target(%dma_start3A_477 : memref<10016x128xf32, #tpu.memory_space<vmem_shared>>) offsets(%arg10 : memref<72xi32, #tpu.memory_space<vmem>>) semaphore(%arg29 : memref<!tpu.dma_semaphore, #tpu.memory_space<semaphore_mem>>) {add = true}
      %dma_wait3A_478 = arith.constant 0 : i32
      %dma_wait3A_479 = arith.constant 0 : i32
      %dma_wait3A_480 = tpu.memref_slice %arg15[%dma_wait3A_478, %dma_wait3A_479] : memref<10016x128xf32, #tpu.memory_space<vmem_shared>> -> memref<10016x128xf32, #tpu.memory_space<vmem_shared>>
      tpu.wait_indirect_dma semaphore(%arg29 : memref<!tpu.dma_semaphore, #tpu.memory_space<semaphore_mem>>) src(%arg14 : memref<72x128xf32, #tpu.memory_space<vmem>>) dst(%dma_wait3A_480 : memref<10016x128xf32, #tpu.memory_space<vmem_shared>>)
      %add3A_481 = arith.constant 4 : i32
      %add3A_482 = arith.addi %add3A_463, %add3A_481 : i32
      %mul3A_483 = arith.constant 72 : i32
      %mul3A_484 = arith.muli %add3A_482, %mul3A_483 : i32
      %dma_start3A_485 = tpu.memref_slice %arg6[%mul3A_484] : memref<10080xi32, #tpu.memory_space<vmem>> -> memref<72xi32, #tpu.memory_space<vmem>>
      %dma_start3A_486 = arith.constant 0 : i32
      %dma_start3A_487 = arith.constant 0 : i32
      %dma_start3A_488 = tpu.memref_slice %arg2[%dma_start3A_486, %dma_start3A_487] : memref<10000x128xf32, #tpu.memory_space<hbm>> -> memref<10000x128xf32, #tpu.memory_space<hbm>>
      tpu.enqueue_indirect_dma source(%dma_start3A_488 : memref<10000x128xf32, #tpu.memory_space<hbm>>) target(%arg14 : memref<72x128xf32, #tpu.memory_space<vmem>>) offsets(%dma_start3A_485 : memref<72xi32, #tpu.memory_space<vmem>>) semaphore(%arg25 : memref<!tpu.dma_semaphore, #tpu.memory_space<semaphore_mem>>)
      %add3A_489 = arith.constant 4 : i32
      %add3A_490 = arith.addi %add3A_463, %add3A_489 : i32
      %mul3A_491 = arith.constant 72 : i32
      %mul3A_492 = arith.muli %add3A_490, %mul3A_491 : i32
      %add3A_493 = arith.addi %mul3A_2, %mul3A_492 : i32
      %dma_start3A_494 = tpu.memref_slice %arg4[%add3A_493] : memref<322560xi32, #tpu.memory_space<hbm>> -> memref<72xi32, #tpu.memory_space<hbm>>
      %dma_start3A_495 = tpu.memref_slice %arg4[%add3A_493] : memref<322560xi32, #tpu.memory_space<hbm>> -> memref<72xi32, #tpu.memory_space<hbm>>
      tpu.enqueue_dma source(%dma_start3A_495 : memref<72xi32, #tpu.memory_space<hbm>>) target(%arg10 : memref<72xi32, #tpu.memory_space<vmem>>) target_semaphore(%arg21 : memref<!tpu.dma_semaphore, #tpu.memory_space<semaphore_mem>>)
    }
    %scan3A_181 = arith.constant 34 : i32
    %add3A_182 = arith.constant 9792 : i32
    %add3A_183 = arith.addi %mul3A_2, %add3A_182 : i32
    %dma_wait3A_184 = tpu.memref_slice %arg4[%add3A_183] : memref<322560xi32, #tpu.memory_space<hbm>> -> memref<72xi32, #tpu.memory_space<hbm>>
    %dma_wait3A_185 = tpu.memref_slice %arg4[%add3A_183] : memref<322560xi32, #tpu.memory_space<hbm>> -> memref<72xi32, #tpu.memory_space<hbm>>
    tpu.wait_dma2 semaphore(%arg18 : memref<!tpu.dma_semaphore, #tpu.memory_space<semaphore_mem>>) src(%dma_wait3A_185 : memref<72xi32, #tpu.memory_space<hbm>>) dst(%arg7 : memref<72xi32, #tpu.memory_space<vmem>>)
    %dma_wait3A_186 = arith.constant 9792 : i32
    %dma_wait3A_187 = tpu.memref_slice %arg6[%dma_wait3A_186] : memref<10080xi32, #tpu.memory_space<vmem>> -> memref<72xi32, #tpu.memory_space<vmem>>
    %dma_wait3A_188 = arith.constant 0 : i32
    %dma_wait3A_189 = arith.constant 0 : i32
    %dma_wait3A_190 = tpu.memref_slice %arg2[%dma_wait3A_188, %dma_wait3A_189] : memref<10000x128xf32, #tpu.memory_space<hbm>> -> memref<10000x128xf32, #tpu.memory_space<hbm>>
    tpu.wait_indirect_dma semaphore(%arg22 : memref<!tpu.dma_semaphore, #tpu.memory_space<semaphore_mem>>) src(%dma_wait3A_190 : memref<10000x128xf32, #tpu.memory_space<hbm>>) dst(%arg11 : memref<72x128xf32, #tpu.memory_space<vmem>>)
    "tpu.region"() ({
      %run_scoped3A = tpu.sem_alloc : memref<!tpu.dma_semaphore, #tpu.memory_space<semaphore_mem>>
      %dma_start3A_355 = arith.constant 0 : i32
      %dma_start3A_356 = arith.constant 0 : i32
      %dma_start3A_357 = tpu.memref_slice %arg15[%dma_start3A_355, %dma_start3A_356] : memref<10016x128xf32, #tpu.memory_space<vmem_shared>> -> memref<10016x128xf32, #tpu.memory_space<vmem_shared>>
      tpu.enqueue_indirect_dma source(%arg11 : memref<72x128xf32, #tpu.memory_space<vmem>>) target(%dma_start3A_357 : memref<10016x128xf32, #tpu.memory_space<vmem_shared>>) offsets(%arg7 : memref<72xi32, #tpu.memory_space<vmem>>) semaphore(%run_scoped3A : memref<!tpu.dma_semaphore, #tpu.memory_space<semaphore_mem>>) {add = true}
      %dma_wait3A_358 = arith.constant 0 : i32
      %dma_wait3A_359 = arith.constant 0 : i32
      %dma_wait3A_360 = tpu.memref_slice %arg15[%dma_wait3A_358, %dma_wait3A_359] : memref<10016x128xf32, #tpu.memory_space<vmem_shared>> -> memref<10016x128xf32, #tpu.memory_space<vmem_shared>>
      tpu.wait_indirect_dma semaphore(%run_scoped3A : memref<!tpu.dma_semaphore, #tpu.memory_space<semaphore_mem>>) src(%arg11 : memref<72x128xf32, #tpu.memory_space<vmem>>) dst(%dma_wait3A_360 : memref<10016x128xf32, #tpu.memory_space<vmem_shared>>)
      tpu.yield
    }) : () -> ()
    %add3A_191 = arith.constant 9864 : i32
    %add3A_192 = arith.addi %mul3A_2, %add3A_191 : i32
    %dma_wait3A_193 = tpu.memref_slice %arg4[%add3A_192] : memref<322560xi32, #tpu.memory_space<hbm>> -> memref<72xi32, #tpu.memory_space<hbm>>
    %dma_wait3A_194 = tpu.memref_slice %arg4[%add3A_192] : memref<322560xi32, #tpu.memory_space<hbm>> -> memref<72xi32, #tpu.memory_space<hbm>>
    tpu.wait_dma2 semaphore(%arg19 : memref<!tpu.dma_semaphore, #tpu.memory_space<semaphore_mem>>) src(%dma_wait3A_194 : memref<72xi32, #tpu.memory_space<hbm>>) dst(%arg8 : memref<72xi32, #tpu.memory_space<vmem>>)
    %dma_wait3A_195 = arith.constant 9864 : i32
    %dma_wait3A_196 = tpu.memref_slice %arg6[%dma_wait3A_195] : memref<10080xi32, #tpu.memory_space<vmem>> -> memref<72xi32, #tpu.memory_space<vmem>>
    %dma_wait3A_197 = arith.constant 0 : i32
    %dma_wait3A_198 = arith.constant 0 : i32
    %dma_wait3A_199 = tpu.memref_slice %arg2[%dma_wait3A_197, %dma_wait3A_198] : memref<10000x128xf32, #tpu.memory_space<hbm>> -> memref<10000x128xf32, #tpu.memory_space<hbm>>
    tpu.wait_indirect_dma semaphore(%arg23 : memref<!tpu.dma_semaphore, #tpu.memory_space<semaphore_mem>>) src(%dma_wait3A_199 : memref<10000x128xf32, #tpu.memory_space<hbm>>) dst(%arg12 : memref<72x128xf32, #tpu.memory_space<vmem>>)
    "tpu.region"() ({
      %run_scoped3A = tpu.sem_alloc : memref<!tpu.dma_semaphore, #tpu.memory_space<semaphore_mem>>
      %dma_start3A_355 = arith.constant 0 : i32
      %dma_start3A_356 = arith.constant 0 : i32
      %dma_start3A_357 = tpu.memref_slice %arg15[%dma_start3A_355, %dma_start3A_356] : memref<10016x128xf32, #tpu.memory_space<vmem_shared>> -> memref<10016x128xf32, #tpu.memory_space<vmem_shared>>
      tpu.enqueue_indirect_dma source(%arg12 : memref<72x128xf32, #tpu.memory_space<vmem>>) target(%dma_start3A_357 : memref<10016x128xf32, #tpu.memory_space<vmem_shared>>) offsets(%arg8 : memref<72xi32, #tpu.memory_space<vmem>>) semaphore(%run_scoped3A : memref<!tpu.dma_semaphore, #tpu.memory_space<semaphore_mem>>) {add = true}
      %dma_wait3A_358 = arith.constant 0 : i32
      %dma_wait3A_359 = arith.constant 0 : i32
      %dma_wait3A_360 = tpu.memref_slice %arg15[%dma_wait3A_358, %dma_wait3A_359] : memref<10016x128xf32, #tpu.memory_space<vmem_shared>> -> memref<10016x128xf32, #tpu.memory_space<vmem_shared>>
      tpu.wait_indirect_dma semaphore(%run_scoped3A : memref<!tpu.dma_semaphore, #tpu.memory_space<semaphore_mem>>) src(%arg12 : memref<72x128xf32, #tpu.memory_space<vmem>>) dst(%dma_wait3A_360 : memref<10016x128xf32, #tpu.memory_space<vmem_shared>>)
      tpu.yield
    }) : () -> ()
    %add3A_200 = arith.constant 9936 : i32
    %add3A_201 = arith.addi %mul3A_2, %add3A_200 : i32
    %dma_wait3A_202 = tpu.memref_slice %arg4[%add3A_201] : memref<322560xi32, #tpu.memory_space<hbm>> -> memref<72xi32, #tpu.memory_space<hbm>>
    %dma_wait3A_203 = tpu.memref_slice %arg4[%add3A_201] : memref<322560xi32, #tpu.memory_space<hbm>> -> memref<72xi32, #tpu.memory_space<hbm>>
    tpu.wait_dma2 semaphore(%arg20 : memref<!tpu.dma_semaphore, #tpu.memory_space<semaphore_mem>>) src(%dma_wait3A_203 : memref<72xi32, #tpu.memory_space<hbm>>) dst(%arg9 : memref<72xi32, #tpu.memory_space<vmem>>)
    %dma_wait3A_204 = arith.constant 9936 : i32
    %dma_wait3A_205 = tpu.memref_slice %arg6[%dma_wait3A_204] : memref<10080xi32, #tpu.memory_space<vmem>> -> memref<72xi32, #tpu.memory_space<vmem>>
    %dma_wait3A_206 = arith.constant 0 : i32
    %dma_wait3A_207 = arith.constant 0 : i32
    %dma_wait3A_208 = tpu.memref_slice %arg2[%dma_wait3A_206, %dma_wait3A_207] : memref<10000x128xf32, #tpu.memory_space<hbm>> -> memref<10000x128xf32, #tpu.memory_space<hbm>>
    tpu.wait_indirect_dma semaphore(%arg24 : memref<!tpu.dma_semaphore, #tpu.memory_space<semaphore_mem>>) src(%dma_wait3A_208 : memref<10000x128xf32, #tpu.memory_space<hbm>>) dst(%arg13 : memref<72x128xf32, #tpu.memory_space<vmem>>)
    "tpu.region"() ({
      %run_scoped3A = tpu.sem_alloc : memref<!tpu.dma_semaphore, #tpu.memory_space<semaphore_mem>>
      %dma_start3A_355 = arith.constant 0 : i32
      %dma_start3A_356 = arith.constant 0 : i32
      %dma_start3A_357 = tpu.memref_slice %arg15[%dma_start3A_355, %dma_start3A_356] : memref<10016x128xf32, #tpu.memory_space<vmem_shared>> -> memref<10016x128xf32, #tpu.memory_space<vmem_shared>>
      tpu.enqueue_indirect_dma source(%arg13 : memref<72x128xf32, #tpu.memory_space<vmem>>) target(%dma_start3A_357 : memref<10016x128xf32, #tpu.memory_space<vmem_shared>>) offsets(%arg9 : memref<72xi32, #tpu.memory_space<vmem>>) semaphore(%run_scoped3A : memref<!tpu.dma_semaphore, #tpu.memory_space<semaphore_mem>>) {add = true}
      %dma_wait3A_358 = arith.constant 0 : i32
      %dma_wait3A_359 = arith.constant 0 : i32
      %dma_wait3A_360 = tpu.memref_slice %arg15[%dma_wait3A_358, %dma_wait3A_359] : memref<10016x128xf32, #tpu.memory_space<vmem_shared>> -> memref<10016x128xf32, #tpu.memory_space<vmem_shared>>
      tpu.wait_indirect_dma semaphore(%run_scoped3A : memref<!tpu.dma_semaphore, #tpu.memory_space<semaphore_mem>>) src(%arg13 : memref<72x128xf32, #tpu.memory_space<vmem>>) dst(%dma_wait3A_360 : memref<10016x128xf32, #tpu.memory_space<vmem_shared>>)
      tpu.yield
    }) : () -> ()
    %add3A_209 = arith.constant 10008 : i32
    %add3A_210 = arith.addi %mul3A_2, %add3A_209 : i32
    %dma_wait3A_211 = tpu.memref_slice %arg4[%add3A_210] : memref<322560xi32, #tpu.memory_space<hbm>> -> memref<72xi32, #tpu.memory_space<hbm>>
    %dma_wait3A_212 = tpu.memref_slice %arg4[%add3A_210] : memref<322560xi32, #tpu.memory_space<hbm>> -> memref<72xi32, #tpu.memory_space<hbm>>
    tpu.wait_dma2 semaphore(%arg21 : memref<!tpu.dma_semaphore, #tpu.memory_space<semaphore_mem>>) src(%dma_wait3A_212 : memref<72xi32, #tpu.memory_space<hbm>>) dst(%arg10 : memref<72xi32, #tpu.memory_space<vmem>>)
    %dma_wait3A_213 = arith.constant 10008 : i32
    %dma_wait3A_214 = tpu.memref_slice %arg6[%dma_wait3A_213] : memref<10080xi32, #tpu.memory_space<vmem>> -> memref<72xi32, #tpu.memory_space<vmem>>
    %dma_wait3A_215 = arith.constant 0 : i32
    %dma_wait3A_216 = arith.constant 0 : i32
    %dma_wait3A_217 = tpu.memref_slice %arg2[%dma_wait3A_215, %dma_wait3A_216] : memref<10000x128xf32, #tpu.memory_space<hbm>> -> memref<10000x128xf32, #tpu.memory_space<hbm>>
    tpu.wait_indirect_dma semaphore(%arg25 : memref<!tpu.dma_semaphore, #tpu.memory_space<semaphore_mem>>) src(%dma_wait3A_217 : memref<10000x128xf32, #tpu.memory_space<hbm>>) dst(%arg14 : memref<72x128xf32, #tpu.memory_space<vmem>>)
    "tpu.region"() ({
      %run_scoped3A = tpu.sem_alloc : memref<!tpu.dma_semaphore, #tpu.memory_space<semaphore_mem>>
      %dma_start3A_355 = arith.constant 0 : i32
      %dma_start3A_356 = arith.constant 0 : i32
      %dma_start3A_357 = tpu.memref_slice %arg15[%dma_start3A_355, %dma_start3A_356] : memref<10016x128xf32, #tpu.memory_space<vmem_shared>> -> memref<10016x128xf32, #tpu.memory_space<vmem_shared>>
      tpu.enqueue_indirect_dma source(%arg14 : memref<72x128xf32, #tpu.memory_space<vmem>>) target(%dma_start3A_357 : memref<10016x128xf32, #tpu.memory_space<vmem_shared>>) offsets(%arg10 : memref<72xi32, #tpu.memory_space<vmem>>) semaphore(%run_scoped3A : memref<!tpu.dma_semaphore, #tpu.memory_space<semaphore_mem>>) {add = true}
      %dma_wait3A_358 = arith.constant 0 : i32
      %dma_wait3A_359 = arith.constant 0 : i32
      %dma_wait3A_360 = tpu.memref_slice %arg15[%dma_wait3A_358, %dma_wait3A_359] : memref<10016x128xf32, #tpu.memory_space<vmem_shared>> -> memref<10016x128xf32, #tpu.memory_space<vmem_shared>>
      tpu.wait_indirect_dma semaphore(%run_scoped3A : memref<!tpu.dma_semaphore, #tpu.memory_space<semaphore_mem>>) src(%arg14 : memref<72x128xf32, #tpu.memory_space<vmem>>) dst(%dma_wait3A_360 : memref<10016x128xf32, #tpu.memory_space<vmem_shared>>)
      tpu.yield
    }) : () -> ()
    %barrier3A_218 = arith.constant 0 : index
    tpu.barrier barrier_id(%barrier3A_218)
    %add3A_219 = arith.constant 0 : i32
    %add3A_220 = arith.addi %arg1, %add3A_219 : i32
    %lt3A_221 = arith.constant 138 : i32
    %lt3A_222 = arith.cmpi slt, %add3A_220, %lt3A_221 : i32
    %convert_element_type3A_223 = arith.extui %lt3A_222 : i1 to i32
    %cond3A_224 = arith.constant 0 : i32
    %cond3A_225 = arith.cmpi ne, %convert_element_type3A_223, %cond3A_224 : i32
    scf.if %cond3A_225 {
      %mul3A_355 = arith.constant 72 : i32
      %mul3A_356 = arith.muli %add3A_220, %mul3A_355 : i32
      %mul3A_357 = arith.constant 72 : i32
      %mul3A_358 = arith.muli %add3A_220, %mul3A_357 : i32
      %dma_start3A_359 = arith.constant 0 : i32
      %dma_start3A_360 = tpu.memref_slice %arg5[%arg0, %mul3A_358, %dma_start3A_359] : memref<2x10000x128xf32, #tpu.memory_space<hbm>> -> memref<1x72x128xf32, #tpu.memory_space<hbm>>
      %dma_start3A_361 = tpu.memref_squeeze %dma_start3A_360 : memref<1x72x128xf32, #tpu.memory_space<hbm>> -> memref<72x128xf32, #tpu.memory_space<hbm>>
      %dma_start3A_362 = arith.constant 0 : i32
      %dma_start3A_363 = tpu.memref_slice %arg15[%mul3A_356, %dma_start3A_362] : memref<10016x128xf32, #tpu.memory_space<vmem_shared>> -> memref<72x128xf32, #tpu.memory_space<vmem_shared>>
      tpu.enqueue_dma source(%dma_start3A_363 : memref<72x128xf32, #tpu.memory_space<vmem_shared>>) target(%dma_start3A_361 : memref<72x128xf32, #tpu.memory_space<hbm>>) target_semaphore(%arg17 : memref<!tpu.dma_semaphore, #tpu.memory_space<semaphore_mem>>)
    } else {
    }
    %add3A_226 = arith.constant 16 : i32
    %add3A_227 = arith.addi %arg1, %add3A_226 : i32
    %lt3A_228 = arith.constant 138 : i32
    %lt3A_229 = arith.cmpi slt, %add3A_227, %lt3A_228 : i32
    %convert_element_type3A_230 = arith.extui %lt3A_229 : i1 to i32
    %cond3A_231 = arith.constant 0 : i32
    %cond3A_232 = arith.cmpi ne, %convert_element_type3A_230, %cond3A_231 : i32
    scf.if %cond3A_232 {
      %mul3A_355 = arith.constant 72 : i32
      %mul3A_356 = arith.muli %add3A_227, %mul3A_355 : i32
      %mul3A_357 = arith.constant 72 : i32
      %mul3A_358 = arith.muli %add3A_227, %mul3A_357 : i32
      %dma_start3A_359 = arith.constant 0 : i32
      %dma_start3A_360 = tpu.memref_slice %arg5[%arg0, %mul3A_358, %dma_start3A_359] : memref<2x10000x128xf32, #tpu.memory_space<hbm>> -> memref<1x72x128xf32, #tpu.memory_space<hbm>>
      %dma_start3A_361 = tpu.memref_squeeze %dma_start3A_360 : memref<1x72x128xf32, #tpu.memory_space<hbm>> -> memref<72x128xf32, #tpu.memory_space<hbm>>
      %dma_start3A_362 = arith.constant 0 : i32
      %dma_start3A_363 = tpu.memref_slice %arg15[%mul3A_356, %dma_start3A_362] : memref<10016x128xf32, #tpu.memory_space<vmem_shared>> -> memref<72x128xf32, #tpu.memory_space<vmem_shared>>
      tpu.enqueue_dma source(%dma_start3A_363 : memref<72x128xf32, #tpu.memory_space<vmem_shared>>) target(%dma_start3A_361 : memref<72x128xf32, #tpu.memory_space<hbm>>) target_semaphore(%arg17 : memref<!tpu.dma_semaphore, #tpu.memory_space<semaphore_mem>>)
    } else {
    }
    %add3A_233 = arith.constant 32 : i32
    %add3A_234 = arith.addi %arg1, %add3A_233 : i32
    %lt3A_235 = arith.constant 138 : i32
    %lt3A_236 = arith.cmpi slt, %add3A_234, %lt3A_235 : i32
    %convert_element_type3A_237 = arith.extui %lt3A_236 : i1 to i32
    %cond3A_238 = arith.constant 0 : i32
    %cond3A_239 = arith.cmpi ne, %convert_element_type3A_237, %cond3A_238 : i32
    scf.if %cond3A_239 {
      %mul3A_355 = arith.constant 72 : i32
      %mul3A_356 = arith.muli %add3A_234, %mul3A_355 : i32
      %mul3A_357 = arith.constant 72 : i32
      %mul3A_358 = arith.muli %add3A_234, %mul3A_357 : i32
      %dma_start3A_359 = arith.constant 0 : i32
      %dma_start3A_360 = tpu.memref_slice %arg5[%arg0, %mul3A_358, %dma_start3A_359] : memref<2x10000x128xf32, #tpu.memory_space<hbm>> -> memref<1x72x128xf32, #tpu.memory_space<hbm>>
      %dma_start3A_361 = tpu.memref_squeeze %dma_start3A_360 : memref<1x72x128xf32, #tpu.memory_space<hbm>> -> memref<72x128xf32, #tpu.memory_space<hbm>>
      %dma_start3A_362 = arith.constant 0 : i32
      %dma_start3A_363 = tpu.memref_slice %arg15[%mul3A_356, %dma_start3A_362] : memref<10016x128xf32, #tpu.memory_space<vmem_shared>> -> memref<72x128xf32, #tpu.memory_space<vmem_shared>>
      tpu.enqueue_dma source(%dma_start3A_363 : memref<72x128xf32, #tpu.memory_space<vmem_shared>>) target(%dma_start3A_361 : memref<72x128xf32, #tpu.memory_space<hbm>>) target_semaphore(%arg17 : memref<!tpu.dma_semaphore, #tpu.memory_space<semaphore_mem>>)
    } else {
    }
    %add3A_240 = arith.constant 48 : i32
    %add3A_241 = arith.addi %arg1, %add3A_240 : i32
    %lt3A_242 = arith.constant 138 : i32
    %lt3A_243 = arith.cmpi slt, %add3A_241, %lt3A_242 : i32
    %convert_element_type3A_244 = arith.extui %lt3A_243 : i1 to i32
    %cond3A_245 = arith.constant 0 : i32
    %cond3A_246 = arith.cmpi ne, %convert_element_type3A_244, %cond3A_245 : i32
    scf.if %cond3A_246 {
      %mul3A_355 = arith.constant 72 : i32
      %mul3A_356 = arith.muli %add3A_241, %mul3A_355 : i32
      %mul3A_357 = arith.constant 72 : i32
      %mul3A_358 = arith.muli %add3A_241, %mul3A_357 : i32
      %dma_start3A_359 = arith.constant 0 : i32
      %dma_start3A_360 = tpu.memref_slice %arg5[%arg0, %mul3A_358, %dma_start3A_359] : memref<2x10000x128xf32, #tpu.memory_space<hbm>> -> memref<1x72x128xf32, #tpu.memory_space<hbm>>
      %dma_start3A_361 = tpu.memref_squeeze %dma_start3A_360 : memref<1x72x128xf32, #tpu.memory_space<hbm>> -> memref<72x128xf32, #tpu.memory_space<hbm>>
      %dma_start3A_362 = arith.constant 0 : i32
      %dma_start3A_363 = tpu.memref_slice %arg15[%mul3A_356, %dma_start3A_362] : memref<10016x128xf32, #tpu.memory_space<vmem_shared>> -> memref<72x128xf32, #tpu.memory_space<vmem_shared>>
      tpu.enqueue_dma source(%dma_start3A_363 : memref<72x128xf32, #tpu.memory_space<vmem_shared>>) target(%dma_start3A_361 : memref<72x128xf32, #tpu.memory_space<hbm>>) target_semaphore(%arg17 : memref<!tpu.dma_semaphore, #tpu.memory_space<semaphore_mem>>)
    } else {
    }
    %add3A_247 = arith.constant 64 : i32
    %add3A_248 = arith.addi %arg1, %add3A_247 : i32
    %lt3A_249 = arith.constant 138 : i32
    %lt3A_250 = arith.cmpi slt, %add3A_248, %lt3A_249 : i32
    %convert_element_type3A_251 = arith.extui %lt3A_250 : i1 to i32
    %cond3A_252 = arith.constant 0 : i32
    %cond3A_253 = arith.cmpi ne, %convert_element_type3A_251, %cond3A_252 : i32
    scf.if %cond3A_253 {
      %mul3A_355 = arith.constant 72 : i32
      %mul3A_356 = arith.muli %add3A_248, %mul3A_355 : i32
      %mul3A_357 = arith.constant 72 : i32
      %mul3A_358 = arith.muli %add3A_248, %mul3A_357 : i32
      %dma_start3A_359 = arith.constant 0 : i32
      %dma_start3A_360 = tpu.memref_slice %arg5[%arg0, %mul3A_358, %dma_start3A_359] : memref<2x10000x128xf32, #tpu.memory_space<hbm>> -> memref<1x72x128xf32, #tpu.memory_space<hbm>>
      %dma_start3A_361 = tpu.memref_squeeze %dma_start3A_360 : memref<1x72x128xf32, #tpu.memory_space<hbm>> -> memref<72x128xf32, #tpu.memory_space<hbm>>
      %dma_start3A_362 = arith.constant 0 : i32
      %dma_start3A_363 = tpu.memref_slice %arg15[%mul3A_356, %dma_start3A_362] : memref<10016x128xf32, #tpu.memory_space<vmem_shared>> -> memref<72x128xf32, #tpu.memory_space<vmem_shared>>
      tpu.enqueue_dma source(%dma_start3A_363 : memref<72x128xf32, #tpu.memory_space<vmem_shared>>) target(%dma_start3A_361 : memref<72x128xf32, #tpu.memory_space<hbm>>) target_semaphore(%arg17 : memref<!tpu.dma_semaphore, #tpu.memory_space<semaphore_mem>>)
    } else {
    }
    %add3A_254 = arith.constant 80 : i32
    %add3A_255 = arith.addi %arg1, %add3A_254 : i32
    %lt3A_256 = arith.constant 138 : i32
    %lt3A_257 = arith.cmpi slt, %add3A_255, %lt3A_256 : i32
    %convert_element_type3A_258 = arith.extui %lt3A_257 : i1 to i32
    %cond3A_259 = arith.constant 0 : i32
    %cond3A_260 = arith.cmpi ne, %convert_element_type3A_258, %cond3A_259 : i32
    scf.if %cond3A_260 {
      %mul3A_355 = arith.constant 72 : i32
      %mul3A_356 = arith.muli %add3A_255, %mul3A_355 : i32
      %mul3A_357 = arith.constant 72 : i32
      %mul3A_358 = arith.muli %add3A_255, %mul3A_357 : i32
      %dma_start3A_359 = arith.constant 0 : i32
      %dma_start3A_360 = tpu.memref_slice %arg5[%arg0, %mul3A_358, %dma_start3A_359] : memref<2x10000x128xf32, #tpu.memory_space<hbm>> -> memref<1x72x128xf32, #tpu.memory_space<hbm>>
      %dma_start3A_361 = tpu.memref_squeeze %dma_start3A_360 : memref<1x72x128xf32, #tpu.memory_space<hbm>> -> memref<72x128xf32, #tpu.memory_space<hbm>>
      %dma_start3A_362 = arith.constant 0 : i32
      %dma_start3A_363 = tpu.memref_slice %arg15[%mul3A_356, %dma_start3A_362] : memref<10016x128xf32, #tpu.memory_space<vmem_shared>> -> memref<72x128xf32, #tpu.memory_space<vmem_shared>>
      tpu.enqueue_dma source(%dma_start3A_363 : memref<72x128xf32, #tpu.memory_space<vmem_shared>>) target(%dma_start3A_361 : memref<72x128xf32, #tpu.memory_space<hbm>>) target_semaphore(%arg17 : memref<!tpu.dma_semaphore, #tpu.memory_space<semaphore_mem>>)
    } else {
    }
    %add3A_261 = arith.constant 96 : i32
    %add3A_262 = arith.addi %arg1, %add3A_261 : i32
    %lt3A_263 = arith.constant 138 : i32
    %lt3A_264 = arith.cmpi slt, %add3A_262, %lt3A_263 : i32
    %convert_element_type3A_265 = arith.extui %lt3A_264 : i1 to i32
    %cond3A_266 = arith.constant 0 : i32
    %cond3A_267 = arith.cmpi ne, %convert_element_type3A_265, %cond3A_266 : i32
    scf.if %cond3A_267 {
      %mul3A_355 = arith.constant 72 : i32
      %mul3A_356 = arith.muli %add3A_262, %mul3A_355 : i32
      %mul3A_357 = arith.constant 72 : i32
      %mul3A_358 = arith.muli %add3A_262, %mul3A_357 : i32
      %dma_start3A_359 = arith.constant 0 : i32
      %dma_start3A_360 = tpu.memref_slice %arg5[%arg0, %mul3A_358, %dma_start3A_359] : memref<2x10000x128xf32, #tpu.memory_space<hbm>> -> memref<1x72x128xf32, #tpu.memory_space<hbm>>
      %dma_start3A_361 = tpu.memref_squeeze %dma_start3A_360 : memref<1x72x128xf32, #tpu.memory_space<hbm>> -> memref<72x128xf32, #tpu.memory_space<hbm>>
      %dma_start3A_362 = arith.constant 0 : i32
      %dma_start3A_363 = tpu.memref_slice %arg15[%mul3A_356, %dma_start3A_362] : memref<10016x128xf32, #tpu.memory_space<vmem_shared>> -> memref<72x128xf32, #tpu.memory_space<vmem_shared>>
      tpu.enqueue_dma source(%dma_start3A_363 : memref<72x128xf32, #tpu.memory_space<vmem_shared>>) target(%dma_start3A_361 : memref<72x128xf32, #tpu.memory_space<hbm>>) target_semaphore(%arg17 : memref<!tpu.dma_semaphore, #tpu.memory_space<semaphore_mem>>)
    } else {
    }
    %add3A_268 = arith.constant 112 : i32
    %add3A_269 = arith.addi %arg1, %add3A_268 : i32
    %lt3A_270 = arith.constant 138 : i32
    %lt3A_271 = arith.cmpi slt, %add3A_269, %lt3A_270 : i32
    %convert_element_type3A_272 = arith.extui %lt3A_271 : i1 to i32
    %cond3A_273 = arith.constant 0 : i32
    %cond3A_274 = arith.cmpi ne, %convert_element_type3A_272, %cond3A_273 : i32
    scf.if %cond3A_274 {
      %mul3A_355 = arith.constant 72 : i32
      %mul3A_356 = arith.muli %add3A_269, %mul3A_355 : i32
      %mul3A_357 = arith.constant 72 : i32
      %mul3A_358 = arith.muli %add3A_269, %mul3A_357 : i32
      %dma_start3A_359 = arith.constant 0 : i32
      %dma_start3A_360 = tpu.memref_slice %arg5[%arg0, %mul3A_358, %dma_start3A_359] : memref<2x10000x128xf32, #tpu.memory_space<hbm>> -> memref<1x72x128xf32, #tpu.memory_space<hbm>>
      %dma_start3A_361 = tpu.memref_squeeze %dma_start3A_360 : memref<1x72x128xf32, #tpu.memory_space<hbm>> -> memref<72x128xf32, #tpu.memory_space<hbm>>
      %dma_start3A_362 = arith.constant 0 : i32
      %dma_start3A_363 = tpu.memref_slice %arg15[%mul3A_356, %dma_start3A_362] : memref<10016x128xf32, #tpu.memory_space<vmem_shared>> -> memref<72x128xf32, #tpu.memory_space<vmem_shared>>
      tpu.enqueue_dma source(%dma_start3A_363 : memref<72x128xf32, #tpu.memory_space<vmem_shared>>) target(%dma_start3A_361 : memref<72x128xf32, #tpu.memory_space<hbm>>) target_semaphore(%arg17 : memref<!tpu.dma_semaphore, #tpu.memory_space<semaphore_mem>>)
    } else {
    }
    %add3A_275 = arith.constant 128 : i32
    %add3A_276 = arith.addi %arg1, %add3A_275 : i32
    %lt3A_277 = arith.constant 138 : i32
    %lt3A_278 = arith.cmpi slt, %add3A_276, %lt3A_277 : i32
    %convert_element_type3A_279 = arith.extui %lt3A_278 : i1 to i32
    %cond3A_280 = arith.constant 0 : i32
    %cond3A_281 = arith.cmpi ne, %convert_element_type3A_279, %cond3A_280 : i32
    scf.if %cond3A_281 {
      %mul3A_355 = arith.constant 72 : i32
      %mul3A_356 = arith.muli %add3A_276, %mul3A_355 : i32
      %mul3A_357 = arith.constant 72 : i32
      %mul3A_358 = arith.muli %add3A_276, %mul3A_357 : i32
      %dma_start3A_359 = arith.constant 0 : i32
      %dma_start3A_360 = tpu.memref_slice %arg5[%arg0, %mul3A_358, %dma_start3A_359] : memref<2x10000x128xf32, #tpu.memory_space<hbm>> -> memref<1x72x128xf32, #tpu.memory_space<hbm>>
      %dma_start3A_361 = tpu.memref_squeeze %dma_start3A_360 : memref<1x72x128xf32, #tpu.memory_space<hbm>> -> memref<72x128xf32, #tpu.memory_space<hbm>>
      %dma_start3A_362 = arith.constant 0 : i32
      %dma_start3A_363 = tpu.memref_slice %arg15[%mul3A_356, %dma_start3A_362] : memref<10016x128xf32, #tpu.memory_space<vmem_shared>> -> memref<72x128xf32, #tpu.memory_space<vmem_shared>>
      tpu.enqueue_dma source(%dma_start3A_363 : memref<72x128xf32, #tpu.memory_space<vmem_shared>>) target(%dma_start3A_361 : memref<72x128xf32, #tpu.memory_space<hbm>>) target_semaphore(%arg17 : memref<!tpu.dma_semaphore, #tpu.memory_space<semaphore_mem>>)
    } else {
    }
    %eq3A_282 = arith.constant 0 : i32
    %eq3A_283 = arith.cmpi eq, %arg1, %eq3A_282 : i32
    %convert_element_type3A_284 = arith.extui %eq3A_283 : i1 to i32
    %cond3A_285 = arith.constant 0 : i32
    %cond3A_286 = arith.cmpi ne, %convert_element_type3A_284, %cond3A_285 : i32
    scf.if %cond3A_286 {
      %dma_start3A_355 = arith.constant 9936 : i32
      %dma_start3A_356 = arith.constant 0 : i32
      %dma_start3A_357 = tpu.memref_slice %arg5[%arg0, %dma_start3A_355, %dma_start3A_356] : memref<2x10000x128xf32, #tpu.memory_space<hbm>> -> memref<1x64x128xf32, #tpu.memory_space<hbm>>
      %dma_start3A_358 = tpu.memref_squeeze %dma_start3A_357 : memref<1x64x128xf32, #tpu.memory_space<hbm>> -> memref<64x128xf32, #tpu.memory_space<hbm>>
      %dma_start3A_359 = arith.constant 9936 : i32
      %dma_start3A_360 = arith.constant 0 : i32
      %dma_start3A_361 = tpu.memref_slice %arg15[%dma_start3A_359, %dma_start3A_360] : memref<10016x128xf32, #tpu.memory_space<vmem_shared>> -> memref<64x128xf32, #tpu.memory_space<vmem_shared>>
      tpu.enqueue_dma source(%dma_start3A_361 : memref<64x128xf32, #tpu.memory_space<vmem_shared>>) target(%dma_start3A_358 : memref<64x128xf32, #tpu.memory_space<hbm>>) target_semaphore(%arg17 : memref<!tpu.dma_semaphore, #tpu.memory_space<semaphore_mem>>)
    } else {
    }
    %add3A_287 = arith.constant 0 : i32
    %add3A_288 = arith.addi %arg1, %add3A_287 : i32
    %lt3A_289 = arith.constant 138 : i32
    %lt3A_290 = arith.cmpi slt, %add3A_288, %lt3A_289 : i32
    %convert_element_type3A_291 = arith.extui %lt3A_290 : i1 to i32
    %cond3A_292 = arith.constant 0 : i32
    %cond3A_293 = arith.cmpi ne, %convert_element_type3A_291, %cond3A_292 : i32
    scf.if %cond3A_293 {
      %mul3A_355 = arith.constant 72 : i32
      %mul3A_356 = arith.muli %add3A_288, %mul3A_355 : i32
      %mul3A_357 = arith.constant 72 : i32
      %mul3A_358 = arith.muli %add3A_288, %mul3A_357 : i32
      %dma_wait3A_359 = arith.constant 0 : i32
      %dma_wait3A_360 = tpu.memref_slice %arg5[%arg0, %mul3A_358, %dma_wait3A_359] : memref<2x10000x128xf32, #tpu.memory_space<hbm>> -> memref<1x72x128xf32, #tpu.memory_space<hbm>>
      %dma_wait3A_361 = tpu.memref_squeeze %dma_wait3A_360 : memref<1x72x128xf32, #tpu.memory_space<hbm>> -> memref<72x128xf32, #tpu.memory_space<hbm>>
      %dma_wait3A_362 = arith.constant 0 : i32
      %dma_wait3A_363 = tpu.memref_slice %arg15[%mul3A_356, %dma_wait3A_362] : memref<10016x128xf32, #tpu.memory_space<vmem_shared>> -> memref<72x128xf32, #tpu.memory_space<vmem_shared>>
      tpu.wait_dma2 semaphore(%arg17 : memref<!tpu.dma_semaphore, #tpu.memory_space<semaphore_mem>>) src(%dma_wait3A_363 : memref<72x128xf32, #tpu.memory_space<vmem_shared>>) dst(%dma_wait3A_361 : memref<72x128xf32, #tpu.memory_space<hbm>>)
    } else {
    }
    %add3A_294 = arith.constant 16 : i32
    %add3A_295 = arith.addi %arg1, %add3A_294 : i32
    %lt3A_296 = arith.constant 138 : i32
    %lt3A_297 = arith.cmpi slt, %add3A_295, %lt3A_296 : i32
    %convert_element_type3A_298 = arith.extui %lt3A_297 : i1 to i32
    %cond3A_299 = arith.constant 0 : i32
    %cond3A_300 = arith.cmpi ne, %convert_element_type3A_298, %cond3A_299 : i32
    scf.if %cond3A_300 {
      %mul3A_355 = arith.constant 72 : i32
      %mul3A_356 = arith.muli %add3A_295, %mul3A_355 : i32
      %mul3A_357 = arith.constant 72 : i32
      %mul3A_358 = arith.muli %add3A_295, %mul3A_357 : i32
      %dma_wait3A_359 = arith.constant 0 : i32
      %dma_wait3A_360 = tpu.memref_slice %arg5[%arg0, %mul3A_358, %dma_wait3A_359] : memref<2x10000x128xf32, #tpu.memory_space<hbm>> -> memref<1x72x128xf32, #tpu.memory_space<hbm>>
      %dma_wait3A_361 = tpu.memref_squeeze %dma_wait3A_360 : memref<1x72x128xf32, #tpu.memory_space<hbm>> -> memref<72x128xf32, #tpu.memory_space<hbm>>
      %dma_wait3A_362 = arith.constant 0 : i32
      %dma_wait3A_363 = tpu.memref_slice %arg15[%mul3A_356, %dma_wait3A_362] : memref<10016x128xf32, #tpu.memory_space<vmem_shared>> -> memref<72x128xf32, #tpu.memory_space<vmem_shared>>
      tpu.wait_dma2 semaphore(%arg17 : memref<!tpu.dma_semaphore, #tpu.memory_space<semaphore_mem>>) src(%dma_wait3A_363 : memref<72x128xf32, #tpu.memory_space<vmem_shared>>) dst(%dma_wait3A_361 : memref<72x128xf32, #tpu.memory_space<hbm>>)
    } else {
    }
    %add3A_301 = arith.constant 32 : i32
    %add3A_302 = arith.addi %arg1, %add3A_301 : i32
    %lt3A_303 = arith.constant 138 : i32
    %lt3A_304 = arith.cmpi slt, %add3A_302, %lt3A_303 : i32
    %convert_element_type3A_305 = arith.extui %lt3A_304 : i1 to i32
    %cond3A_306 = arith.constant 0 : i32
    %cond3A_307 = arith.cmpi ne, %convert_element_type3A_305, %cond3A_306 : i32
    scf.if %cond3A_307 {
      %mul3A_355 = arith.constant 72 : i32
      %mul3A_356 = arith.muli %add3A_302, %mul3A_355 : i32
      %mul3A_357 = arith.constant 72 : i32
      %mul3A_358 = arith.muli %add3A_302, %mul3A_357 : i32
      %dma_wait3A_359 = arith.constant 0 : i32
      %dma_wait3A_360 = tpu.memref_slice %arg5[%arg0, %mul3A_358, %dma_wait3A_359] : memref<2x10000x128xf32, #tpu.memory_space<hbm>> -> memref<1x72x128xf32, #tpu.memory_space<hbm>>
      %dma_wait3A_361 = tpu.memref_squeeze %dma_wait3A_360 : memref<1x72x128xf32, #tpu.memory_space<hbm>> -> memref<72x128xf32, #tpu.memory_space<hbm>>
      %dma_wait3A_362 = arith.constant 0 : i32
      %dma_wait3A_363 = tpu.memref_slice %arg15[%mul3A_356, %dma_wait3A_362] : memref<10016x128xf32, #tpu.memory_space<vmem_shared>> -> memref<72x128xf32, #tpu.memory_space<vmem_shared>>
      tpu.wait_dma2 semaphore(%arg17 : memref<!tpu.dma_semaphore, #tpu.memory_space<semaphore_mem>>) src(%dma_wait3A_363 : memref<72x128xf32, #tpu.memory_space<vmem_shared>>) dst(%dma_wait3A_361 : memref<72x128xf32, #tpu.memory_space<hbm>>)
    } else {
    }
    %add3A_308 = arith.constant 48 : i32
    %add3A_309 = arith.addi %arg1, %add3A_308 : i32
    %lt3A_310 = arith.constant 138 : i32
    %lt3A_311 = arith.cmpi slt, %add3A_309, %lt3A_310 : i32
    %convert_element_type3A_312 = arith.extui %lt3A_311 : i1 to i32
    %cond3A_313 = arith.constant 0 : i32
    %cond3A_314 = arith.cmpi ne, %convert_element_type3A_312, %cond3A_313 : i32
    scf.if %cond3A_314 {
      %mul3A_355 = arith.constant 72 : i32
      %mul3A_356 = arith.muli %add3A_309, %mul3A_355 : i32
      %mul3A_357 = arith.constant 72 : i32
      %mul3A_358 = arith.muli %add3A_309, %mul3A_357 : i32
      %dma_wait3A_359 = arith.constant 0 : i32
      %dma_wait3A_360 = tpu.memref_slice %arg5[%arg0, %mul3A_358, %dma_wait3A_359] : memref<2x10000x128xf32, #tpu.memory_space<hbm>> -> memref<1x72x128xf32, #tpu.memory_space<hbm>>
      %dma_wait3A_361 = tpu.memref_squeeze %dma_wait3A_360 : memref<1x72x128xf32, #tpu.memory_space<hbm>> -> memref<72x128xf32, #tpu.memory_space<hbm>>
      %dma_wait3A_362 = arith.constant 0 : i32
      %dma_wait3A_363 = tpu.memref_slice %arg15[%mul3A_356, %dma_wait3A_362] : memref<10016x128xf32, #tpu.memory_space<vmem_shared>> -> memref<72x128xf32, #tpu.memory_space<vmem_shared>>
      tpu.wait_dma2 semaphore(%arg17 : memref<!tpu.dma_semaphore, #tpu.memory_space<semaphore_mem>>) src(%dma_wait3A_363 : memref<72x128xf32, #tpu.memory_space<vmem_shared>>) dst(%dma_wait3A_361 : memref<72x128xf32, #tpu.memory_space<hbm>>)
    } else {
    }
    %add3A_315 = arith.constant 64 : i32
    %add3A_316 = arith.addi %arg1, %add3A_315 : i32
    %lt3A_317 = arith.constant 138 : i32
    %lt3A_318 = arith.cmpi slt, %add3A_316, %lt3A_317 : i32
    %convert_element_type3A_319 = arith.extui %lt3A_318 : i1 to i32
    %cond3A_320 = arith.constant 0 : i32
    %cond3A_321 = arith.cmpi ne, %convert_element_type3A_319, %cond3A_320 : i32
    scf.if %cond3A_321 {
      %mul3A_355 = arith.constant 72 : i32
      %mul3A_356 = arith.muli %add3A_316, %mul3A_355 : i32
      %mul3A_357 = arith.constant 72 : i32
      %mul3A_358 = arith.muli %add3A_316, %mul3A_357 : i32
      %dma_wait3A_359 = arith.constant 0 : i32
      %dma_wait3A_360 = tpu.memref_slice %arg5[%arg0, %mul3A_358, %dma_wait3A_359] : memref<2x10000x128xf32, #tpu.memory_space<hbm>> -> memref<1x72x128xf32, #tpu.memory_space<hbm>>
      %dma_wait3A_361 = tpu.memref_squeeze %dma_wait3A_360 : memref<1x72x128xf32, #tpu.memory_space<hbm>> -> memref<72x128xf32, #tpu.memory_space<hbm>>
      %dma_wait3A_362 = arith.constant 0 : i32
      %dma_wait3A_363 = tpu.memref_slice %arg15[%mul3A_356, %dma_wait3A_362] : memref<10016x128xf32, #tpu.memory_space<vmem_shared>> -> memref<72x128xf32, #tpu.memory_space<vmem_shared>>
      tpu.wait_dma2 semaphore(%arg17 : memref<!tpu.dma_semaphore, #tpu.memory_space<semaphore_mem>>) src(%dma_wait3A_363 : memref<72x128xf32, #tpu.memory_space<vmem_shared>>) dst(%dma_wait3A_361 : memref<72x128xf32, #tpu.memory_space<hbm>>)
    } else {
    }
    %add3A_322 = arith.constant 80 : i32
    %add3A_323 = arith.addi %arg1, %add3A_322 : i32
    %lt3A_324 = arith.constant 138 : i32
    %lt3A_325 = arith.cmpi slt, %add3A_323, %lt3A_324 : i32
    %convert_element_type3A_326 = arith.extui %lt3A_325 : i1 to i32
    %cond3A_327 = arith.constant 0 : i32
    %cond3A_328 = arith.cmpi ne, %convert_element_type3A_326, %cond3A_327 : i32
    scf.if %cond3A_328 {
      %mul3A_355 = arith.constant 72 : i32
      %mul3A_356 = arith.muli %add3A_323, %mul3A_355 : i32
      %mul3A_357 = arith.constant 72 : i32
      %mul3A_358 = arith.muli %add3A_323, %mul3A_357 : i32
      %dma_wait3A_359 = arith.constant 0 : i32
      %dma_wait3A_360 = tpu.memref_slice %arg5[%arg0, %mul3A_358, %dma_wait3A_359] : memref<2x10000x128xf32, #tpu.memory_space<hbm>> -> memref<1x72x128xf32, #tpu.memory_space<hbm>>
      %dma_wait3A_361 = tpu.memref_squeeze %dma_wait3A_360 : memref<1x72x128xf32, #tpu.memory_space<hbm>> -> memref<72x128xf32, #tpu.memory_space<hbm>>
      %dma_wait3A_362 = arith.constant 0 : i32
      %dma_wait3A_363 = tpu.memref_slice %arg15[%mul3A_356, %dma_wait3A_362] : memref<10016x128xf32, #tpu.memory_space<vmem_shared>> -> memref<72x128xf32, #tpu.memory_space<vmem_shared>>
      tpu.wait_dma2 semaphore(%arg17 : memref<!tpu.dma_semaphore, #tpu.memory_space<semaphore_mem>>) src(%dma_wait3A_363 : memref<72x128xf32, #tpu.memory_space<vmem_shared>>) dst(%dma_wait3A_361 : memref<72x128xf32, #tpu.memory_space<hbm>>)
    } else {
    }
    %add3A_329 = arith.constant 96 : i32
    %add3A_330 = arith.addi %arg1, %add3A_329 : i32
    %lt3A_331 = arith.constant 138 : i32
    %lt3A_332 = arith.cmpi slt, %add3A_330, %lt3A_331 : i32
    %convert_element_type3A_333 = arith.extui %lt3A_332 : i1 to i32
    %cond3A_334 = arith.constant 0 : i32
    %cond3A_335 = arith.cmpi ne, %convert_element_type3A_333, %cond3A_334 : i32
    scf.if %cond3A_335 {
      %mul3A_355 = arith.constant 72 : i32
      %mul3A_356 = arith.muli %add3A_330, %mul3A_355 : i32
      %mul3A_357 = arith.constant 72 : i32
      %mul3A_358 = arith.muli %add3A_330, %mul3A_357 : i32
      %dma_wait3A_359 = arith.constant 0 : i32
      %dma_wait3A_360 = tpu.memref_slice %arg5[%arg0, %mul3A_358, %dma_wait3A_359] : memref<2x10000x128xf32, #tpu.memory_space<hbm>> -> memref<1x72x128xf32, #tpu.memory_space<hbm>>
      %dma_wait3A_361 = tpu.memref_squeeze %dma_wait3A_360 : memref<1x72x128xf32, #tpu.memory_space<hbm>> -> memref<72x128xf32, #tpu.memory_space<hbm>>
      %dma_wait3A_362 = arith.constant 0 : i32
      %dma_wait3A_363 = tpu.memref_slice %arg15[%mul3A_356, %dma_wait3A_362] : memref<10016x128xf32, #tpu.memory_space<vmem_shared>> -> memref<72x128xf32, #tpu.memory_space<vmem_shared>>
      tpu.wait_dma2 semaphore(%arg17 : memref<!tpu.dma_semaphore, #tpu.memory_space<semaphore_mem>>) src(%dma_wait3A_363 : memref<72x128xf32, #tpu.memory_space<vmem_shared>>) dst(%dma_wait3A_361 : memref<72x128xf32, #tpu.memory_space<hbm>>)
    } else {
    }
    %add3A_336 = arith.constant 112 : i32
    %add3A_337 = arith.addi %arg1, %add3A_336 : i32
    %lt3A_338 = arith.constant 138 : i32
    %lt3A_339 = arith.cmpi slt, %add3A_337, %lt3A_338 : i32
    %convert_element_type3A_340 = arith.extui %lt3A_339 : i1 to i32
    %cond3A_341 = arith.constant 0 : i32
    %cond3A_342 = arith.cmpi ne, %convert_element_type3A_340, %cond3A_341 : i32
    scf.if %cond3A_342 {
      %mul3A_355 = arith.constant 72 : i32
      %mul3A_356 = arith.muli %add3A_337, %mul3A_355 : i32
      %mul3A_357 = arith.constant 72 : i32
      %mul3A_358 = arith.muli %add3A_337, %mul3A_357 : i32
      %dma_wait3A_359 = arith.constant 0 : i32
      %dma_wait3A_360 = tpu.memref_slice %arg5[%arg0, %mul3A_358, %dma_wait3A_359] : memref<2x10000x128xf32, #tpu.memory_space<hbm>> -> memref<1x72x128xf32, #tpu.memory_space<hbm>>
      %dma_wait3A_361 = tpu.memref_squeeze %dma_wait3A_360 : memref<1x72x128xf32, #tpu.memory_space<hbm>> -> memref<72x128xf32, #tpu.memory_space<hbm>>
      %dma_wait3A_362 = arith.constant 0 : i32
      %dma_wait3A_363 = tpu.memref_slice %arg15[%mul3A_356, %dma_wait3A_362] : memref<10016x128xf32, #tpu.memory_space<vmem_shared>> -> memref<72x128xf32, #tpu.memory_space<vmem_shared>>
      tpu.wait_dma2 semaphore(%arg17 : memref<!tpu.dma_semaphore, #tpu.memory_space<semaphore_mem>>) src(%dma_wait3A_363 : memref<72x128xf32, #tpu.memory_space<vmem_shared>>) dst(%dma_wait3A_361 : memref<72x128xf32, #tpu.memory_space<hbm>>)
    } else {
    }
    %add3A_343 = arith.constant 128 : i32
    %add3A_344 = arith.addi %arg1, %add3A_343 : i32
    %lt3A_345 = arith.constant 138 : i32
    %lt3A_346 = arith.cmpi slt, %add3A_344, %lt3A_345 : i32
    %convert_element_type3A_347 = arith.extui %lt3A_346 : i1 to i32
    %cond3A_348 = arith.constant 0 : i32
    %cond3A_349 = arith.cmpi ne, %convert_element_type3A_347, %cond3A_348 : i32
    scf.if %cond3A_349 {
      %mul3A_355 = arith.constant 72 : i32
      %mul3A_356 = arith.muli %add3A_344, %mul3A_355 : i32
      %mul3A_357 = arith.constant 72 : i32
      %mul3A_358 = arith.muli %add3A_344, %mul3A_357 : i32
      %dma_wait3A_359 = arith.constant 0 : i32
      %dma_wait3A_360 = tpu.memref_slice %arg5[%arg0, %mul3A_358, %dma_wait3A_359] : memref<2x10000x128xf32, #tpu.memory_space<hbm>> -> memref<1x72x128xf32, #tpu.memory_space<hbm>>
      %dma_wait3A_361 = tpu.memref_squeeze %dma_wait3A_360 : memref<1x72x128xf32, #tpu.memory_space<hbm>> -> memref<72x128xf32, #tpu.memory_space<hbm>>
      %dma_wait3A_362 = arith.constant 0 : i32
      %dma_wait3A_363 = tpu.memref_slice %arg15[%mul3A_356, %dma_wait3A_362] : memref<10016x128xf32, #tpu.memory_space<vmem_shared>> -> memref<72x128xf32, #tpu.memory_space<vmem_shared>>
      tpu.wait_dma2 semaphore(%arg17 : memref<!tpu.dma_semaphore, #tpu.memory_space<semaphore_mem>>) src(%dma_wait3A_363 : memref<72x128xf32, #tpu.memory_space<vmem_shared>>) dst(%dma_wait3A_361 : memref<72x128xf32, #tpu.memory_space<hbm>>)
    } else {
    }
    %eq3A_350 = arith.constant 0 : i32
    %eq3A_351 = arith.cmpi eq, %arg1, %eq3A_350 : i32
    %convert_element_type3A_352 = arith.extui %eq3A_351 : i1 to i32
    %cond3A_353 = arith.constant 0 : i32
    %cond3A_354 = arith.cmpi ne, %convert_element_type3A_352, %cond3A_353 : i32
    scf.if %cond3A_354 {
      %dma_wait3A_355 = arith.constant 9936 : i32
      %dma_wait3A_356 = arith.constant 0 : i32
      %dma_wait3A_357 = tpu.memref_slice %arg5[%arg0, %dma_wait3A_355, %dma_wait3A_356] : memref<2x10000x128xf32, #tpu.memory_space<hbm>> -> memref<1x64x128xf32, #tpu.memory_space<hbm>>
      %dma_wait3A_358 = tpu.memref_squeeze %dma_wait3A_357 : memref<1x64x128xf32, #tpu.memory_space<hbm>> -> memref<64x128xf32, #tpu.memory_space<hbm>>
      %dma_wait3A_359 = arith.constant 9936 : i32
      %dma_wait3A_360 = arith.constant 0 : i32
      %dma_wait3A_361 = tpu.memref_slice %arg15[%dma_wait3A_359, %dma_wait3A_360] : memref<10016x128xf32, #tpu.memory_space<vmem_shared>> -> memref<64x128xf32, #tpu.memory_space<vmem_shared>>
      tpu.wait_dma2 semaphore(%arg17 : memref<!tpu.dma_semaphore, #tpu.memory_space<semaphore_mem>>) src(%dma_wait3A_361 : memref<64x128xf32, #tpu.memory_space<vmem_shared>>) dst(%dma_wait3A_358 : memref<64x128xf32, #tpu.memory_space<hbm>>)
    } else {
    }
    return
  }
}

module attributes {stable_mosaic.version = 14 : i64} {
  func.func @body(%arg0: memref<2x10000x128xf32, #tpu.memory_space<vmem>>, %arg1: memref<10000x128xf32, #tpu.memory_space<vmem>>, %arg2: memref<128x128xf32, #tpu.memory_space<vmem>>, %arg3: memref<128x128xf32, #tpu.memory_space<vmem>>, %arg4: memref<10000x128xf32, #tpu.memory_space<vmem>>) attributes {dimension_semantics = [], scalar_prefetch = 0 : i64, scratch_operands = 0 : i64, tpu.core_type = #tpu.core_type<tc>} {
    %get3A = arith.constant 0 : index
    %get3A_0 = arith.constant 0 : index
    %get3A_1 = arith.constant 0 : index
    %get3A_2 = vector.load %arg0[%get3A, %get3A_0, %get3A_1] : memref<2x10000x128xf32, #tpu.memory_space<vmem>>, vector<1x10000x128xf32>
    %get3A_3 = vector.shape_cast %get3A_2 : vector<1x10000x128xf32> to vector<10000x128xf32>
    %get3A_4 = arith.constant 1 : index
    %get3A_5 = arith.constant 0 : index
    %get3A_6 = arith.constant 0 : index
    %get3A_7 = vector.load %arg0[%get3A_4, %get3A_5, %get3A_6] : memref<2x10000x128xf32, #tpu.memory_space<vmem>>, vector<1x10000x128xf32>
    %get3A_8 = vector.shape_cast %get3A_7 : vector<1x10000x128xf32> to vector<10000x128xf32>
    %add3A = arith.addf %get3A_3, %get3A_8 : vector<10000x128xf32>
    %get3A_9 = arith.constant 0 : index
    %get3A_10 = arith.constant 0 : index
    %get3A_11 = vector.load %arg1[%get3A_9, %get3A_10] : memref<10000x128xf32, #tpu.memory_space<vmem>>, vector<10000x128xf32>
    %mul3A = arith.constant 1.100000e+00 : f32
    %mul3A_12 = vector.broadcast %mul3A : f32 to vector<10000x128xf32>
    %mul3A_13 = arith.mulf %mul3A_12, %get3A_11 : vector<10000x128xf32>
    %add3A_14 = arith.addf %add3A, %mul3A_13 : vector<10000x128xf32>
    %get3A_15 = arith.constant 0 : index
    %get3A_16 = arith.constant 0 : index
    %get3A_17 = vector.load %arg2[%get3A_15, %get3A_16] : memref<128x128xf32, #tpu.memory_space<vmem>>, vector<128x128xf32>
    %dot_general3A = arith.constant dense<0.000000e+00> : vector<10000x128xf32>
    %dot_general3A_18 = tpu.matmul %add3A_14, %get3A_17, %dot_general3A {dimension_numbers = #tpu.dot_dimension_numbers<[1], [0], [0], [1], [0, 0, 1, 1], [], []>, transpose_lhs_hint = false} : vector<10000x128xf32>, vector<128x128xf32>, vector<10000x128xf32> -> vector<10000x128xf32>
    %max3A = arith.constant 0.000000e+00 : f32
    %max3A_19 = vector.broadcast %max3A : f32 to vector<10000x128xf32>
    %max3A_20 = arith.maximumf %dot_general3A_18, %max3A_19 : vector<10000x128xf32>
    %get3A_21 = arith.constant 0 : index
    %get3A_22 = arith.constant 0 : index
    %get3A_23 = vector.load %arg3[%get3A_21, %get3A_22] : memref<128x128xf32, #tpu.memory_space<vmem>>, vector<128x128xf32>
    %dot_general3A_24 = arith.constant dense<0.000000e+00> : vector<10000x128xf32>
    %dot_general3A_25 = tpu.matmul %max3A_20, %get3A_23, %dot_general3A_24 {dimension_numbers = #tpu.dot_dimension_numbers<[1], [0], [0], [1], [0, 0, 1, 1], [], []>, transpose_lhs_hint = false} : vector<10000x128xf32>, vector<128x128xf32>, vector<10000x128xf32> -> vector<10000x128xf32>
    %swap3A = arith.constant 0 : index
    %swap3A_26 = arith.constant 0 : index
    %swap3A_27 = vector.load %arg4[%swap3A, %swap3A_26] : memref<10000x128xf32, #tpu.memory_space<vmem>>, vector<10000x128xf32>
    tpu.vector_store %arg4[%swap3A, %swap3A_26], %dot_general3A_25 {strides = array<i32>} : memref<10000x128xf32, #tpu.memory_space<vmem>>, vector<10000x128xf32>,
    return
  }
}

module attributes {stable_mosaic.version = 14 : i64} {
  func.func @body(%arg0: memref<2x10000x128xf32, #tpu.memory_space<vmem>>, %arg1: memref<10000x128xf32, #tpu.memory_space<vmem>>, %arg2: memref<10000x64xf32, #tpu.memory_space<vmem>>) attributes {dimension_semantics = [], scalar_prefetch = 0 : i64, scratch_operands = 0 : i64, tpu.core_type = #tpu.core_type<tc>} {
    %get3A = arith.constant 0 : index
    %get3A_0 = arith.constant 0 : index
    %get3A_1 = arith.constant 0 : index
    %get3A_2 = vector.load %arg0[%get3A, %get3A_0, %get3A_1] : memref<2x10000x128xf32, #tpu.memory_space<vmem>>, vector<1x10000x128xf32>
    %get3A_3 = vector.shape_cast %get3A_2 : vector<1x10000x128xf32> to vector<10000x128xf32>
    %get3A_4 = arith.constant 1 : index
    %get3A_5 = arith.constant 0 : index
    %get3A_6 = arith.constant 0 : index
    %get3A_7 = vector.load %arg0[%get3A_4, %get3A_5, %get3A_6] : memref<2x10000x128xf32, #tpu.memory_space<vmem>>, vector<1x10000x128xf32>
    %get3A_8 = vector.shape_cast %get3A_7 : vector<1x10000x128xf32> to vector<10000x128xf32>
    %add3A = arith.addf %get3A_3, %get3A_8 : vector<10000x128xf32>
    %get3A_9 = arith.constant 0 : index
    %get3A_10 = arith.constant 0 : index
    %get3A_11 = vector.load %arg1[%get3A_9, %get3A_10] : memref<10000x128xf32, #tpu.memory_space<vmem>>, vector<10000x128xf32>
    %mul3A = arith.constant 1.100000e+00 : f32
    %mul3A_12 = vector.broadcast %mul3A : f32 to vector<10000x128xf32>
    %mul3A_13 = arith.mulf %mul3A_12, %get3A_11 : vector<10000x128xf32>
    %add3A_14 = arith.addf %add3A, %mul3A_13 : vector<10000x128xf32>
    %slice3A = vector.extract_strided_slice %add3A_14 {offsets = [0, 0], sizes = [10000, 64], strides = [1, 1]} : vector<10000x128xf32> to vector<10000x64xf32>
    %swap3A = arith.constant 0 : index
    %swap3A_15 = arith.constant 0 : index
    %swap3A_16 = vector.load %arg2[%swap3A, %swap3A_15] : memref<10000x64xf32, #tpu.memory_space<vmem>>, vector<10000x64xf32>
    tpu.vector_store %arg2[%swap3A, %swap3A_15], %slice3A {strides = array<i32>} : memref<10000x64xf32, #tpu.memory_space<vmem>>, vector<10000x64xf32>,
    return
  }
}

</mosaic_0001>

<sc_bundles>
// kernel: kernel.6.cloned.1.call-start
scs
__scs_entry_jumppad:
0x0: {  	(pc) =	sbr.rel $0x88, $3  }
0x1: {  	(tag) =	ssettag $0x0;
	lr =	simm.s32 $0x1  }
0x2: {  	[smem:$0x3F9D] =	sst lr;
	_ =	strace $0xD0000000  }
0x3: {  	_ = 	snop  }
0x4: {  	_ = 	snop  }
0x5: {  	_ = 	snop  }
0x6: {  	_ = 	snop  }
0x7: {  	_ = 	snop  }
__scs_overlays_trampoline_lowered:
0x8: {  	[smem:$0x3FAC] =	sst s0  }
0x9: {  	[smem:$0x3FAD] =	sst s1  }
0xa: {  	[smem:$0x3FAE] =	sst s2  }
0xb: {  	[smem:$0x3FAF] =	sst s3  }
0xc: {  	[smem:$0x3FB0] =	sst s4  }
0xd: {  	[smem:$0x3FB1] =	sst s5  }
0xe: {  	[smem:$0x3FB2] =	sst s6  }
0xf: {  	[smem:$0x3FB3] =	sst s7  }
0x10: {  	[smem:$0x3FB4] =	sst s8  }
0x11: {  	[smem:$0x3FB5] =	sst s9;
	s0 =	simm.s32 @!p0 $0x0  }
0x12: {  	s1 =	sld [smem:$0x3F9B];
	s0 =	simm.s32 @p0 $0x1  }
0x13: {  	[smem:$0x3FB6] =	sst s0;
	s0 =	simm.s32 @!p1 $0x0  }
0x14: {  	s2 =	sld [smem:$0x3F9A];
	s0 =	simm.s32 @p1 $0x1  }
0x15: {  	[smem:$0x3FB7] =	sst s0;
	s0 =	simm.s32 @!p2 $0x0  }
0x16: {  	s3 =	sld [smem:$0x3FDB];
	s0 =	simm.s32 @p2 $0x1  }
0x17: {  	s4 =	simm.s32 $0x1BF5;
	[smem:$0x3FB9] =	sst s0  }
0x18: {  	s0 =	sld [smem:$0x3F9C];
	_ =	swait.ge [sflag:s4], $0x0  }
0x19: {  	s7 =	sld [smem:$0x3F9D]  }
0x1a: {  	s8 =	sadd.s32 $0xFFFFE003, lr  }
0x1b: {  	s9 =	sadd.s32 $0xFFFFFEF7, lr;
	s5 =	simm.s32 $0xFFFFFFFF;
	p2 =	slt.u32 s8, $0xFFFFF086  }
0x1c: {  	p1 =	slt.u32 s9, $0xF7A;
	s5 =	simm.s32 @!p2 $0x0  }
0x1d: {  	s5 =	simm.s32 @p1 $0x1;
	p0 =	seq.s32 s7, s2  }
0x1e: {  	s7 =	smul.u32 @!p0 $0xF7A, s2;
	p2 =	seq.s32 @!p0 s5, $0x0  }
0x1f: {  	s9 =	smul.u32 $0xF7A, s1;
	s8 =	simm.s32 @!p0 $0x1BF5;
	p2 =	por !p2, p0  }
0x20: {  	[sflag:s8] =	ssyncset.s32 @!p0 $0xFFFFF086;
	s6 =	sadd.s32 @!p0 s3, s7;
	s7 =	simm.s32 @!p0 $0x108  }
0x21: {  	s3 =	sadd.s32 s3, s9;
	s6 =	sadd.s32 @!p0 $0x88, s6;
	s7 =	simm.s32 @p2 $0x1082  }
0x22: {  	[simem:s7], [sflag:s8] =	dma.local @!p0 [hbm:s6], $0xF7A  }
0x23: {  	s9 =	sor.u32 $0xD0000000, s2;
	s6 =	simm.s32 $0x108;
	_ =	swait.ge @!p0 [sflag:s8], $0x0  }
0x24: {  	s3 =	sadd.s32 $0x88, s3;
	s6 =	simm.s32 @!p1 $0x1082;
	[sflag:s4] =	ssyncset.s32 $0xFFFFF086  }
0x25: {  	[simem:s6], [sflag:s4] =	dma.local [hbm:s3], $0xF7A  }
0x26: {  	[smem:$0x3F9D] =	sst s1;
	(tag) =	ssettag s2;
	_ =	strace s9  }
0x27: {  	s1 =	sld [smem:$0x3FAD]  }
0x28: {  	s2 =	sld [smem:$0x3FAE]  }
0x29: {  	s4 =	sld [smem:$0x3FB0]  }
0x2a: {  	p0 =	seq.s32 s5, $0x0;
	s5 =	sld [smem:$0x3FB1]  }
0x2b: {  	s6 =	sld [smem:$0x3FB2]  }
0x2c: {  	s7 =	sld [smem:$0x3FB3]  }
0x2d: {  	s3 =	simm.s32 $0x108;
	s8 =	sld [smem:$0x3FB4]  }
0x2e: {  	s3 =	simm.s32 @!p0 $0x1082;
	s9 =	sld [smem:$0x3FB5]  }
0x2f: {  	lr =	sadd.s32 s0, s3;
	s0 =	sld [smem:$0x3FAC]  }
0x30: {  	s3 =	sld [smem:$0x3FAF]  }
0x31: {  	[smem:$0x3FB8] =	sst s10  }
0x32: {  	s10 =	sld [smem:$0x3FB6];
	_ =	sdelay $0x3  }
0x33: {  	p0 =	seq.s32 s10, $0x1;
	s10 =	sld [smem:$0x3FB8];
	_ =	sdelay $0x3  }
0x34: {  	[smem:$0x3FB8] =	sst s10  }
0x35: {  	s10 =	sld [smem:$0x3FB7];
	_ =	sdelay $0x3  }
0x36: {  	p1 =	seq.s32 s10, $0x1;
	s10 =	sld [smem:$0x3FB8];
	_ =	sdelay $0x3  }
0x37: {  	[smem:$0x3FB8] =	sst s10  }
0x38: {  	s10 =	sld [smem:$0x3FB9]  }
0x39: {  	_ = 	snop;
	(pc) =	sbr.ind lr, $3  }
0x3a: {  	_ = 	snop  }
0x3b: {  	_ = 	snop  }
0x3c: {  	p2 =	seq.s32 s10, $0x1;
	s10 =	sld [smem:$0x3FB8]  }
0x3d: {  	_ =	shalt  }
0x3e: {  	_ =	shalt  }
0x3f: {  	_ =	shalt  }
0x40: {  	_ =	shalt  }
0x41: {  	_ =	shalt  }
0x42: {  	_ =	shalt  }
0x43: {  	_ =	shalt  }
0x44: {  	_ =	shalt  }
0x45: {  	_ =	shalt  }
0x46: {  	_ =	shalt  }
0x47: {  	_ =	shalt  }
0x48: {  	_ =	shalt  }
0x49: {  	_ =	shalt  }
0x4a: {  	_ =	shalt  }
0x4b: {  	_ =	shalt  }
0x4c: {  	_ =	shalt  }
0x4d: {  	_ =	shalt  }
0x4e: {  	_ =	shalt  }
0x4f: {  	_ =	shalt  }
0x50: {  	_ =	shalt  }
0x51: {  	_ =	shalt  }
0x52: {  	_ =	shalt  }
0x53: {  	_ =	shalt  }
0x54: {  	_ =	shalt  }
0x55: {  	_ =	shalt  }
0x56: {  	_ =	shalt  }
0x57: {  	_ =	shalt  }
0x58: {  	_ =	shalt  }
0x59: {  	_ =	shalt  }
0x5a: {  	_ =	shalt  }
0x5b: {  	_ =	shalt  }
0x5c: {  	_ =	shalt  }
0x5d: {  	_ =	shalt  }
0x5e: {  	_ =	shalt  }
0x5f: {  	_ =	shalt  }
0x60: {  	_ =	shalt  }
0x61: {  	_ =	shalt  }
0x62: {  	_ =	shalt  }
0x63: {  	_ =	shalt  }
0x64: {  	_ =	shalt  }
0x65: {  	_ =	shalt  }
0x66: {  	_ =	shalt  }
0x67: {  	_ =	shalt  }
0x68: {  	_ =	shalt  }
0x69: {  	_ =	shalt  }
0x6a: {  	_ =	shalt  }
0x6b: {  	_ =	shalt  }
0x6c: {  	_ =	shalt  }
0x6d: {  	_ =	shalt  }
0x6e: {  	_ =	shalt  }
0x6f: {  	_ =	shalt  }
0x70: {  	_ =	shalt  }
0x71: {  	_ =	shalt  }
0x72: {  	_ =	shalt  }
0x73: {  	_ =	shalt  }
0x74: {  	_ =	shalt  }
0x75: {  	_ =	shalt  }
0x76: {  	_ =	shalt  }
0x77: {  	_ =	shalt  }
0x78: {  	_ =	shalt  }
0x79: {  	_ =	shalt  }
0x7a: {  	_ =	shalt  }
0x7b: {  	_ =	shalt  }
0x7c: {  	_ =	shalt  }
0x7d: {  	_ =	shalt  }
0x7e: {  	_ =	shalt  }
0x7f: {  	_ =	shalt  }
0x80: {  	_ =	shalt  }
0x81: {  	_ =	shalt  }
0x82: {  	_ =	shalt  }
0x83: {  	_ =	shalt  }
0x84: {  	_ =	shalt  }
0x85: {  	_ =	shalt  }
0x86: {  	_ =	shalt  }
0x87: {  	_ =	shalt  }
.Lfunc_end0:
.L_simem_size_0:
called_computation_lowered:
.L_overlay_start_0:
0x88: {  	s2 =	sld [smem:$0x3FD9]  }
0x89: {  	s3 =	sld [smem:$0x3FFE];
	_ =	sdelay $0x1  }
0x8a: {  	s1 =	srdreg.scid  }
0x8b: {  	s0 =	sand.u32 $0x1, s1  }
0x8c: {  	s17 =	sshll.u32 s0, $0xA;
	s2 =	sadd.s32 s3, s2  }
0x8d: {  	s2 =	sadd.s32 s2, s17  }
0x8e: {  	[smem:$0x3FC4] =	sst s2  }
0x8f: {  	_ = 	snop  }
0x90: {  	s2 =	sld [smem:$0x3FC9]  }
0x91: {  	s18 =	sld [smem:$0x3FD0];
	(tm) =	ssettm $0x1  }
0x92: {  	s4 =	sld [smem:$0x3FFB];
	_ =	sdelay $0x3  }
0x93: {  	_ =	strace s4  }
0x94: {  	s4 =	sld [smem:$0x3FFC];
	_ =	sdelay $0x3  }
0x95: {  	_ =	strace s4  }
0x96: {  	s4 =	sld [smem:$0x3FFD];
	_ =	sdelay $0x3  }
0x97: {  	_ =	strace s4  }
0x98: {  	_ =	strace $0x8FFFFFFF  }
0x99: {  	s19 =	sld [smem:$0x3FDB];
	_ =	sdelay $0x1  }
0x9a: {  	s5 =	simm.s32 $_scs_section_size  }
0x9b: {  	s6 =	simm.s32 $_size__tile_overlayer_lowered;
	s7 =	simm.s32 $_tile_overlayer_lowered  }
0x9c: {  	s22 =	simm.s32 $0x1BFF;
	s21 =	sshll.u32 s7, $0x1;
	s4 =	sadd.s32 s5, s19  }
0x9d: {  	s8 =	simm.s32 $0x0;
	s20 =	sshll.u32 s6, $0x1;
	s6 =	sadd.s32 s21, s4  }
0x9e: {  	[timem:s8], [sflag:s22] =	dma.local [hbm:s6], s20  }
0x9f: {  	_ =	swait.ge [sflag:s22], s20  }
0xa0: {  	s5 =	ssub.s32 $0x0, s20;
	[sflag:s22] =	ssyncset.done $0x0  }
0xa1: {  	[sflag:s22] =	ssyncadd.s32 s5;
	_ =	sdelay $0x1  }
0xa2: {  	s23 =	simm.s32 $0x1B8B  }
0xa3: {  	_ =	swait.ge [sflag:s23], $0x1  }
0xa4: {  	[sflag:s23] =	ssyncset.done $0x0  }
0xa5: {  	s25 =	simm.s32 $0x1B8E;
	s24 =	sld [smem:$0x3FFE];
	[sflag:s23] =	ssyncadd.s32 $0xFFFFFFFF  }
0xa6: {  	s26 =	simm.s32 $execute0_lowered;
	[smem:$0x3FD2] =	sst s25  }
0xa7: {  	s6 =	sshll.u32 s26, $0x1;
	_ =	strace $0x80000046;
	[dreg:$0x1] =	wrdreg $0xFFFFFFFF  }
0xa8: {  	s28 =	simm.s32 $_size_execute0_lowered;
	s4 =	sadd.s32 s4, s6;
	[dreg:$0x0] =	wrdreg $0x0  }
0xa9: {  	s6 =	sshll.u32 s28, $0x1;
	[dreg:$0x2] =	wrdreg s4  }
0xaa: {  	[dreg:$0x3] =	wrdreg s6  }
0xab: {  	[dreg:$0x4] =	wrdreg $0xC0  }
0xac: {  	_ =	task [dreg:s8], $0x5FFFF  }
0xad: {  	[dreg:$0x1] =	wrdreg $0xFFFFFFFF  }
0xae: {  	[dreg:$0x0] =	wrdreg $0x60  }
0xaf: {  	[dreg:$0x2] =	wrdreg s2  }
0xb0: {  	[dreg:$0x3] =	wrdreg s18  }
0xb1: {  	[dreg:$0x4] =	wrdreg s24  }
0xb2: {  	[dreg:$0x5] =	wrdreg $0xB9800  }
0xb3: {  	[dreg:$0x6] =	wrdreg $0x9  }
0xb4: {  	_ =	task.clear_ibuf [dreg:s8], $0x7FFFF;
	_ =	strace $0x90000046  }
0xb5: {  	s29 =	simm.s32 $0x9;
	_ =	strace $0x80000048  }
0xb6: {  	_ =	swait.ge [sflag:s29], $0x1  }
0xb7: {  	[sflag:s29] =	ssyncadd.s32 $0xFFFFFFFF  }
0xb8: {  	_ =	strace $0x90000048  }
0xb9: {  	_ =	sfence  }
0xba: {  	s30 =	sld [smem:$0x0];
	_ =	sdelay $0x2  }
0xbb: {  	s31 =	sshll.u32 s1, $0xD;
	s1 =	sshrl.u32 s1, $0x2  }
0xbc: {  	s3 =	sand.u32 $0x4000, s31;
	s1 =	sadd.s32 s1, s30  }
0xbd: {  	s0 =	sor.u32 s3, s0;
	s1 =	sshll.u32 s1, $0x11  }
0xbe: {  	s0 =	sor.u32 s1, s0  }
0xbf: {  	s0 =	sadd.s32 $0x8F2B, s0  }
0xc0: {  	[sflag:s0] =	ssyncadd.remote.s32 $0x1  }
0xc1: {  	_ =	sfence.sel $0xFFFF  }
0xc2: {  	[dreg:$0x0] =	wrdreg $0xFFFFFFFF;
	(pc) =	sbr.abs _section_cstart, $3  }
0xc3: {  	[dreg:$0x1] =	wrdreg $0xFFFFFFFF  }
0xc4: {  	_ =	task.clear_ibuf [dreg:s8], $0x2FFFF;
	_ =	strace $0x9FFFFFFF  }
0xc5: {  	(tm) =	ssettm $0x7FFFFFFF  }
tec
execute0_lowered:
.L_overlay_start_1:
0x0: {  	(tag) =	ssettag $0x1  }
0x1: {  	s0 =	srdreg.scid;
	s20 =	stileid.u32  }
0x2: {  	s11 =	sand.u32 $0x1, s0;
	s24 =	smul.u32 $0x2400, s20  }
0x3: {  	s14 =	sor.u32 $0x10, s20;
	s13 =	smul.u32 $0x138800, s11  }
0x4: {  	s1 =	rddreg [dreg:$0x0];
	s15 =	sor.u32 $0x20, s20;
	s16 =	smul.u32 $0x2400, s14  }
0x5: {  	s9 =	rddreg [dreg:$0x2];
	s10 =	sor.u32 $0x30, s20;
	s18 =	smul.u32 $0x2400, s15  }
0x6: {  	s2 =	simm.s32 $0x0;
	s7 =	sor.u32 $0x40, s20;
	s26 =	smul.u32 $0x2400, s10  }
0x7: {  	s22 =	sshll.u32 s20, $0x1;
	s5 =	sor.u32 $0x60, s20;
	s19 =	smul.u32 $0x2400, s7  }
0x8: {  	s29 =	simm.s32 $0xD;
	s0 =	sor.u32 s11, s22;
	s22 =	smul.u32 $0x2400, s5  }
0x9: {  	[smem:$0x7FF] =	sst s2;
	s3 =	ssub.s32 $0x2, s11;
	s11 =	smul.u32 $0x2760, s11  }
0xa: {  	s12 =	sadd.s32 $0xB400, s9;
	s4 =	sor.u32 $0x50, s20;
	s10 =	smul.u32 $0x9000, s10  }
0xb: {  	s6 =	sor.u32 $0x70, s20;
	p0 =	sgt.u32 s20, $0xA;
	s7 =	smul.u32 $0x9000, s7  }
0xc: {  	p2 =	sgt.u32 s20, $0x9;
	s5 =	smul.u32 $0x9000, s5;
	p3 =	sne.s32 @!p0 s20, $0x0  }
0xd: {  	s8 =	smul.u32 $0x2760, s0;
	s23 =	sshrl.u32 s3, $0x1;
	p1 =	por p3, p0  }
0xe: {  	s25 =	sadd.s32 s13, s18;
	s18 =	sadd.s32 s13, s19;
	s19 =	smul.u32 $0x2400, s4  }
0xf: {  	s0 =	ssub.s32 s3, s23;
	s3 =	sadd.s32 s24, s13;
	s24 =	smul.u32 $0x2400, s6  }
0x10: {  	p3 =	por !p3, p0;
	s16 =	sadd.s32 s13, s16;
	s4 =	smul.u32 $0x9000, s4  }
0x11: {  	s7 =	sshrl.u32 s7, $0x2;
	s6 =	smul.u32 $0x9000, s6;
	s5 =	sshrl.u32 s5, $0x2  }
0x12: {  	s17 =	sshrl.u32 s3, $0x3;
	s3 =	sor.u32 $0x80, s20;
	s16 =	sshrl.u32 s16, $0x3  }
0x13: {  	s21 =	sshrl.u32 s18, $0x3;
	s0 =	smax.u32 s0, $0x1;
	s17 =	sadd.s32 s12, s17  }
0x14: {  	s16 =	sadd.s32 s12, s16;
	s23 =	sadd.s32 s13, s19;
	s19 =	sadd.s32 $0x48, s8  }
0x15: {  	s4 =	sshrl.u32 s4, $0x2;
	s6 =	sshrl.u32 s6, $0x2;
	[dreg:$0x5] =	wrdreg s17  }
0x16: {  	s17 =	sshrl.u32 s25, $0x3;
	[dreg:$0x6] =	wrdreg s16;
	s25 =	smul.u32 $0x2400, s3  }
0x17: {  	s3 =	smul.u32 $0x9000, s3;
	s2 =	sadd.s32 s12, s17;
	s17 =	sadd.s32 s13, s26  }
0x18: {  	[dreg:$0x7] =	wrdreg s2;
	s16 =	sshrl.u32 s17, $0x3;
	s17 =	sadd.s32 s13, s22  }
0x19: {  	s2 =	sadd.s32 s13, s24;
	s24 =	smul.u32 $0x4EC0, s20;
	s3 =	sshrl.u32 s3, $0x2  }
0x1a: {  	s16 =	sadd.s32 s12, s16;
	s26 =	sshrl.u32 s17, $0x3;
	s18 =	sshrl.u32 s2, $0x3  }
0x1b: {  	[dreg:$0x8] =	wrdreg s16;
	s16 =	sadd.s32 s12, s21;
	s21 =	sadd.s32 s13, s25  }
0x1c: {  	s13 =	sshrl.u32 s13, $0x3;
	s11 =	sadd.s32 s11, s24;
	s25 =	sshrl.u32 s8, $0x3  }
0x1d: {  	s8 =	sadd.s32 $0xD8, s8;
	[dreg:$0x9] =	wrdreg s16;
	s16 =	sshrl.u32 s23, $0x3  }
0x1e: {  	s22 =	sshrl.u32 s21, $0x3;
	s23 =	rddreg [dreg:$0x1];
	s16 =	sadd.s32 s12, s16  }
0x1f: {  	s21 =	smul.u32 $0x9000, s20;
	s8 =	sshrl.u32 s8, $0x3;
	[dreg:$0xa] =	wrdreg s16  }
0x20: {  	s20 =	simm.s32 $0x0;
	s16 =	sadd.s32 s12, s26;
	s26 =	rddreg [dreg:$0x3]  }
0x21: {  	s2 =	sadd.s32 s23, s25;
	s23 =	sshrl.u32 s21, $0x2;
	[dreg:$0xb] =	wrdreg s16  }
0x22: {  	s16 =	sadd.s32 s12, s18;
	s18 =	sadd.s32 $0x1600, s9;
	s28 =	sadd.s32 s23, s26  }
0x23: {  	s31 =	sadd.s32 s7, s26;
	s4 =	sadd.s32 s4, s26;
	s7 =	sadd.s32 s6, s26  }
0x24: {  	s3 =	sadd.s32 s3, s26;
	s6 =	simm.s32 $0x6;
	[dreg:$0xc] =	wrdreg s16  }
0x25: {  	s16 =	sadd.s32 s12, s22;
	s12 =	sadd.s32 s12, s13;
	s17 =	sadd.s32 s18, s25  }
0x26: {  	s13 =	smul.u32 $0x9000, s14;
	s14 =	sshrl.u32 s19, $0x3;
	[dreg:$0xd] =	wrdreg s16  }
0x27: {  	s14 =	sadd.s32 s18, s14;
	_ =	strace $0x80000047;
	[dreg:$0xe] =	wrdreg s2  }
0x28: {  	s22 =	smul.u32 $0x9000, s15;
	s8 =	sadd.s32 s18, s8;
	[dreg:$0x10] =	wrdreg s14  }
0x29: {  	s15 =	sadd.s32 $0x1B0, s11;
	s19 =	sadd.s32 $0x168, s11;
	[dreg:$0x11] =	wrdreg s8  }
0x2a: {  	s16 =	sshrl.u32 s15, $0x3;
	s21 =	sshrl.u32 s19, $0x3;
	[dreg:$0x17] =	wrdreg s4  }
0x2b: {  	s23 =	sadd.s32 $0x12, s17;
	s15 =	simm.s32 $0x48;
	[dreg:$0x19] =	wrdreg s7  }
0x2c: {  	s19 =	simm.s32 $0x0;
	s24 =	sshrl.u32 s13, $0x2;
	[dreg:$0x1a] =	wrdreg s3  }
0x2d: {  	s25 =	sshrl.u32 s22, $0x2;
	s2 =	sshrl.u32 s10, $0x2;
	[dreg:$0x1c] =	wrdreg s0  }
0x2e: {  	s8 =	smov.u32 s18;
	s4 =	sadd.s32 s5, s26;
	[dreg:$0xf] =	wrdreg s17  }
0x2f: {  	s10 =	sadd.s32 $0x26D00, s12;
	s12 =	sadd.s32 $0x1F8, s11;
	[smem:$0x7FB] =	sst s23  }
0x30: {  	s22 =	sadd.s32 $0x120, s11;
	s7 =	simm.s32 $0x2780;
	[dreg:$0x12] =	wrdreg s28  }
0x31: {  	s3 =	simm.s32 $0x2800;
	s11 =	simm.s32 $0x2900;
	[dreg:$0x16] =	wrdreg s31  }
0x32: {  	s5 =	simm.s32 $0x9580;
	s17 =	simm.s32 $0x2;
	[dreg:$0x18] =	wrdreg s4  }
0x33: {  	s23 =	simm.s32 $0x5;
	s9 =	sadd.s32 s24, s26;
	[dreg:$0x1b] =	wrdreg s10  }
0x34: {  	s14 =	sadd.s32 s25, s26;
	[smem:$0x7FA] =	sst s22;
	s24 =	sadd.s32 $0x138C00, s26  }
0x35: {  	s30 =	sadd.s32 s2, s26;
	s25 =	sadd.s32 $0x136800, s26;
	[smem:$0x7FC] =	sst s24  }
0x36: {  	s13 =	sshrl.u32 s12, $0x3;
	s10 =	simm.s32 $0x2880;
	[smem:$0x7FD] =	sst s25  }
0x37: {  	s4 =	simm.s32 $0x7180;
	s2 =	simm.s32 $0x4;
	[dreg:$0x13] =	wrdreg s9  }
0x38: {  	s22 =	simm.s32 $0xC;
	s0 =	sadd.s32 s13, s18;
	[dreg:$0x14] =	wrdreg s14  }
0x39: {  	s24 =	simm.s32 $0x9;
	s13 =	simm.s32 $0xA;
	[dreg:$0x15] =	wrdreg s30  }
0x3a: {  	s25 =	simm.s32 $0x4D80;
	[dreg:$0x1d] =	wrdreg s0;
	s0 =	sadd.s32 s16, s18  }
0x3b: {  	s16 =	simm.s32 $0x4D80;
	[dreg:$0x1e] =	wrdreg s0;
	s0 =	sadd.s32 s21, s18  }
0x3c: {  	v0 =	vimm.f32 $0.0e+00;
	s18 =	simm.s32 $0xB;
	s21 =	simm.s32 $0x8;
	[dreg:$0x1f] =	wrdreg s0  }
.LBB2_1:
0x3d: {  	[smem:$0x7F9] =	sst s19  }
0x3e: {  	s0 =	rddreg [dreg:$0xe]  }
0x3f: {  	[tilespmem:s20], [sflag:$0x1] =	stream.linear.gather [hbm4b:s0+s20], $0x2760, $0x38;
	[tilespmem:$0x1F280] =	vst v63  }
0x40: {  	s12 =	rddreg [dreg:$0xf]  }
0x41: {  	[tilespmem:s7], [sflag:$0x3] =	stream.linear.gather [hbm4b:s12+s20], $0x48, $0x38;
	[tilespmem:$0x1F280] =	vst v63  }
0x42: {  	s19 =	rddreg [dreg:$0x10]  }
0x43: {  	[tilespmem:s3], [sflag:$0x4] =	stream.linear.gather [hbm4b:s19+s20], $0x48, $0x38;
	[tilespmem:$0x1F280] =	vst v63  }
0x44: {  	s3 =	sld [smem:$0x7FB];
	_ =	sdelay $0x2  }
0x45: {  	[tilespmem:s10], [sflag:$0x5] =	stream.linear.gather [hbm4b:s3+s20], $0x48, $0x38;
	[tilespmem:$0x1F280] =	vst v63  }
0x46: {  	s10 =	rddreg [dreg:$0x11]  }
0x47: {  	[tilespmem:s11], [sflag:$0x6] =	stream.linear.gather [hbm4b:s10+s20], $0x48, $0x38;
	[tilespmem:$0x1F280] =	vst v63  }
0x48: {  	s11 =	simm.s32 $0x1  }
0x49: {  	_ =	swait.ge [sflag:s11], $0x2760  }
0x4a: {  	[sflag:s11] =	ssyncset.done $0x0  }
0x4b: {  	[sflag:s11] =	ssyncadd.s32 $0xFFFFD8A0  }
0x4c: {  	[tilespmem:s16], [sflag:$0x8] =	stream.indirect.gather [hbm4b:s1+s15], $0x80, s15, s15, $0xb8;
	[tilespmem:$0x1F280] =	vst v63  }
0x4d: {  	s12 =	simm.s32 $0x90  }
0x4e: {  	[tilespmem:s4], [sflag:$0x9] =	stream.indirect.gather [hbm4b:s1+s15], $0x80, s12, s15, $0xb8;
	[tilespmem:$0x1F280] =	vst v63  }
0x4f: {  	s0 =	simm.s32 $0x70;
	s19 =	simm.s32 $0xD8;
	s3 =	simm.s32 $0x3C0  }
0x50: {  	[tilespmem:s5], [sflag:$0xA] =	stream.indirect.gather [hbm4b:s1+s15], $0x80, s19, s15, $0xb8;
	[tilespmem:$0x1F280] =	vst v63  }
.LBB2_2:
0x51: {  	p4 =	sne.s32 s3, $0x8FC0;
	[tilespmem:s0+$0x2980] =	vst v0  }
0x52: {  	[tilespmem:s0+$0x2910] =	vst v0  }
0x53: {  	[tilespmem:s0+$0x2920] =	vst v0  }
.Ltmp0:
0x54: {  	[tilespmem:s0+$0x2930] =	vst v0;
	(pc) =	sbr.rel @p4 .LBB2_2-.Ltmp0, $4  }
0x55: {  	[tilespmem:s0+$0x2940] =	vst v0  }
0x56: {  	[tilespmem:s0+$0x2950] =	vst v0  }
0x57: {  	[tilespmem:s0+$0x2960] =	vst v0  }
0x58: {  	[tilespmem:s0+$0x2970] =	vst v0;
	s0 =	sshra.s32 s3, $0x2;
	s3 =	sadd.s32 $0x200, s3  }
0x59: {  	[tilespmem:s0+$0x2980] =	vst v0  }
0x5a: {  	[tilespmem:s0+$0x2910] =	vst v0  }
0x5b: {  	[tilespmem:s0+$0x2920] =	vst v0  }
0x5c: {  	[tilespmem:s0+$0x2930] =	vst v0  }
0x5d: {  	[tilespmem:s0+$0x2940] =	vst v0  }
0x5e: {  	[tilespmem:s0+$0x2950] =	vst v0  }
0x5f: {  	[tilespmem:s0+$0x2960] =	vst v0  }
0x60: {  	[tilespmem:s0+$0x2970] =	vst v0;
	s5 =	simm.s32 $0x2980  }
0x61: {  	[spmem:s28] =	stream.linear.scatter [tilespmem:s5], [sflag:$0x2], $0x2400, $0x38;
	[tilespmem:$0x1F280] =	vst v63  }
0x62: {  	_ = 	snop  }
0x63: {  	[spmem:s9] =	stream.linear.scatter [tilespmem:s5], [sflag:$0x2], $0x2400, $0x38;
	[tilespmem:$0x1F280] =	vst v63  }
0x64: {  	_ = 	snop  }
0x65: {  	[spmem:s14] =	stream.linear.scatter [tilespmem:s5], [sflag:$0x2], $0x2400, $0x38;
	[tilespmem:$0x1F280] =	vst v63  }
0x66: {  	_ = 	snop  }
0x67: {  	[spmem:s30] =	stream.linear.scatter [tilespmem:s5], [sflag:$0x2], $0x2400, $0x38;
	[tilespmem:$0x1F280] =	vst v63  }
0x68: {  	_ = 	snop  }
0x69: {  	[spmem:s31] =	stream.linear.scatter [tilespmem:s5], [sflag:$0x2], $0x2400, $0x38;
	[tilespmem:$0x1F280] =	vst v63  }
0x6a: {  	s14 =	rddreg [dreg:$0x17]  }
0x6b: {  	[spmem:s14] =	stream.linear.scatter [tilespmem:s5], [sflag:$0x2], $0x2400, $0x38;
	[tilespmem:$0x1F280] =	vst v63  }
0x6c: {  	s19 =	rddreg [dreg:$0x18]  }
0x6d: {  	[spmem:s19] =	stream.linear.scatter [tilespmem:s5], [sflag:$0x2], $0x2400, $0x38;
	[tilespmem:$0x1F280] =	vst v63  }
0x6e: {  	s3 =	rddreg [dreg:$0x19]  }
0x6f: {  	[spmem:s3] =	stream.linear.scatter [tilespmem:s5], [sflag:$0x2], $0x2400, $0x38;
	[tilespmem:$0x1F280] =	vst v63  }
0x70: {  	s0 =	simm.s32 @!p0 $0x2980;
	s3 =	rddreg [dreg:$0x1a]  }
0x71: {  	[spmem:s3] =	stream.linear.scatter @!p0 [tilespmem:s0], [sflag:$0x2], $0x2400, $0x38;
	[tilespmem:$0x1F280] =	vst v63  }
0x72: {  	s3 =	sld [smem:$0x7FC];
	_ =	sdelay $0x1  }
0x73: {  	s0 =	simm.s32 @!p1 $0x2980  }
0x74: {  	[spmem:s3] =	stream.linear.scatter @!p1 [tilespmem:s0], [sflag:$0x2], $0x400, $0x38;
	[tilespmem:$0x1F280] =	vst v63  }
0x75: {  	_ =	swait.ge [sflag:s17], $0x2400  }
0x76: {  	[sflag:s17] =	ssyncset.done $0x0  }
0x77: {  	[sflag:s17] =	ssyncadd.s32 $0xFFFFDC00  }
0x78: {  	_ =	swait.ge [sflag:s17], $0x2400  }
0x79: {  	[sflag:s17] =	ssyncset.done $0x0  }
0x7a: {  	[sflag:s17] =	ssyncadd.s32 $0xFFFFDC00  }
0x7b: {  	_ =	swait.ge [sflag:s17], $0x2400  }
0x7c: {  	[sflag:s17] =	ssyncset.done $0x0  }
0x7d: {  	[sflag:s17] =	ssyncadd.s32 $0xFFFFDC00  }
0x7e: {  	_ =	swait.ge [sflag:s17], $0x2400  }
0x7f: {  	[sflag:s17] =	ssyncset.done $0x0  }
0x80: {  	[sflag:s17] =	ssyncadd.s32 $0xFFFFDC00  }
0x81: {  	_ =	swait.ge [sflag:s17], $0x2400  }
0x82: {  	[sflag:s17] =	ssyncset.done $0x0  }
0x83: {  	[sflag:s17] =	ssyncadd.s32 $0xFFFFDC00  }
0x84: {  	_ =	swait.ge [sflag:s17], $0x2400  }
0x85: {  	[sflag:s17] =	ssyncset.done $0x0  }
0x86: {  	[sflag:s17] =	ssyncadd.s32 $0xFFFFDC00  }
0x87: {  	_ =	swait.ge [sflag:s17], $0x2400  }
0x88: {  	[sflag:s17] =	ssyncset.done $0x0  }
0x89: {  	[sflag:s17] =	ssyncadd.s32 $0xFFFFDC00  }
0x8a: {  	_ =	swait.ge [sflag:s17], $0x2400  }
0x8b: {  	p4 =	por @!p0 $0x0, $0x0;
	[sflag:s17] =	ssyncset.done $0x0  }
0x8c: {  	p5 =	por @!p1 $0x1, $0x1;
	s0 =	simm.s32 @!p0 $0x2;
	[sflag:s17] =	ssyncadd.s32 $0xFFFFDC00  }
0x8d: {  	p5 =	por @!p3 p4, p4;
	p4 =	por $0x0, $0x0;
	_ =	swait.ge @!p0 [sflag:s0], $0x2400  }
0x8e: {  	p4 =	por @!p0 p5, p5;
	[sflag:s0] =	ssyncset.done @!p0 $0x0  }
0x8f: {  	[sflag:s0] =	ssyncadd.s32 @!p0 $0xFFFFDC00;
	s0 =	simm.s32 @p4 $0x2  }
0x90: {  	_ =	swait.ge @p4 [sflag:s0], $0x400  }
0x91: {  	[sflag:s0] =	ssyncset.done @p4 $0x0  }
0x92: {  	s9 =	simm.s32 $0x0;
	[sflag:s0] =	ssyncadd.s32 @p4 $0xFFFFFC00  }
0x93: {  	[tilespmem:s5], [sflag:$0x7] =	stream.indirect.gather [hbm4b:s1+s15], $0x80, s9, s15, $0xb8;
	[tilespmem:$0x1F280] =	vst v63  }
0x94: {  	s10 =	simm.s32 $0x3;
	[bflag:$0x0] =	sbarrier.arrive $0xFFFF  }
0x95: {  	_ =	swait.ge [sflag:s10], $0x48  }
0x96: {  	[sflag:s10] =	ssyncset.done $0x0  }
0x97: {  	s11 =	simm.s32 $0x7;
	[sflag:s10] =	ssyncadd.s32 $0xFFFFFFB8  }
0x98: {  	_ =	swait.ge [sflag:s11], $0x2400  }
0x99: {  	[sflag:s11] =	ssyncset.done $0x0  }
0x9a: {  	[sflag:s11] =	ssyncadd.s32 $0xFFFFDC00  }
0x9b: {  	[spmem:s26] =	stream.indirect.scatter.add.f32 [tilespmem:s5], [sflag:$0xB], $0x80, s7, s15, $0xb8;
	[tilespmem:$0x1F280] =	vst v63  }
0x9c: {  	_ =	swait.ge [sflag:s18], $0x2400  }
0x9d: {  	[sflag:s18] =	ssyncset.done $0x0;
	s11 =	sld [smem:$0x7FA]  }
0x9e: {  	s14 =	simm.s32 $0x120;
	[sflag:s18] =	ssyncadd.s32 $0xFFFFDC00  }
0x9f: {  	[tilespmem:s5], [sflag:$0x7] =	stream.indirect.gather [hbm4b:s1+s15], $0x80, s14, s15, $0xb8;
	[tilespmem:$0x1F280] =	vst v63  }
0xa0: {  	s18 =	sshrl.u32 s11, $0x3  }
0xa1: {  	s17 =	simm.s32 $0x2780;
	s19 =	sadd.s32 s8, s18  }
0xa2: {  	[tilespmem:s17], [sflag:$0x3] =	stream.linear.gather [hbm4b:s19+s20], $0x48, $0x38;
	[tilespmem:$0x1F280] =	vst v63  }
0xa3: {  	_ =	swait.ge [sflag:s2], $0x48  }
0xa4: {  	[sflag:s2] =	ssyncset.done $0x0  }
0xa5: {  	[sflag:s2] =	ssyncadd.s32 $0xFFFFFFB8  }
0xa6: {  	_ =	swait.ge [sflag:s21], $0x2400  }
0xa7: {  	[sflag:s21] =	ssyncset.done $0x0  }
0xa8: {  	[sflag:s21] =	ssyncadd.s32 $0xFFFFDC00;
	s21 =	simm.s32 $0x2800  }
0xa9: {  	[spmem:s26] =	stream.indirect.scatter.add.f32 [tilespmem:s16], [sflag:$0xC], $0x80, s21, s15, $0xb8;
	[tilespmem:$0x1F280] =	vst v63  }
0xaa: {  	_ =	swait.ge [sflag:s22], $0x2400  }
0xab: {  	[sflag:s22] =	ssyncset.done $0x0  }
0xac: {  	s3 =	simm.s32 $0x168;
	[sflag:s22] =	ssyncadd.s32 $0xFFFFDC00  }
0xad: {  	[tilespmem:s16], [sflag:$0x8] =	stream.indirect.gather [hbm4b:s1+s15], $0x80, s3, s15, $0xb8;
	[tilespmem:$0x1F280] =	vst v63  }
0xae: {  	s5 =	rddreg [dreg:$0x1f]  }
0xaf: {  	[tilespmem:s21], [sflag:$0x4] =	stream.linear.gather [hbm4b:s5+s20], $0x48, $0x38;
	[tilespmem:$0x1F280] =	vst v63  }
0xb0: {  	_ =	swait.ge [sflag:s23], $0x48  }
0xb1: {  	[sflag:s23] =	ssyncset.done $0x0  }
0xb2: {  	[sflag:s23] =	ssyncadd.s32 $0xFFFFFFB8  }
0xb3: {  	_ =	swait.ge [sflag:s24], $0x2400  }
0xb4: {  	[sflag:s24] =	ssyncset.done $0x0  }
0xb5: {  	s10 =	simm.s32 $0x2880;
	[sflag:s24] =	ssyncadd.s32 $0xFFFFDC00  }
0xb6: {  	[spmem:s26] =	stream.indirect.scatter.add.f32 [tilespmem:s4], [sflag:$0xD], $0x80, s10, s15, $0xb8;
	[tilespmem:$0x1F280] =	vst v63  }
0xb7: {  	_ =	swait.ge [sflag:s29], $0x2400  }
0xb8: {  	[sflag:s29] =	ssyncset.done $0x0  }
0xb9: {  	s14 =	simm.s32 $0x1B0;
	[sflag:s29] =	ssyncadd.s32 $0xFFFFDC00  }
0xba: {  	[tilespmem:s4], [sflag:$0x9] =	stream.indirect.gather [hbm4b:s1+s15], $0x80, s14, s15, $0xb8;
	[tilespmem:$0x1F280] =	vst v63  }
0xbb: {  	s12 =	smov.u32 s1;
	s21 =	simm.s32 $0x0;
	s16 =	rddreg [dreg:$0x1e]  }
0xbc: {  	[tilespmem:s10], [sflag:$0x5] =	stream.linear.gather [hbm4b:s16+s21], $0x48, $0x38;
	[tilespmem:$0x1F280] =	vst v63  }
0xbd: {  	s31 =	simm.s32 $0x480;
	s0 =	sadd.s32 $0x120, s11;
	_ =	swait.ge [sflag:s6], $0x48  }
0xbe: {  	s18 =	simm.s32 $0x2900;
	s19 =	simm.s32 $0x9580;
	[sflag:s6] =	ssyncset.done $0x0  }
0xbf: {  	s17 =	simm.s32 $0xE;
	s2 =	simm.s32 $0x4;
	[sflag:s6] =	ssyncadd.s32 $0xFFFFFFB8  }
0xc0: {  	s22 =	simm.s32 $0x8;
	s11 =	sadd.s32 $0x24, s5;
	_ =	swait.ge [sflag:s13], $0x2400  }
0xc1: {  	s20 =	simm.s32 $0xB;
	s23 =	simm.s32 $0xC;
	[sflag:s13] =	ssyncset.done $0x0  }
0xc2: {  	s24 =	simm.s32 $0x5;
	s29 =	simm.s32 $0x1F8;
	[sflag:s13] =	ssyncadd.s32 $0xFFFFDC00  }
0xc3: {  	[spmem:s26] =	stream.indirect.scatter.add.f32 [tilespmem:s19], [sflag:$0xE], $0x80, s18, s15, $0xb8;
	[tilespmem:$0x1F280] =	vst v63  }
0xc4: {  	s28 =	sadd.s32 $0x24, s16;
	s10 =	simm.s32 $0xD;
	_ =	swait.ge [sflag:s17], $0x2400  }
0xc5: {  	s6 =	simm.s32 $0x6;
	[sflag:s17] =	ssyncset.done $0x0;
	s30 =	rddreg [dreg:$0x1d]  }
0xc6: {  	s13 =	simm.s32 $0xA;
	[sflag:s17] =	ssyncadd.s32 $0xFFFFDC00;
	s3 =	sadd.s32 $0x24, s30  }
0xc7: {  	[tilespmem:s19], [sflag:$0xA] =	stream.indirect.gather [hbm4b:s1+s15], $0x80, s29, s15, $0xb8;
	[tilespmem:$0x1F280] =	vst v63  }
.LBB2_4:
0xc8: {  	s29 =	simm.s32 $0x2900  }
0xc9: {  	[tilespmem:s29], [sflag:$0x6] =	stream.linear.gather [hbm4b:s30+s21], $0x48, $0x38;
	[tilespmem:$0x1F280] =	vst v63  }
0xca: {  	s14 =	smov.u32 s31;
	s1 =	simm.s32 $0x3;
	s30 =	smov.u32 s3  }
0xcb: {  	p5 =	sne.s32 s31, $0x9480;
	s31 =	sadd.s32 $0x480, s31;
	_ =	swait.ge [sflag:s1], $0x48  }
0xcc: {  	[sflag:s1] =	ssyncset.done $0x0  }
0xcd: {  	[sflag:s1] =	ssyncadd.s32 $0xFFFFFFB8;
	s1 =	simm.s32 $0x7  }
0xce: {  	_ =	swait.ge [sflag:s1], $0x2400  }
0xcf: {  	[sflag:s1] =	ssyncset.done $0x0  }
0xd0: {  	s16 =	simm.s32 $0x2980;
	s5 =	simm.s32 $0x2780;
	[sflag:s1] =	ssyncadd.s32 $0xFFFFDC00  }
0xd1: {  	[spmem:s26] =	stream.indirect.scatter.add.f32 [tilespmem:s16], [sflag:$0xB], $0x80, s5, s15, $0xb8;
	[tilespmem:$0x1F280] =	vst v63  }
0xd2: {  	_ =	swait.ge [sflag:s20], $0x2400  }
0xd3: {  	s9 =	sshrl.u32 s0, $0x3;
	s14 =	sshra.s32 s14, $0x2;
	[sflag:s20] =	ssyncset.done $0x0  }
0xd4: {  	s18 =	simm.s32 $0x2980;
	s7 =	sadd.s32 $0x120, s14;
	[sflag:s20] =	ssyncadd.s32 $0xFFFFDC00  }
0xd5: {  	[tilespmem:s16], [sflag:$0x7] =	stream.indirect.gather [hbm4b:s12+s15], $0x80, s7, s15, $0xb8;
	[tilespmem:$0x1F280] =	vst v63  }
0xd6: {  	s7 =	sadd.s32 s8, s9;
	s9 =	simm.s32 $0x2780  }
0xd7: {  	[tilespmem:s5], [sflag:$0x3] =	stream.linear.gather [hbm4b:s7+s21], $0x48, $0x38;
	[tilespmem:$0x1F280] =	vst v63  }
0xd8: {  	_ =	swait.ge [sflag:s2], $0x48  }
0xd9: {  	[sflag:s2] =	ssyncset.done $0x0  }
0xda: {  	[sflag:s2] =	ssyncadd.s32 $0xFFFFFFB8  }
0xdb: {  	_ =	swait.ge [sflag:s22], $0x2400  }
0xdc: {  	[sflag:s22] =	ssyncset.done $0x0  }
0xdd: {  	s1 =	simm.s32 $0x4D80;
	s16 =	simm.s32 $0x2800;
	[sflag:s22] =	ssyncadd.s32 $0xFFFFDC00  }
0xde: {  	[spmem:s26] =	stream.indirect.scatter.add.f32 [tilespmem:s1], [sflag:$0xC], $0x80, s16, s15, $0xb8;
	[tilespmem:$0x1F280] =	vst v63  }
0xdf: {  	_ =	swait.ge [sflag:s23], $0x2400  }
0xe0: {  	[sflag:s23] =	ssyncset.done $0x0  }
0xe1: {  	s7 =	sadd.s32 $0x168, s14;
	[sflag:s23] =	ssyncadd.s32 $0xFFFFDC00  }
0xe2: {  	[tilespmem:s1], [sflag:$0x8] =	stream.indirect.gather [hbm4b:s12+s15], $0x80, s7, s15, $0xb8;
	[tilespmem:$0x1F280] =	vst v63  }
0xe3: {  	s5 =	simm.s32 $0x2800  }
0xe4: {  	[tilespmem:s16], [sflag:$0x4] =	stream.linear.gather [hbm4b:s11+s21], $0x48, $0x38;
	[tilespmem:$0x1F280] =	vst v63  }
0xe5: {  	_ =	swait.ge [sflag:s24], $0x48  }
0xe6: {  	[sflag:s24] =	ssyncset.done $0x0  }
0xe7: {  	s1 =	simm.s32 $0x9;
	[sflag:s24] =	ssyncadd.s32 $0xFFFFFFB8  }
0xe8: {  	_ =	swait.ge [sflag:s1], $0x2400  }
0xe9: {  	[sflag:s1] =	ssyncset.done $0x0  }
0xea: {  	s4 =	simm.s32 $0x2880;
	[sflag:s1] =	ssyncadd.s32 $0xFFFFDC00;
	s1 =	simm.s32 $0x7180  }
0xeb: {  	[spmem:s26] =	stream.indirect.scatter.add.f32 [tilespmem:s1], [sflag:$0xD], $0x80, s4, s15, $0xb8;
	[tilespmem:$0x1F280] =	vst v63  }
0xec: {  	_ =	swait.ge [sflag:s10], $0x2400  }
0xed: {  	[sflag:s10] =	ssyncset.done $0x0  }
0xee: {  	s19 =	simm.s32 $0x7180;
	s7 =	sadd.s32 $0x1B0, s14;
	[sflag:s10] =	ssyncadd.s32 $0xFFFFDC00  }
0xef: {  	[tilespmem:s1], [sflag:$0x9] =	stream.indirect.gather [hbm4b:s12+s15], $0x80, s7, s15, $0xb8;
	[tilespmem:$0x1F280] =	vst v63  }
0xf0: {  	s16 =	simm.s32 $0x2880  }
0xf1: {  	[tilespmem:s4], [sflag:$0x5] =	stream.linear.gather [hbm4b:s28+s21], $0x48, $0x38;
	[tilespmem:$0x1F280] =	vst v63  }
0xf2: {  	_ =	swait.ge [sflag:s6], $0x48  }
0xf3: {  	[sflag:s6] =	ssyncset.done $0x0  }
0xf4: {  	[sflag:s6] =	ssyncadd.s32 $0xFFFFFFB8  }
0xf5: {  	_ =	swait.ge [sflag:s13], $0x2400  }
0xf6: {  	[sflag:s13] =	ssyncset.done $0x0  }
0xf7: {  	s1 =	simm.s32 $0x9580;
	[sflag:s13] =	ssyncadd.s32 $0xFFFFDC00  }
0xf8: {  	[spmem:s26] =	stream.indirect.scatter.add.f32 [tilespmem:s1], [sflag:$0xE], $0x80, s29, s15, $0xb8;
	[tilespmem:$0x1F280] =	vst v63  }
.Ltmp1:
0xf9: {  	_ =	swait.ge [sflag:s17], $0x2400;
	(pc) =	sbr.rel @p5 .LBB2_4-.Ltmp1, $4  }
0xfa: {  	s0 =	sadd.s32 $0x120, s0;
	[sflag:s17] =	ssyncset.done $0x0  }
0xfb: {  	s7 =	sadd.s32 $0x1F8, s14;
	s4 =	simm.s32 $0x9580;
	[sflag:s17] =	ssyncadd.s32 $0xFFFFDC00  }
0xfc: {  	[tilespmem:s1], [sflag:$0xA] =	stream.indirect.gather [hbm4b:s12+s15], $0x80, s7, s15, $0xb8;
	[tilespmem:$0x1F280] =	vst v63  }
0xfd: {  	s3 =	sadd.s32 $0x24, s3;
	s11 =	sadd.s32 $0x24, s11;
	s28 =	sadd.s32 $0x24, s28  }
0xfe: {  	s3 =	simm.s32 $0x2900;
	s0 =	simm.s32 $0x3  }
0xff: {  	[tilespmem:s3], [sflag:$0x6] =	stream.linear.gather [hbm4b:s30+s21], $0x48, $0x38;
	[tilespmem:$0x1F280] =	vst v63  }
0x100: {  	_ =	swait.ge [sflag:s0], $0x48  }
0x101: {  	[sflag:s0] =	ssyncset.done $0x0  }
0x102: {  	s11 =	simm.s32 $0x7;
	[sflag:s0] =	ssyncadd.s32 $0xFFFFFFB8  }
0x103: {  	_ =	swait.ge [sflag:s11], $0x2400  }
0x104: {  	[sflag:s11] =	ssyncset.done $0x0  }
0x105: {  	s14 =	simm.s32 $0xF;
	[sflag:s11] =	ssyncadd.s32 $0xFFFFDC00  }
0x106: {  	[spmem:s26] =	stream.indirect.scatter.add.f32 [tilespmem:s18], [sflag:$0xF], $0x80, s9, s15, $0xb8;
	[tilespmem:$0x1F280] =	vst v63  }
0x107: {  	_ =	swait.ge [sflag:s14], $0x2400  }
0x108: {  	[sflag:s14] =	ssyncset.done $0x0  }
0x109: {  	[sflag:s14] =	ssyncadd.s32 $0xFFFFDC00  }
0x10a: {  	_ =	swait.ge [sflag:s2], $0x48  }
0x10b: {  	[sflag:s2] =	ssyncset.done $0x0  }
0x10c: {  	[sflag:s2] =	ssyncadd.s32 $0xFFFFFFB8  }
0x10d: {  	_ =	swait.ge [sflag:s22], $0x2400  }
0x10e: {  	[sflag:s22] =	ssyncset.done $0x0  }
0x10f: {  	[sflag:s22] =	ssyncadd.s32 $0xFFFFDC00  }
0x110: {  	[spmem:s26] =	stream.indirect.scatter.add.f32 [tilespmem:s25], [sflag:$0xF], $0x80, s5, s15, $0xb8;
	[tilespmem:$0x1F280] =	vst v63  }
0x111: {  	_ =	swait.ge [sflag:s14], $0x2400  }
0x112: {  	[sflag:s14] =	ssyncset.done $0x0  }
0x113: {  	[sflag:s14] =	ssyncadd.s32 $0xFFFFDC00  }
0x114: {  	_ =	swait.ge [sflag:s24], $0x48  }
0x115: {  	[sflag:s24] =	ssyncset.done $0x0  }
0x116: {  	s1 =	simm.s32 $0x9;
	[sflag:s24] =	ssyncadd.s32 $0xFFFFFFB8  }
0x117: {  	_ =	swait.ge [sflag:s1], $0x2400  }
0x118: {  	[sflag:s1] =	ssyncset.done $0x0  }
0x119: {  	[sflag:s1] =	ssyncadd.s32 $0xFFFFDC00  }
0x11a: {  	[spmem:s26] =	stream.indirect.scatter.add.f32 [tilespmem:s19], [sflag:$0xF], $0x80, s16, s15, $0xb8;
	[tilespmem:$0x1F280] =	vst v63  }
0x11b: {  	_ =	swait.ge [sflag:s14], $0x2400  }
0x11c: {  	[sflag:s14] =	ssyncset.done $0x0  }
0x11d: {  	[sflag:s14] =	ssyncadd.s32 $0xFFFFDC00  }
0x11e: {  	_ =	swait.ge [sflag:s6], $0x48  }
0x11f: {  	[sflag:s6] =	ssyncset.done $0x0  }
0x120: {  	[sflag:s6] =	ssyncadd.s32 $0xFFFFFFB8  }
0x121: {  	_ =	swait.ge [sflag:s13], $0x2400  }
0x122: {  	[sflag:s13] =	ssyncset.done $0x0  }
0x123: {  	[sflag:s13] =	ssyncadd.s32 $0xFFFFDC00  }
0x124: {  	[spmem:s26] =	stream.indirect.scatter.add.f32 [tilespmem:s4], [sflag:$0xF], $0x80, s3, s15, $0xb8;
	[tilespmem:$0x1F280] =	vst v63  }
0x125: {  	_ =	swait.ge [sflag:s14], $0x2400  }
0x126: {  	[sflag:s14] =	ssyncset.done $0x0  }
0x127: {  	[sflag:s14] =	ssyncadd.s32 $0xFFFFDC00  }
0x128: {  	s17 =	stileid.u32;
	[bflag:$0x0] =	sbarrier.arrive $0xFFFF  }
0x129: {  	s0 =	sshll.u32 s17, $0x6;
	s28 =	rddreg [dreg:$0x12]  }
0x12a: {  	s0 =	sor.u32 $0x1C02, s0;
	s7 =	rddreg [dreg:$0x5];
	s18 =	sshrl.u32 s28, $0x3  }
0x12b: {  	[hbm:s7], [sflag:s0] =	dma.local [spmem:s18], $0x480  }
0x12c: {  	s9 =	rddreg [dreg:$0x13]  }
0x12d: {  	s7 =	rddreg [dreg:$0x6];
	s19 =	sshrl.u32 s9, $0x3  }
0x12e: {  	[hbm:s7], [sflag:s0] =	dma.local [spmem:s19], $0x480  }
0x12f: {  	s14 =	rddreg [dreg:$0x14]  }
0x130: {  	s7 =	rddreg [dreg:$0x7];
	s20 =	sshrl.u32 s14, $0x3  }
0x131: {  	[hbm:s7], [sflag:s0] =	dma.local [spmem:s20], $0x480  }
0x132: {  	s30 =	rddreg [dreg:$0x15]  }
0x133: {  	s7 =	rddreg [dreg:$0x8];
	s21 =	sshrl.u32 s30, $0x3  }
0x134: {  	[hbm:s7], [sflag:s0] =	dma.local [spmem:s21], $0x480  }
0x135: {  	s31 =	rddreg [dreg:$0x16]  }
0x136: {  	s7 =	rddreg [dreg:$0x9];
	s22 =	sshrl.u32 s31, $0x3  }
0x137: {  	[hbm:s7], [sflag:s0] =	dma.local [spmem:s22], $0x480  }
0x138: {  	s3 =	rddreg [dreg:$0x17]  }
0x139: {  	s7 =	rddreg [dreg:$0xa];
	s3 =	sshrl.u32 s3, $0x3  }
0x13a: {  	[hbm:s7], [sflag:s0] =	dma.local [spmem:s3], $0x480  }
0x13b: {  	s3 =	rddreg [dreg:$0x18]  }
0x13c: {  	s7 =	rddreg [dreg:$0xb];
	s3 =	sshrl.u32 s3, $0x3  }
0x13d: {  	[hbm:s7], [sflag:s0] =	dma.local [spmem:s3], $0x480  }
0x13e: {  	s3 =	rddreg [dreg:$0x19]  }
0x13f: {  	s7 =	rddreg [dreg:$0xc];
	s3 =	sshrl.u32 s3, $0x3  }
0x140: {  	[hbm:s7], [sflag:s0] =	dma.local [spmem:s3], $0x480  }
0x141: {  	s3 =	rddreg [dreg:$0x1a]  }
0x142: {  	s7 =	rddreg [dreg:$0xd];
	s3 =	sshrl.u32 @!p2 s3, $0x3  }
0x143: {  	[hbm:s7], [sflag:s0] =	dma.local @!p2 [spmem:s3], $0x480  }
0x144: {  	s3 =	sld [smem:$0x7FD];
	_ =	sdelay $0x2  }
0x145: {  	s17 =	simm.s32 $0x2;
	s7 =	rddreg [dreg:$0x1b];
	s3 =	sshrl.u32 @p4 s3, $0x3  }
0x146: {  	[hbm:s7], [sflag:s0] =	dma.local @p4 [spmem:s3], $0x400  }
0x147: {  	_ =	swait.ge [sflag:s17], $0x480  }
0x148: {  	[sflag:s17] =	ssyncset.done $0x0  }
0x149: {  	[sflag:s17] =	ssyncadd.s32 $0xFFFFFB80  }
0x14a: {  	_ =	swait.ge [sflag:s17], $0x480  }
0x14b: {  	[sflag:s17] =	ssyncset.done $0x0  }
0x14c: {  	[sflag:s17] =	ssyncadd.s32 $0xFFFFFB80  }
0x14d: {  	_ =	swait.ge [sflag:s17], $0x480  }
0x14e: {  	[sflag:s17] =	ssyncset.done $0x0  }
0x14f: {  	[sflag:s17] =	ssyncadd.s32 $0xFFFFFB80  }
0x150: {  	_ =	swait.ge [sflag:s17], $0x480  }
0x151: {  	[sflag:s17] =	ssyncset.done $0x0  }
0x152: {  	[sflag:s17] =	ssyncadd.s32 $0xFFFFFB80  }
0x153: {  	_ =	swait.ge [sflag:s17], $0x480  }
0x154: {  	[sflag:s17] =	ssyncset.done $0x0  }
0x155: {  	[sflag:s17] =	ssyncadd.s32 $0xFFFFFB80  }
0x156: {  	_ =	swait.ge [sflag:s17], $0x480  }
0x157: {  	[sflag:s17] =	ssyncset.done $0x0  }
0x158: {  	[sflag:s17] =	ssyncadd.s32 $0xFFFFFB80  }
0x159: {  	_ =	swait.ge [sflag:s17], $0x480  }
0x15a: {  	[sflag:s17] =	ssyncset.done $0x0  }
0x15b: {  	[sflag:s17] =	ssyncadd.s32 $0xFFFFFB80  }
0x15c: {  	_ =	swait.ge [sflag:s17], $0x480  }
0x15d: {  	[sflag:s17] =	ssyncset.done $0x0  }
0x15e: {  	s0 =	simm.s32 @!p2 $0x2;
	[sflag:s17] =	ssyncadd.s32 $0xFFFFFB80  }
0x15f: {  	_ =	swait.ge @!p2 [sflag:s0], $0x480  }
0x160: {  	[sflag:s0] =	ssyncset.done @!p2 $0x0  }
0x161: {  	[sflag:s0] =	ssyncadd.s32 @!p2 $0xFFFFFB80;
	s0 =	simm.s32 @p4 $0x2  }
0x162: {  	_ =	swait.ge @p4 [sflag:s0], $0x400  }
0x163: {  	s23 =	sld [smem:$0x7F9];
	_ =	sdelay $0x1  }
0x164: {  	s10 =	simm.s32 $0x2880;
	s29 =	simm.s32 $0xD;
	s11 =	simm.s32 $0x2900  }
0x165: {  	s2 =	simm.s32 $0x4;
	s24 =	rddreg [dreg:$0x1c];
	s19 =	sadd.s32 $0x1, s23  }
0x166: {  	s5 =	simm.s32 $0x9580;
	s1 =	smov.u32 s12;
	p5 =	sne.s32 s19, s24  }
.Ltmp2:
0x167: {  	s16 =	simm.s32 $0x4D80;
	s6 =	simm.s32 $0x6;
	(pc) =	sbr.rel @p5 .LBB2_1-.Ltmp2, $4  }
0x168: {  	s13 =	simm.s32 $0xA;
	s4 =	simm.s32 $0x7180;
	s18 =	simm.s32 $0xB  }
0x169: {  	s20 =	simm.s32 $0x0;
	s21 =	simm.s32 $0x8;
	s22 =	simm.s32 $0xC  }
0x16a: {  	s7 =	simm.s32 $0x2780;
	s3 =	simm.s32 $0x2800;
	[sflag:s0] =	ssyncset.done @p4 $0x0  }
0x16b: {  	[sflag:s0] =	ssyncadd.s32 @p4 $0xFFFFFC00;
	s23 =	simm.s32 $0x5;
	s24 =	simm.s32 $0x9  }
0x16c: {  	_ =	sfence.sel $0x180000  }
0x16d: {  	[bflag:$0x0] =	sbarrier.arrive $0xFFFF  }
0x16e: {  	_ =	strace $0x90000047  }
0x16f: {  	s0 =	stileid.u32;
	[bflag:$0x2] =	sbarrier.arrive $0xFFFF  }
0x170: {  	p0 =	sne.s32 s0, $0x0;
	s0 =	rddreg [dreg:$0x4]  }
0x171: {  	s0 =	sadd.s32 @!p0 $0x100000, s0  }
0x172: {  	[sflag:s0] =	ssyncadd.tile.s32 @!p0 $0x1;
	_ =	shalt  }
.Lfunc_end2:
_tile_overlayer_lowered:
.L_overlay_start_2:
0x173: {  	(tag) =	ssettag $0x2  }
0x174: {  	s0 =	rddreg [dreg:$0x0];
	s2 =	stileid.u32  }
0x175: {  	s1 =	rddreg [dreg:$0x1];
	p0 =	sne.s32 s2, $0x0  }
0x176: {  	s3 =	rddreg [dreg:$0x2];
	[bflag:$0x3] =	sbarrier.arrive $0xFFFF;
	s2 =	simm.s32 @!p0 $0x1C0F  }
0x177: {  	[timem:s3], [sflag:s2] =	dma.local @!p0 [hbm:s0], s1  }
0x178: {  	s0 =	simm.s32 @!p0 $0xF  }
0x179: {  	_ =	swait.ge @!p0 [sflag:s0], s1  }
0x17a: {  	s1 =	ssub.s32 @!p0 $0x0, s1;
	[sflag:s0] =	ssyncset.done @!p0 $0x0  }
0x17b: {  	[sflag:s0] =	ssyncadd.s32 @!p0 s1  }
0x17c: {  	[bflag:$0x3] =	sbarrier.arrive $0xFFFF  }
0x17d: {  	_ =	shalt  }

// kernel: kernel.9.cloned.1.call-start
scs
__scs_entry_jumppad:
0x0: {  	(pc) =	sbr.rel $0x88, $3  }
0x1: {  	(tag) =	ssettag $0x0;
	lr =	simm.s32 $0x1  }
0x2: {  	[smem:$0x3F9D] =	sst lr;
	_ =	strace $0xD0000000  }
0x3: {  	_ = 	snop  }
0x4: {  	_ = 	snop  }
0x5: {  	_ = 	snop  }
0x6: {  	_ = 	snop  }
0x7: {  	_ = 	snop  }
__scs_overlays_trampoline_lowered:
0x8: {  	[smem:$0x3FAC] =	sst s0  }
0x9: {  	[smem:$0x3FAD] =	sst s1  }
0xa: {  	[smem:$0x3FAE] =	sst s2  }
0xb: {  	[smem:$0x3FAF] =	sst s3  }
0xc: {  	[smem:$0x3FB0] =	sst s4  }
0xd: {  	[smem:$0x3FB1] =	sst s5  }
0xe: {  	[smem:$0x3FB2] =	sst s6  }
0xf: {  	[smem:$0x3FB3] =	sst s7  }
0x10: {  	[smem:$0x3FB4] =	sst s8  }
0x11: {  	[smem:$0x3FB5] =	sst s9;
	s0 =	simm.s32 @!p0 $0x0  }
0x12: {  	s1 =	sld [smem:$0x3F9B];
	s0 =	simm.s32 @p0 $0x1  }
0x13: {  	[smem:$0x3FB6] =	sst s0;
	s0 =	simm.s32 @!p1 $0x0  }
0x14: {  	s2 =	sld [smem:$0x3F9A];
	s0 =	simm.s32 @p1 $0x1  }
0x15: {  	[smem:$0x3FB7] =	sst s0;
	s0 =	simm.s32 @!p2 $0x0  }
0x16: {  	s3 =	sld [smem:$0x3FDB];
	s0 =	simm.s32 @p2 $0x1  }
0x17: {  	s4 =	simm.s32 $0x1BF5;
	[smem:$0x3FB9] =	sst s0  }
0x18: {  	s0 =	sld [smem:$0x3F9C];
	_ =	swait.ge [sflag:s4], $0x0  }
0x19: {  	s7 =	sld [smem:$0x3F9D]  }
0x1a: {  	s8 =	sadd.s32 $0xFFFFE003, lr  }
0x1b: {  	s9 =	sadd.s32 $0xFFFFFEF7, lr;
	s5 =	simm.s32 $0xFFFFFFFF;
	p2 =	slt.u32 s8, $0xFFFFF086  }
0x1c: {  	p1 =	slt.u32 s9, $0xF7A;
	s5 =	simm.s32 @!p2 $0x0  }
0x1d: {  	s5 =	simm.s32 @p1 $0x1;
	p0 =	seq.s32 s7, s2  }
0x1e: {  	s7 =	smul.u32 @!p0 $0xF7A, s2;
	p2 =	seq.s32 @!p0 s5, $0x0  }
0x1f: {  	s9 =	smul.u32 $0xF7A, s1;
	s8 =	simm.s32 @!p0 $0x1BF5;
	p2 =	por !p2, p0  }
0x20: {  	[sflag:s8] =	ssyncset.s32 @!p0 $0xFFFFF086;
	s6 =	sadd.s32 @!p0 s3, s7;
	s7 =	simm.s32 @!p0 $0x108  }
0x21: {  	s3 =	sadd.s32 s3, s9;
	s6 =	sadd.s32 @!p0 $0x88, s6;
	s7 =	simm.s32 @p2 $0x1082  }
0x22: {  	[simem:s7], [sflag:s8] =	dma.local @!p0 [hbm:s6], $0xF7A  }
0x23: {  	s9 =	sor.u32 $0xD0000000, s2;
	s6 =	simm.s32 $0x108;
	_ =	swait.ge @!p0 [sflag:s8], $0x0  }
0x24: {  	s3 =	sadd.s32 $0x88, s3;
	s6 =	simm.s32 @!p1 $0x1082;
	[sflag:s4] =	ssyncset.s32 $0xFFFFF086  }
0x25: {  	[simem:s6], [sflag:s4] =	dma.local [hbm:s3], $0xF7A  }
0x26: {  	[smem:$0x3F9D] =	sst s1;
	(tag) =	ssettag s2;
	_ =	strace s9  }
0x27: {  	s1 =	sld [smem:$0x3FAD]  }
0x28: {  	s2 =	sld [smem:$0x3FAE]  }
0x29: {  	s4 =	sld [smem:$0x3FB0]  }
0x2a: {  	p0 =	seq.s32 s5, $0x0;
	s5 =	sld [smem:$0x3FB1]  }
0x2b: {  	s6 =	sld [smem:$0x3FB2]  }
0x2c: {  	s7 =	sld [smem:$0x3FB3]  }
0x2d: {  	s3 =	simm.s32 $0x108;
	s8 =	sld [smem:$0x3FB4]  }
0x2e: {  	s3 =	simm.s32 @!p0 $0x1082;
	s9 =	sld [smem:$0x3FB5]  }
0x2f: {  	lr =	sadd.s32 s0, s3;
	s0 =	sld [smem:$0x3FAC]  }
0x30: {  	s3 =	sld [smem:$0x3FAF]  }
0x31: {  	[smem:$0x3FB8] =	sst s10  }
0x32: {  	s10 =	sld [smem:$0x3FB6];
	_ =	sdelay $0x3  }
0x33: {  	p0 =	seq.s32 s10, $0x1;
	s10 =	sld [smem:$0x3FB8];
	_ =	sdelay $0x3  }
0x34: {  	[smem:$0x3FB8] =	sst s10  }
0x35: {  	s10 =	sld [smem:$0x3FB7];
	_ =	sdelay $0x3  }
0x36: {  	p1 =	seq.s32 s10, $0x1;
	s10 =	sld [smem:$0x3FB8];
	_ =	sdelay $0x3  }
0x37: {  	[smem:$0x3FB8] =	sst s10  }
0x38: {  	s10 =	sld [smem:$0x3FB9]  }
0x39: {  	_ = 	snop;
	(pc) =	sbr.ind lr, $3  }
0x3a: {  	_ = 	snop  }
0x3b: {  	_ = 	snop  }
0x3c: {  	p2 =	seq.s32 s10, $0x1;
	s10 =	sld [smem:$0x3FB8]  }
0x3d: {  	_ =	shalt  }
0x3e: {  	_ =	shalt  }
0x3f: {  	_ =	shalt  }
0x40: {  	_ =	shalt  }
0x41: {  	_ =	shalt  }
0x42: {  	_ =	shalt  }
0x43: {  	_ =	shalt  }
0x44: {  	_ =	shalt  }
0x45: {  	_ =	shalt  }
0x46: {  	_ =	shalt  }
0x47: {  	_ =	shalt  }
0x48: {  	_ =	shalt  }
0x49: {  	_ =	shalt  }
0x4a: {  	_ =	shalt  }
0x4b: {  	_ =	shalt  }
0x4c: {  	_ =	shalt  }
0x4d: {  	_ =	shalt  }
0x4e: {  	_ =	shalt  }
0x4f: {  	_ =	shalt  }
0x50: {  	_ =	shalt  }
0x51: {  	_ =	shalt  }
0x52: {  	_ =	shalt  }
0x53: {  	_ =	shalt  }
0x54: {  	_ =	shalt  }
0x55: {  	_ =	shalt  }
0x56: {  	_ =	shalt  }
0x57: {  	_ =	shalt  }
0x58: {  	_ =	shalt  }
0x59: {  	_ =	shalt  }
0x5a: {  	_ =	shalt  }
0x5b: {  	_ =	shalt  }
0x5c: {  	_ =	shalt  }
0x5d: {  	_ =	shalt  }
0x5e: {  	_ =	shalt  }
0x5f: {  	_ =	shalt  }
0x60: {  	_ =	shalt  }
0x61: {  	_ =	shalt  }
0x62: {  	_ =	shalt  }
0x63: {  	_ =	shalt  }
0x64: {  	_ =	shalt  }
0x65: {  	_ =	shalt  }
0x66: {  	_ =	shalt  }
0x67: {  	_ =	shalt  }
0x68: {  	_ =	shalt  }
0x69: {  	_ =	shalt  }
0x6a: {  	_ =	shalt  }
0x6b: {  	_ =	shalt  }
0x6c: {  	_ =	shalt  }
0x6d: {  	_ =	shalt  }
0x6e: {  	_ =	shalt  }
0x6f: {  	_ =	shalt  }
0x70: {  	_ =	shalt  }
0x71: {  	_ =	shalt  }
0x72: {  	_ =	shalt  }
0x73: {  	_ =	shalt  }
0x74: {  	_ =	shalt  }
0x75: {  	_ =	shalt  }
0x76: {  	_ =	shalt  }
0x77: {  	_ =	shalt  }
0x78: {  	_ =	shalt  }
0x79: {  	_ =	shalt  }
0x7a: {  	_ =	shalt  }
0x7b: {  	_ =	shalt  }
0x7c: {  	_ =	shalt  }
0x7d: {  	_ =	shalt  }
0x7e: {  	_ =	shalt  }
0x7f: {  	_ =	shalt  }
0x80: {  	_ =	shalt  }
0x81: {  	_ =	shalt  }
0x82: {  	_ =	shalt  }
0x83: {  	_ =	shalt  }
0x84: {  	_ =	shalt  }
0x85: {  	_ =	shalt  }
0x86: {  	_ =	shalt  }
0x87: {  	_ =	shalt  }
.Lfunc_end0:
.L_simem_size_0:
called_computation.1_lowered:
.L_overlay_start_0:
0x88: {  	s2 =	sld [smem:$0x3FD9]  }
0x89: {  	s3 =	sld [smem:$0x3FFE];
	_ =	sdelay $0x1  }
0x8a: {  	s1 =	srdreg.scid  }
0x8b: {  	s0 =	sand.u32 $0x1, s1  }
0x8c: {  	s17 =	sshll.u32 s0, $0xA;
	s2 =	sadd.s32 s3, s2  }
0x8d: {  	s2 =	sadd.s32 s2, s17  }
0x8e: {  	[smem:$0x3FC4] =	sst s2  }
0x8f: {  	_ = 	snop  }
0x90: {  	s2 =	sld [smem:$0x3FD0];
	(tm) =	ssettm $0x1  }
0x91: {  	s18 =	sld [smem:$0x3FFB];
	_ =	sdelay $0x3  }
0x92: {  	_ =	strace s18  }
0x93: {  	s3 =	sld [smem:$0x3FFC];
	_ =	sdelay $0x3  }
0x94: {  	_ =	strace s3  }
0x95: {  	s3 =	sld [smem:$0x3FFD];
	_ =	sdelay $0x3  }
0x96: {  	_ =	strace s3  }
0x97: {  	_ =	strace $0x8FFFFFFF  }
0x98: {  	s19 =	sld [smem:$0x3FDB];
	_ =	sdelay $0x1  }
0x99: {  	s4 =	simm.s32 $_scs_section_size  }
0x9a: {  	s5 =	simm.s32 $_size__tile_overlayer_lowered;
	s6 =	simm.s32 $_tile_overlayer_lowered  }
0x9b: {  	s22 =	simm.s32 $0x1BFF;
	s21 =	sshll.u32 s6, $0x1;
	s3 =	sadd.s32 s4, s19  }
0x9c: {  	s7 =	simm.s32 $0x0;
	s20 =	sshll.u32 s5, $0x1;
	s5 =	sadd.s32 s21, s3  }
0x9d: {  	[timem:s7], [sflag:s22] =	dma.local [hbm:s5], s20  }
0x9e: {  	_ =	swait.ge [sflag:s22], s20  }
0x9f: {  	s4 =	ssub.s32 $0x0, s20;
	[sflag:s22] =	ssyncset.done $0x0  }
0xa0: {  	[sflag:s22] =	ssyncadd.s32 s4;
	_ =	sdelay $0x1  }
0xa1: {  	s23 =	simm.s32 $0x1B8B  }
0xa2: {  	_ =	swait.ge [sflag:s23], $0x1  }
0xa3: {  	[sflag:s23] =	ssyncset.done $0x0  }
0xa4: {  	s25 =	simm.s32 $0x1B8E;
	s24 =	sld [smem:$0x3FFE];
	[sflag:s23] =	ssyncadd.s32 $0xFFFFFFFF  }
0xa5: {  	s26 =	simm.s32 $execute0_lowered;
	[smem:$0x3FD2] =	sst s25  }
0xa6: {  	s5 =	sshll.u32 s26, $0x1;
	_ =	strace $0x80000049;
	[dreg:$0x1] =	wrdreg $0xFFFFFFFF  }
0xa7: {  	s28 =	simm.s32 $_size_execute0_lowered;
	s3 =	sadd.s32 s3, s5;
	[dreg:$0x0] =	wrdreg $0x0  }
0xa8: {  	s5 =	sshll.u32 s28, $0x1;
	[dreg:$0x2] =	wrdreg s3  }
0xa9: {  	[dreg:$0x3] =	wrdreg s5  }
0xaa: {  	[dreg:$0x4] =	wrdreg $0xC0  }
0xab: {  	_ =	task [dreg:s7], $0x5FFFF  }
0xac: {  	[dreg:$0x1] =	wrdreg $0xFFFFFFFF  }
0xad: {  	[dreg:$0x0] =	wrdreg $0x60  }
0xae: {  	[dreg:$0x2] =	wrdreg s24  }
0xaf: {  	[dreg:$0x3] =	wrdreg s2  }
0xb0: {  	[dreg:$0x4] =	wrdreg $0xB9800  }
0xb1: {  	[dreg:$0x5] =	wrdreg $0x9  }
0xb2: {  	_ =	task.clear_ibuf [dreg:s7], $0x6FFFF;
	_ =	strace $0x90000049  }
0xb3: {  	s29 =	simm.s32 $0x9;
	_ =	strace $0x8000004B  }
0xb4: {  	_ =	swait.ge [sflag:s29], $0x1  }
0xb5: {  	[sflag:s29] =	ssyncadd.s32 $0xFFFFFFFF  }
0xb6: {  	_ =	strace $0x9000004B  }
0xb7: {  	_ =	sfence  }
0xb8: {  	s30 =	sld [smem:$0x0];
	_ =	sdelay $0x2  }
0xb9: {  	s31 =	sshll.u32 s1, $0xD;
	s1 =	sshrl.u32 s1, $0x2  }
0xba: {  	s3 =	sand.u32 $0x4000, s31;
	s1 =	sadd.s32 s1, s30  }
0xbb: {  	s0 =	sor.u32 s3, s0;
	s1 =	sshll.u32 s1, $0x11  }
0xbc: {  	s0 =	sor.u32 s1, s0  }
0xbd: {  	s0 =	sadd.s32 $0x8F2B, s0  }
0xbe: {  	[sflag:s0] =	ssyncadd.remote.s32 $0x1  }
0xbf: {  	_ =	sfence.sel $0xFFFF  }
0xc0: {  	[dreg:$0x0] =	wrdreg $0xFFFFFFFF;
	(pc) =	sbr.abs _section_cstart, $3  }
0xc1: {  	[dreg:$0x1] =	wrdreg $0xFFFFFFFF  }
0xc2: {  	_ =	task.clear_ibuf [dreg:s7], $0x2FFFF;
	_ =	strace $0x9FFFFFFF  }
0xc3: {  	(tm) =	ssettm $0x7FFFFFFF  }
tec
execute0_lowered:
.L_overlay_start_1:
0x0: {  	(tag) =	ssettag $0x1  }
0x1: {  	s0 =	srdreg.scid;
	s6 =	rddreg [dreg:$0x0]  }
0x2: {  	s20 =	stileid.u32;
	s8 =	rddreg [dreg:$0x1]  }
0x3: {  	s29 =	simm.s32 $0x0;
	s11 =	sand.u32 $0x1, s0;
	s21 =	smul.u32 $0x2400, s20  }
0x4: {  	s18 =	sshll.u32 s20, $0x1;
	s14 =	sor.u32 $0x10, s20;
	s13 =	smul.u32 $0x138800, s11  }
0x5: {  	[smem:$0x7FF] =	sst s29;
	s15 =	sor.u32 $0x20, s20;
	s16 =	smul.u32 $0x2400, s14  }
0x6: {  	s10 =	sor.u32 $0x30, s20;
	s0 =	sor.u32 s11, s18;
	s18 =	smul.u32 $0x2400, s15  }
0x7: {  	s12 =	sadd.s32 $0x32600, s6;
	s3 =	sor.u32 $0x50, s20;
	s23 =	smul.u32 $0x2400, s10  }
0x8: {  	s7 =	sor.u32 $0x40, s20;
	s4 =	sor.u32 $0x60, s20;
	s1 =	smul.u32 $0x2400, s3  }
0x9: {  	s5 =	sor.u32 $0x70, s20;
	p0 =	sgt.u32 s20, $0xA;
	s10 =	smul.u32 $0x9000, s10  }
0xa: {  	p2 =	sgt.u32 s20, $0x9;
	s2 =	ssub.s32 $0x2, s11;
	s3 =	smul.u32 $0x9000, s3  }
0xb: {  	p3 =	sne.s32 @!p0 s20, $0x0;
	s9 =	smul.u32 $0x2760, s0;
	s19 =	sshrl.u32 s2, $0x1  }
0xc: {  	p1 =	por p3, p0;
	p3 =	por !p3, p0;
	s0 =	ssub.s32 s2, s19  }
0xd: {  	s2 =	sadd.s32 s21, s13;
	s16 =	sadd.s32 s13, s16;
	s22 =	sadd.s32 s13, s18  }
0xe: {  	s19 =	smul.u32 $0x2400, s7;
	s25 =	sadd.s32 s13, s23;
	s21 =	sadd.s32 s13, s1  }
0xf: {  	s7 =	smul.u32 $0x9000, s7;
	s3 =	sshrl.u32 s3, $0x2;
	s17 =	sshrl.u32 s2, $0x3  }
0x10: {  	s2 =	sor.u32 $0x80, s20;
	s26 =	sadd.s32 s13, s19;
	s19 =	smul.u32 $0x2400, s4  }
0x11: {  	s16 =	sshrl.u32 s16, $0x3;
	s0 =	smax.u32 s0, $0x1;
	s23 =	smul.u32 $0x2400, s2  }
0x12: {  	s17 =	sadd.s32 s12, s17;
	s16 =	sadd.s32 s12, s16;
	s4 =	smul.u32 $0x9000, s4  }
0x13: {  	s2 =	smul.u32 $0x9000, s2;
	[dreg:$0x4] =	wrdreg s17;
	s17 =	sshrl.u32 s22, $0x3  }
0x14: {  	[dreg:$0x5] =	wrdreg s16;
	s16 =	sshrl.u32 s25, $0x3;
	s22 =	smul.u32 $0x2400, s5  }
0x15: {  	s5 =	smul.u32 $0x9000, s5;
	s24 =	sadd.s32 s12, s17;
	s16 =	sadd.s32 s12, s16  }
0x16: {  	s17 =	sshrl.u32 s26, $0x3;
	s1 =	sadd.s32 s13, s23;
	[dreg:$0x6] =	wrdreg s24  }
0x17: {  	s2 =	sshrl.u32 s2, $0x2;
	[dreg:$0x7] =	wrdreg s16;
	s16 =	sadd.s32 s12, s17  }
0x18: {  	s17 =	sadd.s32 s13, s19;
	s25 =	sadd.s32 s13, s22;
	s18 =	sshrl.u32 s1, $0x3  }
0x19: {  	s19 =	smul.u32 $0x2760, s11;
	s13 =	sshrl.u32 s13, $0x3;
	s22 =	sshrl.u32 s9, $0x3  }
0x1a: {  	s1 =	smul.u32 $0x9000, s20;
	[dreg:$0x8] =	wrdreg s16;
	s16 =	sshrl.u32 s21, $0x3  }
0x1b: {  	s24 =	sshrl.u32 s17, $0x3;
	s26 =	sshrl.u32 s25, $0x3;
	s21 =	smul.u32 $0x4EC0, s20  }
0x1c: {  	s23 =	sadd.s32 s8, s22;
	s25 =	sadd.s32 $0x48, s9;
	s9 =	sadd.s32 $0xD8, s9  }
0x1d: {  	s20 =	simm.s32 $0xB;
	s16 =	sadd.s32 s12, s16;
	s8 =	sshrl.u32 s25, $0x3  }
0x1e: {  	s11 =	sshrl.u32 s9, $0x3;
	[dreg:$0x9] =	wrdreg s16;
	s16 =	sadd.s32 s12, s24  }
0x1f: {  	s25 =	sshrl.u32 s4, $0x2;
	s4 =	simm.s32 $0x9580;
	[dreg:$0xa] =	wrdreg s16  }
0x20: {  	s24 =	smul.u32 $0x9000, s14;
	s16 =	sadd.s32 s12, s26;
	s26 =	rddreg [dreg:$0x2]  }
0x21: {  	[dreg:$0xb] =	wrdreg s16;
	s16 =	sadd.s32 s12, s18;
	s12 =	sadd.s32 s12, s13  }
0x22: {  	s13 =	sadd.s32 $0xB400, s6;
	s18 =	sadd.s32 $0x1600, s6;
	s6 =	sshrl.u32 s24, $0x2  }
0x23: {  	s24 =	sshrl.u32 s7, $0x2;
	s31 =	sadd.s32 s3, s26;
	[dreg:$0xc] =	wrdreg s16  }
0x24: {  	s8 =	sadd.s32 s18, s8;
	_ =	strace $0x8000004A;
	[dreg:$0xd] =	wrdreg s23  }
0x25: {  	s3 =	sadd.s32 s25, s26;
	s2 =	sadd.s32 s2, s26;
	[dreg:$0xf] =	wrdreg s8  }
0x26: {  	s25 =	sadd.s32 $0x136800, s26;
	s16 =	sadd.s32 s19, s21;
	[dreg:$0x17] =	wrdreg s3  }
0x27: {  	s14 =	sadd.s32 s6, s26;
	s6 =	sadd.s32 $0x26D00, s12;
	[dreg:$0x19] =	wrdreg s2  }
0x28: {  	s17 =	sadd.s32 s18, s22;
	s19 =	smul.u32 $0x9000, s15;
	[dreg:$0x1a] =	wrdreg s6  }
0x29: {  	s21 =	sshrl.u32 s1, $0x2;
	s7 =	smov.u32 s18;
	[dreg:$0x1b] =	wrdreg s0  }
0x2a: {  	s30 =	sadd.s32 s24, s26;
	s24 =	sadd.s32 $0x138C00, s26;
	[dreg:$0xe] =	wrdreg s17  }
0x2b: {  	s1 =	sshrl.u32 s5, $0x2;
	s8 =	sadd.s32 s18, s11;
	[smem:$0x7FC] =	sst s24  }
0x2c: {  	s23 =	sshrl.u32 s10, $0x2;
	s5 =	sadd.s32 s1, s26;
	[smem:$0x7FD] =	sst s25  }
0x2d: {  	s9 =	sadd.s32 $0x1F8, s16;
	s12 =	sadd.s32 $0x1B0, s16;
	[dreg:$0x12] =	wrdreg s14  }
0x2e: {  	s2 =	simm.s32 $0x2780;
	s6 =	simm.s32 $0x2800;
	[dreg:$0x15] =	wrdreg s30  }
0x2f: {  	s3 =	simm.s32 $0x7180;
	s24 =	simm.s32 $0x9;
	[dreg:$0x16] =	wrdreg s31  }
0x30: {  	s25 =	simm.s32 $0xD;
	s1 =	simm.s32 $0x0;
	[dreg:$0x10] =	wrdreg s8  }
0x31: {  	s8 =	sadd.s32 s21, s26;
	s22 =	sshrl.u32 s19, $0x2;
	s10 =	sadd.s32 s23, s26  }
0x32: {  	[dreg:$0x18] =	wrdreg s5;
	s11 =	sshrl.u32 s9, $0x3;
	s15 =	sshrl.u32 s12, $0x3  }
0x33: {  	s19 =	sadd.s32 $0x168, s16;
	s23 =	sadd.s32 $0x12, s17;
	s17 =	simm.s32 $0x2880  }
0x34: {  	s9 =	simm.s32 $0x2900;
	s5 =	simm.s32 $0x6;
	[smem:$0x7FB] =	sst s23  }
0x35: {  	s28 =	sadd.s32 s22, s26;
	s0 =	sadd.s32 s11, s18;
	[dreg:$0x11] =	wrdreg s8  }
0x36: {  	s21 =	sshrl.u32 s19, $0x3;
	s22 =	sadd.s32 $0x120, s16;
	[dreg:$0x14] =	wrdreg s10  }
0x37: {  	s16 =	simm.s32 $0x4D80;
	s23 =	simm.s32 $0x5;
	[dreg:$0x1c] =	wrdreg s0  }
0x38: {  	s11 =	simm.s32 $0xA;
	s19 =	simm.s32 $0x4D80;
	[dreg:$0x1f] =	wrdreg s22  }
0x39: {  	s0 =	sadd.s32 s15, s18;
	s15 =	simm.s32 $0x48;
	[dreg:$0x13] =	wrdreg s28  }
0x3a: {  	s22 =	simm.s32 $0xC;
	[dreg:$0x1d] =	wrdreg s0;
	s0 =	sadd.s32 s21, s18  }
0x3b: {  	v0 =	vimm.f32 $0.0e+00;
	s18 =	simm.s32 $0x2;
	s21 =	simm.s32 $0x8;
	[dreg:$0x1e] =	wrdreg s0  }
.LBB2_1:
0x3c: {  	[smem:$0x7FA] =	sst s1  }
0x3d: {  	s0 =	rddreg [dreg:$0xd]  }
0x3e: {  	s1 =	rddreg [dreg:$0xe]  }
0x3f: {  	[tilespmem:s29], [sflag:$0x1] =	stream.linear.gather [hbm4b:s0+s29], $0x2760, $0x38;
	[tilespmem:$0x1F280] =	vst v63  }
0x40: {  	s12 =	sld [smem:$0x7FB]  }
0x41: {  	[tilespmem:s2], [sflag:$0x3] =	stream.linear.gather [hbm4b:s1+s29], $0x48, $0x38;
	[tilespmem:$0x1F280] =	vst v63  }
0x42: {  	s2 =	rddreg [dreg:$0xf]  }
0x43: {  	[tilespmem:s6], [sflag:$0x4] =	stream.linear.gather [hbm4b:s2+s29], $0x48, $0x38;
	[tilespmem:$0x1F280] =	vst v63  }
0x44: {  	_ = 	snop  }
0x45: {  	[tilespmem:s17], [sflag:$0x5] =	stream.linear.gather [hbm4b:s12+s29], $0x48, $0x38;
	[tilespmem:$0x1F280] =	vst v63  }
0x46: {  	s1 =	rddreg [dreg:$0x10];
	s2 =	simm.s32 $0x1  }
0x47: {  	[tilespmem:s9], [sflag:$0x6] =	stream.linear.gather [hbm4b:s1+s29], $0x48, $0x38;
	[tilespmem:$0x1F280] =	vst v63  }
0x48: {  	_ =	swait.ge [sflag:s2], $0x2760  }
0x49: {  	[sflag:s2] =	ssyncset.done $0x0  }
0x4a: {  	[sflag:s2] =	ssyncadd.s32 $0xFFFFD8A0  }
0x4b: {  	[tilespmem:s16], [sflag:$0x8] =	stream.indirect.gather [hbm4b:s13+s15], $0x80, s15, s15, $0xb8;
	[tilespmem:$0x1F280] =	vst v63  }
0x4c: {  	s9 =	simm.s32 $0x90  }
0x4d: {  	[tilespmem:s3], [sflag:$0x9] =	stream.indirect.gather [hbm4b:s13+s15], $0x80, s9, s15, $0xb8;
	[tilespmem:$0x1F280] =	vst v63  }
0x4e: {  	s0 =	simm.s32 $0x70;
	s12 =	simm.s32 $0xD8;
	s2 =	simm.s32 $0x3C0  }
0x4f: {  	[tilespmem:s4], [sflag:$0xA] =	stream.indirect.gather [hbm4b:s13+s15], $0x80, s12, s15, $0xb8;
	[tilespmem:$0x1F280] =	vst v63  }
.LBB2_2:
0x50: {  	p4 =	sne.s32 s2, $0x8FC0;
	[tilespmem:s0+$0x2980] =	vst v0  }
0x51: {  	[tilespmem:s0+$0x2910] =	vst v0  }
0x52: {  	[tilespmem:s0+$0x2920] =	vst v0  }
.Ltmp0:
0x53: {  	[tilespmem:s0+$0x2930] =	vst v0;
	(pc) =	sbr.rel @p4 .LBB2_2-.Ltmp0, $4  }
0x54: {  	[tilespmem:s0+$0x2940] =	vst v0  }
0x55: {  	[tilespmem:s0+$0x2950] =	vst v0  }
0x56: {  	[tilespmem:s0+$0x2960] =	vst v0  }
0x57: {  	[tilespmem:s0+$0x2970] =	vst v0;
	s0 =	sshra.s32 s2, $0x2;
	s2 =	sadd.s32 $0x200, s2  }
0x58: {  	[tilespmem:s0+$0x2980] =	vst v0  }
0x59: {  	[tilespmem:s0+$0x2910] =	vst v0  }
0x5a: {  	[tilespmem:s0+$0x2920] =	vst v0  }
0x5b: {  	[tilespmem:s0+$0x2930] =	vst v0  }
0x5c: {  	[tilespmem:s0+$0x2940] =	vst v0  }
0x5d: {  	[tilespmem:s0+$0x2950] =	vst v0  }
0x5e: {  	[tilespmem:s0+$0x2960] =	vst v0  }
0x5f: {  	[tilespmem:s0+$0x2970] =	vst v0;
	s1 =	simm.s32 $0x2980  }
0x60: {  	[spmem:s8] =	stream.linear.scatter [tilespmem:s1], [sflag:$0x2], $0x2400, $0x38;
	[tilespmem:$0x1F280] =	vst v63  }
0x61: {  	_ = 	snop  }
0x62: {  	[spmem:s14] =	stream.linear.scatter [tilespmem:s1], [sflag:$0x2], $0x2400, $0x38;
	[tilespmem:$0x1F280] =	vst v63  }
0x63: {  	_ = 	snop  }
0x64: {  	[spmem:s28] =	stream.linear.scatter [tilespmem:s1], [sflag:$0x2], $0x2400, $0x38;
	[tilespmem:$0x1F280] =	vst v63  }
0x65: {  	_ = 	snop  }
0x66: {  	[spmem:s10] =	stream.linear.scatter [tilespmem:s1], [sflag:$0x2], $0x2400, $0x38;
	[tilespmem:$0x1F280] =	vst v63  }
0x67: {  	_ = 	snop  }
0x68: {  	[spmem:s30] =	stream.linear.scatter [tilespmem:s1], [sflag:$0x2], $0x2400, $0x38;
	[tilespmem:$0x1F280] =	vst v63  }
0x69: {  	_ = 	snop  }
0x6a: {  	[spmem:s31] =	stream.linear.scatter [tilespmem:s1], [sflag:$0x2], $0x2400, $0x38;
	[tilespmem:$0x1F280] =	vst v63  }
0x6b: {  	s9 =	rddreg [dreg:$0x17]  }
0x6c: {  	[spmem:s9] =	stream.linear.scatter [tilespmem:s1], [sflag:$0x2], $0x2400, $0x38;
	[tilespmem:$0x1F280] =	vst v63  }
0x6d: {  	s10 =	rddreg [dreg:$0x18]  }
0x6e: {  	[spmem:s10] =	stream.linear.scatter [tilespmem:s1], [sflag:$0x2], $0x2400, $0x38;
	[tilespmem:$0x1F280] =	vst v63  }
0x6f: {  	s0 =	simm.s32 @!p0 $0x2980;
	s2 =	rddreg [dreg:$0x19]  }
0x70: {  	[spmem:s2] =	stream.linear.scatter @!p0 [tilespmem:s0], [sflag:$0x2], $0x2400, $0x38;
	[tilespmem:$0x1F280] =	vst v63  }
0x71: {  	s2 =	sld [smem:$0x7FC];
	_ =	sdelay $0x1  }
0x72: {  	s0 =	simm.s32 @!p1 $0x2980  }
0x73: {  	[spmem:s2] =	stream.linear.scatter @!p1 [tilespmem:s0], [sflag:$0x2], $0x400, $0x38;
	[tilespmem:$0x1F280] =	vst v63  }
0x74: {  	_ =	swait.ge [sflag:s18], $0x2400  }
0x75: {  	[sflag:s18] =	ssyncset.done $0x0  }
0x76: {  	[sflag:s18] =	ssyncadd.s32 $0xFFFFDC00  }
0x77: {  	_ =	swait.ge [sflag:s18], $0x2400  }
0x78: {  	[sflag:s18] =	ssyncset.done $0x0  }
0x79: {  	[sflag:s18] =	ssyncadd.s32 $0xFFFFDC00  }
0x7a: {  	_ =	swait.ge [sflag:s18], $0x2400  }
0x7b: {  	[sflag:s18] =	ssyncset.done $0x0  }
0x7c: {  	[sflag:s18] =	ssyncadd.s32 $0xFFFFDC00  }
0x7d: {  	_ =	swait.ge [sflag:s18], $0x2400  }
0x7e: {  	[sflag:s18] =	ssyncset.done $0x0  }
0x7f: {  	[sflag:s18] =	ssyncadd.s32 $0xFFFFDC00  }
0x80: {  	_ =	swait.ge [sflag:s18], $0x2400  }
0x81: {  	[sflag:s18] =	ssyncset.done $0x0  }
0x82: {  	[sflag:s18] =	ssyncadd.s32 $0xFFFFDC00  }
0x83: {  	_ =	swait.ge [sflag:s18], $0x2400  }
0x84: {  	[sflag:s18] =	ssyncset.done $0x0  }
0x85: {  	[sflag:s18] =	ssyncadd.s32 $0xFFFFDC00  }
0x86: {  	_ =	swait.ge [sflag:s18], $0x2400  }
0x87: {  	[sflag:s18] =	ssyncset.done $0x0  }
0x88: {  	[sflag:s18] =	ssyncadd.s32 $0xFFFFDC00  }
0x89: {  	_ =	swait.ge [sflag:s18], $0x2400  }
0x8a: {  	p4 =	por @!p0 $0x0, $0x0;
	[sflag:s18] =	ssyncset.done $0x0  }
0x8b: {  	p5 =	por @!p1 $0x1, $0x1;
	s0 =	simm.s32 @!p0 $0x2;
	[sflag:s18] =	ssyncadd.s32 $0xFFFFDC00  }
0x8c: {  	p5 =	por @!p3 p4, p4;
	p4 =	por $0x0, $0x0;
	_ =	swait.ge @!p0 [sflag:s0], $0x2400  }
0x8d: {  	p4 =	por @!p0 p5, p5;
	[sflag:s0] =	ssyncset.done @!p0 $0x0  }
0x8e: {  	[sflag:s0] =	ssyncadd.s32 @!p0 $0xFFFFDC00;
	s0 =	simm.s32 @p4 $0x2  }
0x8f: {  	_ =	swait.ge @p4 [sflag:s0], $0x400  }
0x90: {  	[sflag:s0] =	ssyncset.done @p4 $0x0  }
0x91: {  	s12 =	simm.s32 $0x0;
	[sflag:s0] =	ssyncadd.s32 @p4 $0xFFFFFC00  }
0x92: {  	[tilespmem:s1], [sflag:$0x7] =	stream.indirect.gather [hbm4b:s13+s15], $0x80, s12, s15, $0xb8;
	[tilespmem:$0x1F280] =	vst v63  }
0x93: {  	s14 =	simm.s32 $0x3;
	[bflag:$0x0] =	sbarrier.arrive $0xFFFF  }
0x94: {  	_ =	swait.ge [sflag:s14], $0x48  }
0x95: {  	[sflag:s14] =	ssyncset.done $0x0  }
0x96: {  	s18 =	simm.s32 $0x7;
	[sflag:s14] =	ssyncadd.s32 $0xFFFFFFB8  }
0x97: {  	_ =	swait.ge [sflag:s18], $0x2400  }
0x98: {  	[sflag:s18] =	ssyncset.done $0x0  }
0x99: {  	s4 =	simm.s32 $0x2780;
	[sflag:s18] =	ssyncadd.s32 $0xFFFFDC00  }
0x9a: {  	[spmem:s26] =	stream.indirect.scatter.add.f32 [tilespmem:s1], [sflag:$0xB], $0x80, s4, s15, $0xb8;
	[tilespmem:$0x1F280] =	vst v63  }
0x9b: {  	_ =	swait.ge [sflag:s20], $0x2400  }
0x9c: {  	[sflag:s20] =	ssyncset.done $0x0;
	s8 =	rddreg [dreg:$0x1f]  }
0x9d: {  	s2 =	simm.s32 $0x120;
	[sflag:s20] =	ssyncadd.s32 $0xFFFFDC00;
	s20 =	sshrl.u32 s8, $0x3  }
0x9e: {  	[tilespmem:s1], [sflag:$0x7] =	stream.indirect.gather [hbm4b:s13+s15], $0x80, s2, s15, $0xb8;
	[tilespmem:$0x1F280] =	vst v63  }
0x9f: {  	s1 =	sadd.s32 s7, s20  }
0xa0: {  	[tilespmem:s4], [sflag:$0x3] =	stream.linear.gather [hbm4b:s1+s29], $0x48, $0x38;
	[tilespmem:$0x1F280] =	vst v63  }
0xa1: {  	s1 =	simm.s32 $0x4  }
0xa2: {  	_ =	swait.ge [sflag:s1], $0x48  }
0xa3: {  	[sflag:s1] =	ssyncset.done $0x0  }
0xa4: {  	[sflag:s1] =	ssyncadd.s32 $0xFFFFFFB8  }
0xa5: {  	_ =	swait.ge [sflag:s21], $0x2400  }
0xa6: {  	[sflag:s21] =	ssyncset.done $0x0  }
0xa7: {  	[sflag:s21] =	ssyncadd.s32 $0xFFFFDC00  }
0xa8: {  	[spmem:s26] =	stream.indirect.scatter.add.f32 [tilespmem:s16], [sflag:$0xC], $0x80, s6, s15, $0xb8;
	[tilespmem:$0x1F280] =	vst v63  }
0xa9: {  	_ =	swait.ge [sflag:s22], $0x2400  }
0xaa: {  	[sflag:s22] =	ssyncset.done $0x0  }
0xab: {  	s2 =	simm.s32 $0x168;
	[sflag:s22] =	ssyncadd.s32 $0xFFFFDC00  }
0xac: {  	[tilespmem:s16], [sflag:$0x8] =	stream.indirect.gather [hbm4b:s13+s15], $0x80, s2, s15, $0xb8;
	[tilespmem:$0x1F280] =	vst v63  }
0xad: {  	s4 =	rddreg [dreg:$0x1e]  }
0xae: {  	[tilespmem:s6], [sflag:$0x4] =	stream.linear.gather [hbm4b:s4+s29], $0x48, $0x38;
	[tilespmem:$0x1F280] =	vst v63  }
0xaf: {  	_ =	swait.ge [sflag:s23], $0x48  }
0xb0: {  	[sflag:s23] =	ssyncset.done $0x0  }
0xb1: {  	[sflag:s23] =	ssyncadd.s32 $0xFFFFFFB8  }
0xb2: {  	_ =	swait.ge [sflag:s24], $0x2400  }
0xb3: {  	[sflag:s24] =	ssyncset.done $0x0  }
0xb4: {  	[sflag:s24] =	ssyncadd.s32 $0xFFFFDC00  }
0xb5: {  	[spmem:s26] =	stream.indirect.scatter.add.f32 [tilespmem:s3], [sflag:$0xD], $0x80, s17, s15, $0xb8;
	[tilespmem:$0x1F280] =	vst v63  }
0xb6: {  	_ =	swait.ge [sflag:s25], $0x2400  }
0xb7: {  	[sflag:s25] =	ssyncset.done $0x0  }
0xb8: {  	s9 =	simm.s32 $0x1B0;
	[sflag:s25] =	ssyncadd.s32 $0xFFFFDC00  }
0xb9: {  	[tilespmem:s3], [sflag:$0x9] =	stream.indirect.gather [hbm4b:s13+s15], $0x80, s9, s15, $0xb8;
	[tilespmem:$0x1F280] =	vst v63  }
0xba: {  	s31 =	simm.s32 $0x480;
	s12 =	simm.s32 $0x2880;
	s14 =	rddreg [dreg:$0x1d]  }
0xbb: {  	[tilespmem:s12], [sflag:$0x5] =	stream.linear.gather [hbm4b:s14+s29], $0x48, $0x38;
	[tilespmem:$0x1F280] =	vst v63  }
0xbc: {  	s18 =	simm.s32 $0x9580;
	s0 =	sadd.s32 $0x120, s8;
	_ =	swait.ge [sflag:s5], $0x48  }
0xbd: {  	s20 =	simm.s32 $0xB;
	s21 =	simm.s32 $0x0;
	[sflag:s5] =	ssyncset.done $0x0  }
0xbe: {  	s22 =	simm.s32 $0x8;
	s10 =	sadd.s32 $0x24, s4;
	[sflag:s5] =	ssyncadd.s32 $0xFFFFFFB8  }
0xbf: {  	s16 =	simm.s32 $0xE;
	s23 =	simm.s32 $0xC;
	_ =	swait.ge [sflag:s11], $0x2400  }
0xc0: {  	s24 =	simm.s32 $0x5;
	s17 =	simm.s32 $0x2900;
	[sflag:s11] =	ssyncset.done $0x0  }
0xc1: {  	s25 =	simm.s32 $0x9;
	s28 =	sadd.s32 $0x24, s14;
	[sflag:s11] =	ssyncadd.s32 $0xFFFFDC00  }
0xc2: {  	[spmem:s26] =	stream.indirect.scatter.add.f32 [tilespmem:s18], [sflag:$0xE], $0x80, s17, s15, $0xb8;
	[tilespmem:$0x1F280] =	vst v63  }
0xc3: {  	s9 =	simm.s32 $0xD;
	s29 =	simm.s32 $0x1F8;
	_ =	swait.ge [sflag:s16], $0x2400  }
0xc4: {  	s5 =	simm.s32 $0x6;
	[sflag:s16] =	ssyncset.done $0x0;
	s30 =	rddreg [dreg:$0x1c]  }
0xc5: {  	s11 =	simm.s32 $0xA;
	[sflag:s16] =	ssyncadd.s32 $0xFFFFDC00;
	s2 =	sadd.s32 $0x24, s30  }
0xc6: {  	[tilespmem:s18], [sflag:$0xA] =	stream.indirect.gather [hbm4b:s13+s15], $0x80, s29, s15, $0xb8;
	[tilespmem:$0x1F280] =	vst v63  }
.LBB2_4:
0xc7: {  	s29 =	simm.s32 $0x2900  }
0xc8: {  	[tilespmem:s29], [sflag:$0x6] =	stream.linear.gather [hbm4b:s30+s21], $0x48, $0x38;
	[tilespmem:$0x1F280] =	vst v63  }
0xc9: {  	s14 =	smov.u32 s31;
	s3 =	simm.s32 $0x3;
	s30 =	smov.u32 s2  }
0xca: {  	p5 =	sne.s32 s31, $0x9480;
	s31 =	sadd.s32 $0x480, s31;
	_ =	swait.ge [sflag:s3], $0x48  }
0xcb: {  	[sflag:s3] =	ssyncset.done $0x0  }
0xcc: {  	[sflag:s3] =	ssyncadd.s32 $0xFFFFFFB8;
	s3 =	simm.s32 $0x7  }
0xcd: {  	_ =	swait.ge [sflag:s3], $0x2400  }
0xce: {  	[sflag:s3] =	ssyncset.done $0x0  }
0xcf: {  	s18 =	simm.s32 $0x2780;
	[sflag:s3] =	ssyncadd.s32 $0xFFFFDC00;
	s3 =	simm.s32 $0x2980  }
0xd0: {  	[spmem:s26] =	stream.indirect.scatter.add.f32 [tilespmem:s3], [sflag:$0xB], $0x80, s18, s15, $0xb8;
	[tilespmem:$0x1F280] =	vst v63  }
0xd1: {  	_ =	swait.ge [sflag:s20], $0x2400  }
0xd2: {  	s8 =	sshrl.u32 s0, $0x3;
	s14 =	sshra.s32 s14, $0x2;
	[sflag:s20] =	ssyncset.done $0x0  }
0xd3: {  	s4 =	simm.s32 $0x2980;
	s6 =	sadd.s32 $0x120, s14;
	[sflag:s20] =	ssyncadd.s32 $0xFFFFDC00  }
0xd4: {  	[tilespmem:s3], [sflag:$0x7] =	stream.indirect.gather [hbm4b:s13+s15], $0x80, s6, s15, $0xb8;
	[tilespmem:$0x1F280] =	vst v63  }
0xd5: {  	s6 =	sadd.s32 s7, s8;
	s3 =	simm.s32 $0x2780  }
0xd6: {  	[tilespmem:s18], [sflag:$0x3] =	stream.linear.gather [hbm4b:s6+s21], $0x48, $0x38;
	[tilespmem:$0x1F280] =	vst v63  }
0xd7: {  	_ =	swait.ge [sflag:s1], $0x48  }
0xd8: {  	[sflag:s1] =	ssyncset.done $0x0  }
0xd9: {  	[sflag:s1] =	ssyncadd.s32 $0xFFFFFFB8  }
0xda: {  	_ =	swait.ge [sflag:s22], $0x2400  }
0xdb: {  	[sflag:s22] =	ssyncset.done $0x0  }
0xdc: {  	s12 =	simm.s32 $0x4D80;
	s8 =	simm.s32 $0x2800;
	[sflag:s22] =	ssyncadd.s32 $0xFFFFDC00  }
0xdd: {  	[spmem:s26] =	stream.indirect.scatter.add.f32 [tilespmem:s12], [sflag:$0xC], $0x80, s8, s15, $0xb8;
	[tilespmem:$0x1F280] =	vst v63  }
0xde: {  	_ =	swait.ge [sflag:s23], $0x2400  }
0xdf: {  	[sflag:s23] =	ssyncset.done $0x0  }
0xe0: {  	s6 =	sadd.s32 $0x168, s14;
	[sflag:s23] =	ssyncadd.s32 $0xFFFFDC00  }
0xe1: {  	[tilespmem:s12], [sflag:$0x8] =	stream.indirect.gather [hbm4b:s13+s15], $0x80, s6, s15, $0xb8;
	[tilespmem:$0x1F280] =	vst v63  }
0xe2: {  	s12 =	simm.s32 $0x2800  }
0xe3: {  	[tilespmem:s8], [sflag:$0x4] =	stream.linear.gather [hbm4b:s10+s21], $0x48, $0x38;
	[tilespmem:$0x1F280] =	vst v63  }
0xe4: {  	_ =	swait.ge [sflag:s24], $0x48  }
0xe5: {  	[sflag:s24] =	ssyncset.done $0x0  }
0xe6: {  	[sflag:s24] =	ssyncadd.s32 $0xFFFFFFB8  }
0xe7: {  	_ =	swait.ge [sflag:s25], $0x2400  }
0xe8: {  	[sflag:s25] =	ssyncset.done $0x0  }
0xe9: {  	s17 =	simm.s32 $0x2880;
	s18 =	simm.s32 $0x7180;
	[sflag:s25] =	ssyncadd.s32 $0xFFFFDC00  }
0xea: {  	[spmem:s26] =	stream.indirect.scatter.add.f32 [tilespmem:s18], [sflag:$0xD], $0x80, s17, s15, $0xb8;
	[tilespmem:$0x1F280] =	vst v63  }
0xeb: {  	_ =	swait.ge [sflag:s9], $0x2400  }
0xec: {  	[sflag:s9] =	ssyncset.done $0x0  }
0xed: {  	s6 =	sadd.s32 $0x1B0, s14;
	s8 =	simm.s32 $0x7180;
	[sflag:s9] =	ssyncadd.s32 $0xFFFFDC00  }
0xee: {  	[tilespmem:s18], [sflag:$0x9] =	stream.indirect.gather [hbm4b:s13+s15], $0x80, s6, s15, $0xb8;
	[tilespmem:$0x1F280] =	vst v63  }
0xef: {  	s18 =	simm.s32 $0x2880  }
0xf0: {  	[tilespmem:s17], [sflag:$0x5] =	stream.linear.gather [hbm4b:s28+s21], $0x48, $0x38;
	[tilespmem:$0x1F280] =	vst v63  }
0xf1: {  	_ =	swait.ge [sflag:s5], $0x48  }
0xf2: {  	[sflag:s5] =	ssyncset.done $0x0  }
0xf3: {  	[sflag:s5] =	ssyncadd.s32 $0xFFFFFFB8  }
0xf4: {  	_ =	swait.ge [sflag:s11], $0x2400  }
0xf5: {  	[sflag:s11] =	ssyncset.done $0x0  }
0xf6: {  	s17 =	simm.s32 $0x9580;
	[sflag:s11] =	ssyncadd.s32 $0xFFFFDC00  }
0xf7: {  	[spmem:s26] =	stream.indirect.scatter.add.f32 [tilespmem:s17], [sflag:$0xE], $0x80, s29, s15, $0xb8;
	[tilespmem:$0x1F280] =	vst v63  }
.Ltmp1:
0xf8: {  	_ =	swait.ge [sflag:s16], $0x2400;
	(pc) =	sbr.rel @p5 .LBB2_4-.Ltmp1, $4  }
0xf9: {  	s0 =	sadd.s32 $0x120, s0;
	[sflag:s16] =	ssyncset.done $0x0  }
0xfa: {  	s6 =	sadd.s32 $0x1F8, s14;
	s14 =	simm.s32 $0x9580;
	[sflag:s16] =	ssyncadd.s32 $0xFFFFDC00  }
0xfb: {  	[tilespmem:s17], [sflag:$0xA] =	stream.indirect.gather [hbm4b:s13+s15], $0x80, s6, s15, $0xb8;
	[tilespmem:$0x1F280] =	vst v63  }
0xfc: {  	s2 =	sadd.s32 $0x24, s2;
	s10 =	sadd.s32 $0x24, s10;
	s28 =	sadd.s32 $0x24, s28  }
0xfd: {  	s2 =	simm.s32 $0x2900;
	s0 =	simm.s32 $0x3  }
0xfe: {  	[tilespmem:s2], [sflag:$0x6] =	stream.linear.gather [hbm4b:s30+s21], $0x48, $0x38;
	[tilespmem:$0x1F280] =	vst v63  }
0xff: {  	_ =	swait.ge [sflag:s0], $0x48  }
0x100: {  	[sflag:s0] =	ssyncset.done $0x0  }
0x101: {  	s9 =	simm.s32 $0x7;
	[sflag:s0] =	ssyncadd.s32 $0xFFFFFFB8  }
0x102: {  	_ =	swait.ge [sflag:s9], $0x2400  }
0x103: {  	[sflag:s9] =	ssyncset.done $0x0  }
0x104: {  	s10 =	simm.s32 $0xF;
	[sflag:s9] =	ssyncadd.s32 $0xFFFFDC00  }
0x105: {  	[spmem:s26] =	stream.indirect.scatter.add.f32 [tilespmem:s4], [sflag:$0xF], $0x80, s3, s15, $0xb8;
	[tilespmem:$0x1F280] =	vst v63  }
0x106: {  	_ =	swait.ge [sflag:s10], $0x2400  }
0x107: {  	[sflag:s10] =	ssyncset.done $0x0  }
0x108: {  	[sflag:s10] =	ssyncadd.s32 $0xFFFFDC00  }
0x109: {  	_ =	swait.ge [sflag:s1], $0x48  }
0x10a: {  	[sflag:s1] =	ssyncset.done $0x0  }
0x10b: {  	[sflag:s1] =	ssyncadd.s32 $0xFFFFFFB8  }
0x10c: {  	_ =	swait.ge [sflag:s22], $0x2400  }
0x10d: {  	[sflag:s22] =	ssyncset.done $0x0  }
0x10e: {  	[sflag:s22] =	ssyncadd.s32 $0xFFFFDC00  }
0x10f: {  	[spmem:s26] =	stream.indirect.scatter.add.f32 [tilespmem:s19], [sflag:$0xF], $0x80, s12, s15, $0xb8;
	[tilespmem:$0x1F280] =	vst v63  }
0x110: {  	_ =	swait.ge [sflag:s10], $0x2400  }
0x111: {  	[sflag:s10] =	ssyncset.done $0x0  }
0x112: {  	[sflag:s10] =	ssyncadd.s32 $0xFFFFDC00  }
0x113: {  	_ =	swait.ge [sflag:s24], $0x48  }
0x114: {  	[sflag:s24] =	ssyncset.done $0x0  }
0x115: {  	[sflag:s24] =	ssyncadd.s32 $0xFFFFFFB8  }
0x116: {  	_ =	swait.ge [sflag:s25], $0x2400  }
0x117: {  	[sflag:s25] =	ssyncset.done $0x0  }
0x118: {  	[sflag:s25] =	ssyncadd.s32 $0xFFFFDC00  }
0x119: {  	[spmem:s26] =	stream.indirect.scatter.add.f32 [tilespmem:s8], [sflag:$0xF], $0x80, s18, s15, $0xb8;
	[tilespmem:$0x1F280] =	vst v63  }
0x11a: {  	_ =	swait.ge [sflag:s10], $0x2400  }
0x11b: {  	[sflag:s10] =	ssyncset.done $0x0  }
0x11c: {  	[sflag:s10] =	ssyncadd.s32 $0xFFFFDC00  }
0x11d: {  	_ =	swait.ge [sflag:s5], $0x48  }
0x11e: {  	[sflag:s5] =	ssyncset.done $0x0  }
0x11f: {  	[sflag:s5] =	ssyncadd.s32 $0xFFFFFFB8  }
0x120: {  	_ =	swait.ge [sflag:s11], $0x2400  }
0x121: {  	[sflag:s11] =	ssyncset.done $0x0  }
0x122: {  	[sflag:s11] =	ssyncadd.s32 $0xFFFFDC00  }
0x123: {  	[spmem:s26] =	stream.indirect.scatter.add.f32 [tilespmem:s14], [sflag:$0xF], $0x80, s2, s15, $0xb8;
	[tilespmem:$0x1F280] =	vst v63  }
0x124: {  	_ =	swait.ge [sflag:s10], $0x2400  }
0x125: {  	[sflag:s10] =	ssyncset.done $0x0  }
0x126: {  	[sflag:s10] =	ssyncadd.s32 $0xFFFFDC00  }
0x127: {  	s16 =	stileid.u32;
	[bflag:$0x0] =	sbarrier.arrive $0xFFFF  }
0x128: {  	s0 =	sshll.u32 s16, $0x6;
	s8 =	rddreg [dreg:$0x11]  }
0x129: {  	s0 =	sor.u32 $0x1C02, s0;
	s6 =	rddreg [dreg:$0x4];
	s17 =	sshrl.u32 s8, $0x3  }
0x12a: {  	[hbm:s6], [sflag:s0] =	dma.local [spmem:s17], $0x480  }
0x12b: {  	s14 =	rddreg [dreg:$0x12]  }
0x12c: {  	s6 =	rddreg [dreg:$0x5];
	s18 =	sshrl.u32 s14, $0x3  }
0x12d: {  	[hbm:s6], [sflag:s0] =	dma.local [spmem:s18], $0x480  }
0x12e: {  	s28 =	rddreg [dreg:$0x13]  }
0x12f: {  	s6 =	rddreg [dreg:$0x6];
	s20 =	sshrl.u32 s28, $0x3  }
0x130: {  	[hbm:s6], [sflag:s0] =	dma.local [spmem:s20], $0x480  }
0x131: {  	s10 =	rddreg [dreg:$0x14]  }
0x132: {  	s6 =	rddreg [dreg:$0x7];
	s21 =	sshrl.u32 s10, $0x3  }
0x133: {  	[hbm:s6], [sflag:s0] =	dma.local [spmem:s21], $0x480  }
0x134: {  	s30 =	rddreg [dreg:$0x15]  }
0x135: {  	s6 =	rddreg [dreg:$0x8];
	s22 =	sshrl.u32 s30, $0x3  }
0x136: {  	[hbm:s6], [sflag:s0] =	dma.local [spmem:s22], $0x480  }
0x137: {  	s31 =	rddreg [dreg:$0x16]  }
0x138: {  	s6 =	rddreg [dreg:$0x9];
	s23 =	sshrl.u32 s31, $0x3  }
0x139: {  	[hbm:s6], [sflag:s0] =	dma.local [spmem:s23], $0x480  }
0x13a: {  	s2 =	rddreg [dreg:$0x17]  }
0x13b: {  	s6 =	rddreg [dreg:$0xa];
	s2 =	sshrl.u32 s2, $0x3  }
0x13c: {  	[hbm:s6], [sflag:s0] =	dma.local [spmem:s2], $0x480  }
0x13d: {  	s2 =	rddreg [dreg:$0x18]  }
0x13e: {  	s6 =	rddreg [dreg:$0xb];
	s2 =	sshrl.u32 s2, $0x3  }
0x13f: {  	[hbm:s6], [sflag:s0] =	dma.local [spmem:s2], $0x480  }
0x140: {  	s2 =	rddreg [dreg:$0x19]  }
0x141: {  	s6 =	rddreg [dreg:$0xc];
	s2 =	sshrl.u32 @!p2 s2, $0x3  }
0x142: {  	[hbm:s6], [sflag:s0] =	dma.local @!p2 [spmem:s2], $0x480  }
0x143: {  	s2 =	sld [smem:$0x7FD];
	_ =	sdelay $0x2  }
0x144: {  	s18 =	simm.s32 $0x2;
	s6 =	rddreg [dreg:$0x1a];
	s2 =	sshrl.u32 @p4 s2, $0x3  }
0x145: {  	[hbm:s6], [sflag:s0] =	dma.local @p4 [spmem:s2], $0x400  }
0x146: {  	_ =	swait.ge [sflag:s18], $0x480  }
0x147: {  	[sflag:s18] =	ssyncset.done $0x0  }
0x148: {  	[sflag:s18] =	ssyncadd.s32 $0xFFFFFB80  }
0x149: {  	_ =	swait.ge [sflag:s18], $0x480  }
0x14a: {  	[sflag:s18] =	ssyncset.done $0x0  }
0x14b: {  	[sflag:s18] =	ssyncadd.s32 $0xFFFFFB80  }
0x14c: {  	_ =	swait.ge [sflag:s18], $0x480  }
0x14d: {  	[sflag:s18] =	ssyncset.done $0x0  }
0x14e: {  	[sflag:s18] =	ssyncadd.s32 $0xFFFFFB80  }
0x14f: {  	_ =	swait.ge [sflag:s18], $0x480  }
0x150: {  	[sflag:s18] =	ssyncset.done $0x0  }
0x151: {  	[sflag:s18] =	ssyncadd.s32 $0xFFFFFB80  }
0x152: {  	_ =	swait.ge [sflag:s18], $0x480  }
0x153: {  	[sflag:s18] =	ssyncset.done $0x0  }
0x154: {  	[sflag:s18] =	ssyncadd.s32 $0xFFFFFB80  }
0x155: {  	_ =	swait.ge [sflag:s18], $0x480  }
0x156: {  	[sflag:s18] =	ssyncset.done $0x0  }
0x157: {  	[sflag:s18] =	ssyncadd.s32 $0xFFFFFB80  }
0x158: {  	_ =	swait.ge [sflag:s18], $0x480  }
0x159: {  	[sflag:s18] =	ssyncset.done $0x0  }
0x15a: {  	[sflag:s18] =	ssyncadd.s32 $0xFFFFFB80  }
0x15b: {  	_ =	swait.ge [sflag:s18], $0x480  }
0x15c: {  	[sflag:s18] =	ssyncset.done $0x0  }
0x15d: {  	s0 =	simm.s32 @!p2 $0x2;
	[sflag:s18] =	ssyncadd.s32 $0xFFFFFB80  }
0x15e: {  	_ =	swait.ge @!p2 [sflag:s0], $0x480  }
0x15f: {  	[sflag:s0] =	ssyncset.done @!p2 $0x0  }
0x160: {  	[sflag:s0] =	ssyncadd.s32 @!p2 $0xFFFFFB80;
	s0 =	simm.s32 @p4 $0x2  }
0x161: {  	_ =	swait.ge @p4 [sflag:s0], $0x400  }
0x162: {  	s24 =	sld [smem:$0x7FA];
	_ =	sdelay $0x1  }
0x163: {  	s29 =	simm.s32 $0x0  }
0x164: {  	s16 =	simm.s32 $0x4D80;
	s25 =	rddreg [dreg:$0x1b];
	s1 =	sadd.s32 $0x1, s24  }
0x165: {  	s9 =	simm.s32 $0x2900;
	s3 =	simm.s32 $0x7180;
	p5 =	sne.s32 s1, s25  }
.Ltmp2:
0x166: {  	s4 =	simm.s32 $0x9580;
	s5 =	simm.s32 $0x6;
	(pc) =	sbr.rel @p5 .LBB2_1-.Ltmp2, $4  }
0x167: {  	s11 =	simm.s32 $0xA;
	s17 =	simm.s32 $0x2880;
	s20 =	simm.s32 $0xB  }
0x168: {  	s21 =	simm.s32 $0x8;
	s22 =	simm.s32 $0xC;
	s23 =	simm.s32 $0x5  }
0x169: {  	s2 =	simm.s32 $0x2780;
	s6 =	simm.s32 $0x2800;
	[sflag:s0] =	ssyncset.done @p4 $0x0  }
0x16a: {  	[sflag:s0] =	ssyncadd.s32 @p4 $0xFFFFFC00;
	s24 =	simm.s32 $0x9;
	s25 =	simm.s32 $0xD  }
0x16b: {  	_ =	sfence.sel $0x180000  }
0x16c: {  	[bflag:$0x0] =	sbarrier.arrive $0xFFFF  }
0x16d: {  	_ =	strace $0x9000004A  }
0x16e: {  	s0 =	stileid.u32;
	[bflag:$0x2] =	sbarrier.arrive $0xFFFF  }
0x16f: {  	p0 =	sne.s32 s0, $0x0;
	s0 =	rddreg [dreg:$0x3]  }
0x170: {  	s0 =	sadd.s32 @!p0 $0x100000, s0  }
0x171: {  	[sflag:s0] =	ssyncadd.tile.s32 @!p0 $0x1;
	_ =	shalt  }
.Lfunc_end2:
_tile_overlayer_lowered:
.L_overlay_start_2:
0x172: {  	(tag) =	ssettag $0x2  }
0x173: {  	s0 =	rddreg [dreg:$0x0];
	s2 =	stileid.u32  }
0x174: {  	s1 =	rddreg [dreg:$0x1];
	p0 =	sne.s32 s2, $0x0  }
0x175: {  	s3 =	rddreg [dreg:$0x2];
	[bflag:$0x3] =	sbarrier.arrive $0xFFFF;
	s2 =	simm.s32 @!p0 $0x1C0F  }
0x176: {  	[timem:s3], [sflag:s2] =	dma.local @!p0 [hbm:s0], s1  }
0x177: {  	s0 =	simm.s32 @!p0 $0xF  }
0x178: {  	_ =	swait.ge @!p0 [sflag:s0], s1  }
0x179: {  	s1 =	ssub.s32 @!p0 $0x0, s1;
	[sflag:s0] =	ssyncset.done @!p0 $0x0  }
0x17a: {  	[sflag:s0] =	ssyncadd.s32 @!p0 s1  }
0x17b: {  	[bflag:$0x3] =	sbarrier.arrive $0xFFFF  }
0x17c: {  	_ =	shalt  }

</sc_bundles>
